<compile_context>
chip_gen: v7x
topology: tpu7x:2x2x1
jax: 0.10.2.dev20260603
libtpu: 0.0.44.dev20260713+nightly
codegen_flags: <defaults>
</compile_context>

<pallas_src>
import functools

import jax
import jax.numpy as jnp
from jax import lax
from jax.experimental import pallas as pl
from jax.experimental.pallas import tpu as pltpu
from jax.experimental.pallas import tpu_sc as plsc

_EPS = 1e-5

_NC = 2
_NS = 16
_NW = _NC * _NS

_K = 80
_ZR = 40
_NB = 4
_WR = 200
_NSR = 8


def _sc_aggregate(feature, edges3):
    n, d = feature.shape
    _, nchunk, _ = edges3.shape
    nrch = n // _ZR
    nrch_per_tile = (nrch + _NS - 1) // _NS
    nwch = n // _WR
    nwch_per_tile = (nwch + _NS - 1) // _NS

    mesh = plsc.VectorSubcoreMesh(core_axis_name="c", subcore_axis_name="s")

    @functools.partial(
        pl.kernel,
        out_type=jax.ShapeDtypeStruct((_NC * n, d), jnp.float32),
        mesh=mesh,
        scratch_types=[
            pltpu.VMEM((_NSR, _K), jnp.int32),
            pltpu.VMEM((_NB, _K), jnp.int32),
            pltpu.VMEM((_NB, _K, d), jnp.float32),
            pltpu.VMEM((_ZR, d), jnp.float32),
            pltpu.VMEM_SHARED((n, d), jnp.float32),
            pltpu.SemaphoreType.DMA,
            [pltpu.SemaphoreType.DMA] * _NSR,
            [pltpu.SemaphoreType.DMA] * _NB,
            [pltpu.SemaphoreType.DMA] * _NB,
        ],
    )
    def sc_kernel(feat_hbm, edge_hbm, out_hbm,
                  sstage, dstage, rows, zbuf, acc, semz, ssems, gsems, dsems):
        cid = lax.axis_index("c")
        sid = lax.axis_index("s")
        wid = cid * _NS + sid

        def sfetch(c, q):
            pltpu.async_copy(edge_hbm.at[wid, c], sstage.at[q], ssems[q])

        def sfetch_wait(c, q):
            pltpu.make_async_copy(edge_hbm.at[wid, c], sstage.at[q],
                                  ssems[q]).wait()

        def gather(c, r, q):
            pltpu.async_copy(feat_hbm.at[sstage.at[q]], rows.at[r], gsems[r])

        def gather_wait(c, r, q):
            pltpu.make_async_copy(feat_hbm.at[sstage.at[q]], rows.at[r],
                                  gsems[r]).wait()

        def dfetch(c, r):
            pltpu.async_copy(edge_hbm.at[_NW + wid, c], dstage.at[r], dsems[r])

        def dfetch_wait(c, r):
            pltpu.make_async_copy(edge_hbm.at[_NW + wid, c], dstage.at[r],
                                  dsems[r]).wait()

        for q in range(_NSR - 1):
            sfetch(q, q)
        for r in range(_NB - 1):
            sfetch_wait(r, r)
            gather(r, r, r)
            dfetch(r, r)

        def zfill(i, carry):
            for j in range(d // 16):
                zbuf[i, pl.ds(j * 16, 16)] = jnp.zeros((16,), jnp.float32)
            return carry
        lax.fori_loop(0, _ZR, zfill, 0)

        zsrc = zbuf

        def zero_chunk(t, carry):
            ch = sid + t * _NS

            @pl.when(ch < nrch)
            def _():
                pltpu.async_copy(zsrc, acc.at[pl.ds(ch * _ZR, _ZR)], semz)
            return carry
        lax.fori_loop(0, nrch_per_tile, zero_chunk, 0)

        def zero_drain(t, carry):
            ch = sid + t * _NS

            @pl.when(ch < nrch)
            def _():
                pltpu.make_async_copy(zsrc, acc.at[pl.ds(ch * _ZR, _ZR)],
                                      semz).wait()
            return carry
        lax.fori_loop(0, nrch_per_tile, zero_drain, 0)

        plsc.subcore_barrier()

        def body(c, carry):
            for q in range(_NSR):
                r = q % _NB

                @pl.when(c % _NSR == q)
                def _():
                    gather_wait(c, r, q)

                    @pl.when(c + _NB - 1 < nchunk)
                    def _():
                        sfetch_wait(c + _NB - 1, (q + _NB - 1) % _NSR)
                        gather(c + _NB - 1, (r + _NB - 1) % _NB,
                               (q + _NB - 1) % _NSR)
                        dfetch(c + _NB - 1, (r + _NB - 1) % _NB)

                    @pl.when(c + _NSR - 1 < nchunk)
                    def _():
                        sfetch(c + _NSR - 1, (q + _NSR - 1) % _NSR)
                    dfetch_wait(c, r)
                    pltpu.sync_copy(rows.at[r], acc.at[dstage.at[r]], add=True)
            return carry
        lax.fori_loop(0, nchunk, body, 0)
        plsc.subcore_barrier()

        def write_chunk(t, carry):
            ch = sid + t * _NS

            @pl.when(ch < nwch)
            def _():
                pltpu.async_copy(acc.at[pl.ds(ch * _WR, _WR)],
                                 out_hbm.at[pl.ds(cid * n + ch * _WR, _WR)],
                                 semz)
            return carry
        lax.fori_loop(0, nwch_per_tile, write_chunk, 0)

        def write_drain(t, carry):
            ch = sid + t * _NS

            @pl.when(ch < nwch)
            def _():
                pltpu.make_async_copy(
                    acc.at[pl.ds(ch * _WR, _WR)],
                    out_hbm.at[pl.ds(cid * n + ch * _WR, _WR)], semz).wait()
            return carry
        lax.fori_loop(0, nwch_per_tile, write_drain, 0)

    return sc_kernel(feature, edges3)


def _tc_finish(p3, W, b2, g2, be2):
    _, n, d = p3.shape
    br = 5000
    grid = (n // br,)

    def tc_kernel(p_ref, w_ref, b_ref, g_ref, be_ref, o_ref):
        agg = p_ref[0] + p_ref[1]
        h = lax.dot_general(agg, w_ref[...], (((1,), (1,)), ((), ())),
                            preferred_element_type=jnp.float32)
        h = h + b_ref[...]
        mean = jnp.mean(h, axis=1, keepdims=True)
        cent = h - mean
        var = jnp.mean(cent * cent, axis=1, keepdims=True)
        o_ref[...] = cent * lax.rsqrt(var + _EPS) * g_ref[...] + be_ref[...]

    return pl.pallas_call(
        tc_kernel,
        grid=grid,
        in_specs=[
            pl.BlockSpec((2, br, d), lambda i: (0, i, 0)),
            pl.BlockSpec((d, d), lambda i: (0, 0)),
            pl.BlockSpec((1, d), lambda i: (0, 0)),
            pl.BlockSpec((1, d), lambda i: (0, 0)),
            pl.BlockSpec((1, d), lambda i: (0, 0)),
        ],
        out_specs=pl.BlockSpec((br, d), lambda i: (i, 0)),
        out_shape=jax.ShapeDtypeStruct((n, d), jnp.float32),
    )(p3, W, b2, g2, be2)


def kernel(feature, edge_index, W, b, gamma, beta):
    n, d = feature.shape
    e = edge_index.shape[1]
    ept = e // _NW
    nchunk = ept // _K
    partials = _sc_aggregate(feature,
                             edge_index.reshape(2 * _NW, nchunk, _K))
    return _tc_finish(partials.reshape(_NC, n, d), W,
                      b.reshape(1, d), gamma.reshape(1, d), beta.reshape(1, d))

# --- scband reference (transcript-rebuilt; emitter-appended) ---
"""Pipeline reference for scband-gcnlayer-22041772163379 (READ-ONLY COPY).

The authoritative reference and input builder live on the scoring server;
editing this copy changes nothing except your own understanding.
"""

import jax, jax.numpy as jnp
import numpy as np

N = 10000
E = 320000
D_IN = 128
D_OUT = 128
EPS = 1e-5


def setup_inputs(seed: int = 0) -> dict:
    key = jax.random.key(seed)
    k1, k2, k3, k4 = jax.random.split(key, 4)
    feature = jax.random.normal(k1, (N, D_IN), dtype=jnp.float32)
    edge_index = jax.random.randint(k2, (2, E), 0, N, dtype=jnp.int32)
    # nn.Linear(in_feats, out_feats): weight [out, in], bias [out]
    bound = 1.0 / np.sqrt(D_IN)
    W = jax.random.uniform(k3, (D_OUT, D_IN), dtype=jnp.float32, minval=-bound, maxval=bound)
    b = jax.random.uniform(k4, (D_OUT,), dtype=jnp.float32, minval=-bound, maxval=bound)
    # nn.LayerNorm(out_feats)
    gamma = jnp.ones((D_OUT,), dtype=jnp.float32)
    beta = jnp.zeros((D_OUT,), dtype=jnp.float32)
    return {"feature": feature, "edge_index": edge_index, "W": W, "b": b, "gamma": gamma, "beta": beta}


def reference(feature, edge_index, W, b, gamma, beta):
    src = edge_index[0]
    dst = edge_index[1]
    # gcn_msg = copy_u('h','m'); gcn_reduce = sum('m','agg_h')
    msg = jnp.take(feature, src, axis=0)
    agg_h = jax.ops.segment_sum(msg, dst, num_segments=N)
    # linear
    h = agg_h @ W.T + b
    # layernorm
    mean = jnp.mean(h, axis=-1, keepdims=True)
    var = jnp.mean((h - mean) ** 2, axis=-1, keepdims=True)
    out = (h - mean) / jnp.sqrt(var + EPS) * gamma + beta
    return out

if __name__ == "__main__":
    import jax
    _d = setup_inputs()
    print(jax.jit(kernel)(*tuple(_d.values())))

</pallas_src>

<mosaic_0001>
#map = affine_map<(d0, d1) -> (0, 0)>
#map1 = affine_map<(d0, d1) -> (0, 0, 0)>
module attributes {stable_mosaic.version = 14 : i64} {
  func.func @sc_kernel(%arg0: i32, %arg1: i32, %arg2: memref<10000x128xf32, #tpu.memory_space<hbm>>, %arg3: memref<64x125x80xi32, #tpu.memory_space<hbm>>, %arg4: memref<20000x128xf32, #tpu.memory_space<hbm>>, %arg5: memref<8x80xi32, #tpu.memory_space<vmem>>, %arg6: memref<4x80xi32, #tpu.memory_space<vmem>>, %arg7: memref<4x80x128xf32, #tpu.memory_space<vmem>>, %arg8: memref<40x128xf32, #tpu.memory_space<vmem>>, %arg9: memref<10000x128xf32, #tpu.memory_space<vmem_shared>>, %arg10: memref<!tpu.dma_semaphore, #tpu.memory_space<semaphore_mem>>, %arg11: memref<!tpu.dma_semaphore, #tpu.memory_space<semaphore_mem>>, %arg12: memref<!tpu.dma_semaphore, #tpu.memory_space<semaphore_mem>>, %arg13: memref<!tpu.dma_semaphore, #tpu.memory_space<semaphore_mem>>, %arg14: memref<!tpu.dma_semaphore, #tpu.memory_space<semaphore_mem>>, %arg15: memref<!tpu.dma_semaphore, #tpu.memory_space<semaphore_mem>>, %arg16: memref<!tpu.dma_semaphore, #tpu.memory_space<semaphore_mem>>, %arg17: memref<!tpu.dma_semaphore, #tpu.memory_space<semaphore_mem>>, %arg18: memref<!tpu.dma_semaphore, #tpu.memory_space<semaphore_mem>>, %arg19: memref<!tpu.dma_semaphore, #tpu.memory_space<semaphore_mem>>, %arg20: memref<!tpu.dma_semaphore, #tpu.memory_space<semaphore_mem>>, %arg21: memref<!tpu.dma_semaphore, #tpu.memory_space<semaphore_mem>>, %arg22: memref<!tpu.dma_semaphore, #tpu.memory_space<semaphore_mem>>, %arg23: memref<!tpu.dma_semaphore, #tpu.memory_space<semaphore_mem>>, %arg24: memref<!tpu.dma_semaphore, #tpu.memory_space<semaphore_mem>>, %arg25: memref<!tpu.dma_semaphore, #tpu.memory_space<semaphore_mem>>, %arg26: memref<!tpu.dma_semaphore, #tpu.memory_space<semaphore_mem>>) attributes {dimension_semantics = [#tpu.dimension_semantics<core_parallel>, #tpu.dimension_semantics<subcore_parallel>], iteration_bounds = array<i64: 2, 16>, scalar_prefetch = 0 : i64, scratch_operands = 22 : i64, tpu.core_type = #tpu.core_type<sc_vector_subcore>, window_params = [{transform_indices = #map}, {transform_indices = #map1}, {transform_indices = #map}]} {
    %mul3A = arith.constant 16 : i32
    %mul3A_0 = arith.muli %arg0, %mul3A : i32
    %add3A = arith.addi %mul3A_0, %arg1 : i32
    %dma_start3A = arith.constant 0 : i32
    %dma_start3A_1 = arith.constant 0 : i32
    %dma_start3A_2 = arith.constant 0 : i32
    %dma_start3A_3 = tpu.memref_slice %arg5[%dma_start3A_1, %dma_start3A_2] : memref<8x80xi32, #tpu.memory_space<vmem>> -> memref<1x80xi32, #tpu.memory_space<vmem>>
    %dma_start3A_4 = tpu.memref_squeeze %dma_start3A_3 : memref<1x80xi32, #tpu.memory_space<vmem>> -> memref<80xi32, #tpu.memory_space<vmem>>
    %dma_start3A_5 = arith.constant 0 : i32
    %dma_start3A_6 = tpu.memref_slice %arg3[%add3A, %dma_start3A, %dma_start3A_5] : memref<64x125x80xi32, #tpu.memory_space<hbm>> -> memref<1x1x80xi32, #tpu.memory_space<hbm>>
    %dma_start3A_7 = tpu.memref_squeeze %dma_start3A_6 : memref<1x1x80xi32, #tpu.memory_space<hbm>> -> memref<80xi32, #tpu.memory_space<hbm>>
    %dma_start3A_8 = arith.constant 0 : i32
    %dma_start3A_9 = tpu.memref_slice %arg5[%dma_start3A_1, %dma_start3A_8] : memref<8x80xi32, #tpu.memory_space<vmem>> -> memref<1x80xi32, #tpu.memory_space<vmem>>
    %dma_start3A_10 = tpu.memref_squeeze %dma_start3A_9 : memref<1x80xi32, #tpu.memory_space<vmem>> -> memref<80xi32, #tpu.memory_space<vmem>>
    %dma_start3A_11 = arith.constant 0 : i32
    %dma_start3A_12 = tpu.memref_slice %arg3[%add3A, %dma_start3A, %dma_start3A_11] : memref<64x125x80xi32, #tpu.memory_space<hbm>> -> memref<1x1x80xi32, #tpu.memory_space<hbm>>
    %dma_start3A_13 = tpu.memref_squeeze %dma_start3A_12 : memref<1x1x80xi32, #tpu.memory_space<hbm>> -> memref<80xi32, #tpu.memory_space<hbm>>
    tpu.enqueue_dma source(%dma_start3A_13 : memref<80xi32, #tpu.memory_space<hbm>>) target(%dma_start3A_10 : memref<80xi32, #tpu.memory_space<vmem>>) target_semaphore(%arg11 : memref<!tpu.dma_semaphore, #tpu.memory_space<semaphore_mem>>)
    %dma_start3A_14 = arith.constant 1 : i32
    %dma_start3A_15 = arith.constant 1 : i32
    %dma_start3A_16 = arith.constant 0 : i32
    %dma_start3A_17 = tpu.memref_slice %arg5[%dma_start3A_15, %dma_start3A_16] : memref<8x80xi32, #tpu.memory_space<vmem>> -> memref<1x80xi32, #tpu.memory_space<vmem>>
    %dma_start3A_18 = tpu.memref_squeeze %dma_start3A_17 : memref<1x80xi32, #tpu.memory_space<vmem>> -> memref<80xi32, #tpu.memory_space<vmem>>
    %dma_start3A_19 = arith.constant 0 : i32
    %dma_start3A_20 = tpu.memref_slice %arg3[%add3A, %dma_start3A_14, %dma_start3A_19] : memref<64x125x80xi32, #tpu.memory_space<hbm>> -> memref<1x1x80xi32, #tpu.memory_space<hbm>>
    %dma_start3A_21 = tpu.memref_squeeze %dma_start3A_20 : memref<1x1x80xi32, #tpu.memory_space<hbm>> -> memref<80xi32, #tpu.memory_space<hbm>>
    %dma_start3A_22 = arith.constant 0 : i32
    %dma_start3A_23 = tpu.memref_slice %arg5[%dma_start3A_15, %dma_start3A_22] : memref<8x80xi32, #tpu.memory_space<vmem>> -> memref<1x80xi32, #tpu.memory_space<vmem>>
    %dma_start3A_24 = tpu.memref_squeeze %dma_start3A_23 : memref<1x80xi32, #tpu.memory_space<vmem>> -> memref<80xi32, #tpu.memory_space<vmem>>
    %dma_start3A_25 = arith.constant 0 : i32
    %dma_start3A_26 = tpu.memref_slice %arg3[%add3A, %dma_start3A_14, %dma_start3A_25] : memref<64x125x80xi32, #tpu.memory_space<hbm>> -> memref<1x1x80xi32, #tpu.memory_space<hbm>>
    %dma_start3A_27 = tpu.memref_squeeze %dma_start3A_26 : memref<1x1x80xi32, #tpu.memory_space<hbm>> -> memref<80xi32, #tpu.memory_space<hbm>>
    tpu.enqueue_dma source(%dma_start3A_27 : memref<80xi32, #tpu.memory_space<hbm>>) target(%dma_start3A_24 : memref<80xi32, #tpu.memory_space<vmem>>) target_semaphore(%arg12 : memref<!tpu.dma_semaphore, #tpu.memory_space<semaphore_mem>>)
    %dma_start3A_28 = arith.constant 2 : i32
    %dma_start3A_29 = arith.constant 2 : i32
    %dma_start3A_30 = arith.constant 0 : i32
    %dma_start3A_31 = tpu.memref_slice %arg5[%dma_start3A_29, %dma_start3A_30] : memref<8x80xi32, #tpu.memory_space<vmem>> -> memref<1x80xi32, #tpu.memory_space<vmem>>
    %dma_start3A_32 = tpu.memref_squeeze %dma_start3A_31 : memref<1x80xi32, #tpu.memory_space<vmem>> -> memref<80xi32, #tpu.memory_space<vmem>>
    %dma_start3A_33 = arith.constant 0 : i32
    %dma_start3A_34 = tpu.memref_slice %arg3[%add3A, %dma_start3A_28, %dma_start3A_33] : memref<64x125x80xi32, #tpu.memory_space<hbm>> -> memref<1x1x80xi32, #tpu.memory_space<hbm>>
    %dma_start3A_35 = tpu.memref_squeeze %dma_start3A_34 : memref<1x1x80xi32, #tpu.memory_space<hbm>> -> memref<80xi32, #tpu.memory_space<hbm>>
    %dma_start3A_36 = arith.constant 0 : i32
    %dma_start3A_37 = tpu.memref_slice %arg5[%dma_start3A_29, %dma_start3A_36] : memref<8x80xi32, #tpu.memory_space<vmem>> -> memref<1x80xi32, #tpu.memory_space<vmem>>
    %dma_start3A_38 = tpu.memref_squeeze %dma_start3A_37 : memref<1x80xi32, #tpu.memory_space<vmem>> -> memref<80xi32, #tpu.memory_space<vmem>>
    %dma_start3A_39 = arith.constant 0 : i32
    %dma_start3A_40 = tpu.memref_slice %arg3[%add3A, %dma_start3A_28, %dma_start3A_39] : memref<64x125x80xi32, #tpu.memory_space<hbm>> -> memref<1x1x80xi32, #tpu.memory_space<hbm>>
    %dma_start3A_41 = tpu.memref_squeeze %dma_start3A_40 : memref<1x1x80xi32, #tpu.memory_space<hbm>> -> memref<80xi32, #tpu.memory_space<hbm>>
    tpu.enqueue_dma source(%dma_start3A_41 : memref<80xi32, #tpu.memory_space<hbm>>) target(%dma_start3A_38 : memref<80xi32, #tpu.memory_space<vmem>>) target_semaphore(%arg13 : memref<!tpu.dma_semaphore, #tpu.memory_space<semaphore_mem>>)
    %dma_start3A_42 = arith.constant 3 : i32
    %dma_start3A_43 = arith.constant 3 : i32
    %dma_start3A_44 = arith.constant 0 : i32
    %dma_start3A_45 = tpu.memref_slice %arg5[%dma_start3A_43, %dma_start3A_44] : memref<8x80xi32, #tpu.memory_space<vmem>> -> memref<1x80xi32, #tpu.memory_space<vmem>>
    %dma_start3A_46 = tpu.memref_squeeze %dma_start3A_45 : memref<1x80xi32, #tpu.memory_space<vmem>> -> memref<80xi32, #tpu.memory_space<vmem>>
    %dma_start3A_47 = arith.constant 0 : i32
    %dma_start3A_48 = tpu.memref_slice %arg3[%add3A, %dma_start3A_42, %dma_start3A_47] : memref<64x125x80xi32, #tpu.memory_space<hbm>> -> memref<1x1x80xi32, #tpu.memory_space<hbm>>
    %dma_start3A_49 = tpu.memref_squeeze %dma_start3A_48 : memref<1x1x80xi32, #tpu.memory_space<hbm>> -> memref<80xi32, #tpu.memory_space<hbm>>
    %dma_start3A_50 = arith.constant 0 : i32
    %dma_start3A_51 = tpu.memref_slice %arg5[%dma_start3A_43, %dma_start3A_50] : memref<8x80xi32, #tpu.memory_space<vmem>> -> memref<1x80xi32, #tpu.memory_space<vmem>>
    %dma_start3A_52 = tpu.memref_squeeze %dma_start3A_51 : memref<1x80xi32, #tpu.memory_space<vmem>> -> memref<80xi32, #tpu.memory_space<vmem>>
    %dma_start3A_53 = arith.constant 0 : i32
    %dma_start3A_54 = tpu.memref_slice %arg3[%add3A, %dma_start3A_42, %dma_start3A_53] : memref<64x125x80xi32, #tpu.memory_space<hbm>> -> memref<1x1x80xi32, #tpu.memory_space<hbm>>
    %dma_start3A_55 = tpu.memref_squeeze %dma_start3A_54 : memref<1x1x80xi32, #tpu.memory_space<hbm>> -> memref<80xi32, #tpu.memory_space<hbm>>
    tpu.enqueue_dma source(%dma_start3A_55 : memref<80xi32, #tpu.memory_space<hbm>>) target(%dma_start3A_52 : memref<80xi32, #tpu.memory_space<vmem>>) target_semaphore(%arg14 : memref<!tpu.dma_semaphore, #tpu.memory_space<semaphore_mem>>)
    %dma_start3A_56 = arith.constant 4 : i32
    %dma_start3A_57 = arith.constant 4 : i32
    %dma_start3A_58 = arith.constant 0 : i32
    %dma_start3A_59 = tpu.memref_slice %arg5[%dma_start3A_57, %dma_start3A_58] : memref<8x80xi32, #tpu.memory_space<vmem>> -> memref<1x80xi32, #tpu.memory_space<vmem>>
    %dma_start3A_60 = tpu.memref_squeeze %dma_start3A_59 : memref<1x80xi32, #tpu.memory_space<vmem>> -> memref<80xi32, #tpu.memory_space<vmem>>
    %dma_start3A_61 = arith.constant 0 : i32
    %dma_start3A_62 = tpu.memref_slice %arg3[%add3A, %dma_start3A_56, %dma_start3A_61] : memref<64x125x80xi32, #tpu.memory_space<hbm>> -> memref<1x1x80xi32, #tpu.memory_space<hbm>>
    %dma_start3A_63 = tpu.memref_squeeze %dma_start3A_62 : memref<1x1x80xi32, #tpu.memory_space<hbm>> -> memref<80xi32, #tpu.memory_space<hbm>>
    %dma_start3A_64 = arith.constant 0 : i32
    %dma_start3A_65 = tpu.memref_slice %arg5[%dma_start3A_57, %dma_start3A_64] : memref<8x80xi32, #tpu.memory_space<vmem>> -> memref<1x80xi32, #tpu.memory_space<vmem>>
    %dma_start3A_66 = tpu.memref_squeeze %dma_start3A_65 : memref<1x80xi32, #tpu.memory_space<vmem>> -> memref<80xi32, #tpu.memory_space<vmem>>
    %dma_start3A_67 = arith.constant 0 : i32
    %dma_start3A_68 = tpu.memref_slice %arg3[%add3A, %dma_start3A_56, %dma_start3A_67] : memref<64x125x80xi32, #tpu.memory_space<hbm>> -> memref<1x1x80xi32, #tpu.memory_space<hbm>>
    %dma_start3A_69 = tpu.memref_squeeze %dma_start3A_68 : memref<1x1x80xi32, #tpu.memory_space<hbm>> -> memref<80xi32, #tpu.memory_space<hbm>>
    tpu.enqueue_dma source(%dma_start3A_69 : memref<80xi32, #tpu.memory_space<hbm>>) target(%dma_start3A_66 : memref<80xi32, #tpu.memory_space<vmem>>) target_semaphore(%arg15 : memref<!tpu.dma_semaphore, #tpu.memory_space<semaphore_mem>>)
    %dma_start3A_70 = arith.constant 5 : i32
    %dma_start3A_71 = arith.constant 5 : i32
    %dma_start3A_72 = arith.constant 0 : i32
    %dma_start3A_73 = tpu.memref_slice %arg5[%dma_start3A_71, %dma_start3A_72] : memref<8x80xi32, #tpu.memory_space<vmem>> -> memref<1x80xi32, #tpu.memory_space<vmem>>
    %dma_start3A_74 = tpu.memref_squeeze %dma_start3A_73 : memref<1x80xi32, #tpu.memory_space<vmem>> -> memref<80xi32, #tpu.memory_space<vmem>>
    %dma_start3A_75 = arith.constant 0 : i32
    %dma_start3A_76 = tpu.memref_slice %arg3[%add3A, %dma_start3A_70, %dma_start3A_75] : memref<64x125x80xi32, #tpu.memory_space<hbm>> -> memref<1x1x80xi32, #tpu.memory_space<hbm>>
    %dma_start3A_77 = tpu.memref_squeeze %dma_start3A_76 : memref<1x1x80xi32, #tpu.memory_space<hbm>> -> memref<80xi32, #tpu.memory_space<hbm>>
    %dma_start3A_78 = arith.constant 0 : i32
    %dma_start3A_79 = tpu.memref_slice %arg5[%dma_start3A_71, %dma_start3A_78] : memref<8x80xi32, #tpu.memory_space<vmem>> -> memref<1x80xi32, #tpu.memory_space<vmem>>
    %dma_start3A_80 = tpu.memref_squeeze %dma_start3A_79 : memref<1x80xi32, #tpu.memory_space<vmem>> -> memref<80xi32, #tpu.memory_space<vmem>>
    %dma_start3A_81 = arith.constant 0 : i32
    %dma_start3A_82 = tpu.memref_slice %arg3[%add3A, %dma_start3A_70, %dma_start3A_81] : memref<64x125x80xi32, #tpu.memory_space<hbm>> -> memref<1x1x80xi32, #tpu.memory_space<hbm>>
    %dma_start3A_83 = tpu.memref_squeeze %dma_start3A_82 : memref<1x1x80xi32, #tpu.memory_space<hbm>> -> memref<80xi32, #tpu.memory_space<hbm>>
    tpu.enqueue_dma source(%dma_start3A_83 : memref<80xi32, #tpu.memory_space<hbm>>) target(%dma_start3A_80 : memref<80xi32, #tpu.memory_space<vmem>>) target_semaphore(%arg16 : memref<!tpu.dma_semaphore, #tpu.memory_space<semaphore_mem>>)
    %dma_start3A_84 = arith.constant 6 : i32
    %dma_start3A_85 = arith.constant 6 : i32
    %dma_start3A_86 = arith.constant 0 : i32
    %dma_start3A_87 = tpu.memref_slice %arg5[%dma_start3A_85, %dma_start3A_86] : memref<8x80xi32, #tpu.memory_space<vmem>> -> memref<1x80xi32, #tpu.memory_space<vmem>>
    %dma_start3A_88 = tpu.memref_squeeze %dma_start3A_87 : memref<1x80xi32, #tpu.memory_space<vmem>> -> memref<80xi32, #tpu.memory_space<vmem>>
    %dma_start3A_89 = arith.constant 0 : i32
    %dma_start3A_90 = tpu.memref_slice %arg3[%add3A, %dma_start3A_84, %dma_start3A_89] : memref<64x125x80xi32, #tpu.memory_space<hbm>> -> memref<1x1x80xi32, #tpu.memory_space<hbm>>
    %dma_start3A_91 = tpu.memref_squeeze %dma_start3A_90 : memref<1x1x80xi32, #tpu.memory_space<hbm>> -> memref<80xi32, #tpu.memory_space<hbm>>
    %dma_start3A_92 = arith.constant 0 : i32
    %dma_start3A_93 = tpu.memref_slice %arg5[%dma_start3A_85, %dma_start3A_92] : memref<8x80xi32, #tpu.memory_space<vmem>> -> memref<1x80xi32, #tpu.memory_space<vmem>>
    %dma_start3A_94 = tpu.memref_squeeze %dma_start3A_93 : memref<1x80xi32, #tpu.memory_space<vmem>> -> memref<80xi32, #tpu.memory_space<vmem>>
    %dma_start3A_95 = arith.constant 0 : i32
    %dma_start3A_96 = tpu.memref_slice %arg3[%add3A, %dma_start3A_84, %dma_start3A_95] : memref<64x125x80xi32, #tpu.memory_space<hbm>> -> memref<1x1x80xi32, #tpu.memory_space<hbm>>
    %dma_start3A_97 = tpu.memref_squeeze %dma_start3A_96 : memref<1x1x80xi32, #tpu.memory_space<hbm>> -> memref<80xi32, #tpu.memory_space<hbm>>
    tpu.enqueue_dma source(%dma_start3A_97 : memref<80xi32, #tpu.memory_space<hbm>>) target(%dma_start3A_94 : memref<80xi32, #tpu.memory_space<vmem>>) target_semaphore(%arg17 : memref<!tpu.dma_semaphore, #tpu.memory_space<semaphore_mem>>)
    %dma_wait3A = arith.constant 0 : i32
    %dma_wait3A_98 = arith.constant 0 : i32
    %dma_wait3A_99 = arith.constant 0 : i32
    %dma_wait3A_100 = tpu.memref_slice %arg5[%dma_wait3A_98, %dma_wait3A_99] : memref<8x80xi32, #tpu.memory_space<vmem>> -> memref<1x80xi32, #tpu.memory_space<vmem>>
    %dma_wait3A_101 = tpu.memref_squeeze %dma_wait3A_100 : memref<1x80xi32, #tpu.memory_space<vmem>> -> memref<80xi32, #tpu.memory_space<vmem>>
    %dma_wait3A_102 = arith.constant 0 : i32
    %dma_wait3A_103 = tpu.memref_slice %arg3[%add3A, %dma_wait3A, %dma_wait3A_102] : memref<64x125x80xi32, #tpu.memory_space<hbm>> -> memref<1x1x80xi32, #tpu.memory_space<hbm>>
    %dma_wait3A_104 = tpu.memref_squeeze %dma_wait3A_103 : memref<1x1x80xi32, #tpu.memory_space<hbm>> -> memref<80xi32, #tpu.memory_space<hbm>>
    %dma_wait3A_105 = arith.constant 0 : i32
    %dma_wait3A_106 = tpu.memref_slice %arg5[%dma_wait3A_98, %dma_wait3A_105] : memref<8x80xi32, #tpu.memory_space<vmem>> -> memref<1x80xi32, #tpu.memory_space<vmem>>
    %dma_wait3A_107 = tpu.memref_squeeze %dma_wait3A_106 : memref<1x80xi32, #tpu.memory_space<vmem>> -> memref<80xi32, #tpu.memory_space<vmem>>
    %dma_wait3A_108 = arith.constant 0 : i32
    %dma_wait3A_109 = tpu.memref_slice %arg3[%add3A, %dma_wait3A, %dma_wait3A_108] : memref<64x125x80xi32, #tpu.memory_space<hbm>> -> memref<1x1x80xi32, #tpu.memory_space<hbm>>
    %dma_wait3A_110 = tpu.memref_squeeze %dma_wait3A_109 : memref<1x1x80xi32, #tpu.memory_space<hbm>> -> memref<80xi32, #tpu.memory_space<hbm>>
    tpu.wait_dma2 semaphore(%arg11 : memref<!tpu.dma_semaphore, #tpu.memory_space<semaphore_mem>>) src(%dma_wait3A_110 : memref<80xi32, #tpu.memory_space<hbm>>) dst(%dma_wait3A_107 : memref<80xi32, #tpu.memory_space<vmem>>)
    %dma_start3A_111 = arith.constant 0 : i32
    %dma_start3A_112 = arith.constant 0 : i32
    %dma_start3A_113 = arith.constant 0 : i32
    %dma_start3A_114 = arith.constant 0 : i32
    %dma_start3A_115 = tpu.memref_slice %arg7[%dma_start3A_112, %dma_start3A_113, %dma_start3A_114] : memref<4x80x128xf32, #tpu.memory_space<vmem>> -> memref<1x80x128xf32, #tpu.memory_space<vmem>>
    %dma_start3A_116 = tpu.memref_squeeze %dma_start3A_115 : memref<1x80x128xf32, #tpu.memory_space<vmem>> -> memref<80x128xf32, #tpu.memory_space<vmem>>
    %dma_start3A_117 = arith.constant 0 : i32
    %dma_start3A_118 = tpu.memref_slice %arg5[%dma_start3A_111, %dma_start3A_117] : memref<8x80xi32, #tpu.memory_space<vmem>> -> memref<1x80xi32, #tpu.memory_space<vmem>>
    %dma_start3A_119 = tpu.memref_squeeze %dma_start3A_118 : memref<1x80xi32, #tpu.memory_space<vmem>> -> memref<80xi32, #tpu.memory_space<vmem>>
    %dma_start3A_120 = arith.constant 0 : i32
    %dma_start3A_121 = arith.constant 0 : i32
    %dma_start3A_122 = tpu.memref_slice %arg2[%dma_start3A_120, %dma_start3A_121] : memref<10000x128xf32, #tpu.memory_space<hbm>> -> memref<10000x128xf32, #tpu.memory_space<hbm>>
    tpu.enqueue_indirect_dma source(%dma_start3A_122 : memref<10000x128xf32, #tpu.memory_space<hbm>>) target(%dma_start3A_116 : memref<80x128xf32, #tpu.memory_space<vmem>>) offsets(%dma_start3A_119 : memref<80xi32, #tpu.memory_space<vmem>>) semaphore(%arg19 : memref<!tpu.dma_semaphore, #tpu.memory_space<semaphore_mem>>)
    %add3A_123 = arith.constant 32 : i32
    %add3A_124 = arith.addi %add3A_123, %add3A : i32
    %dma_start3A_125 = arith.constant 0 : i32
    %dma_start3A_126 = arith.constant 0 : i32
    %dma_start3A_127 = arith.constant 0 : i32
    %dma_start3A_128 = tpu.memref_slice %arg6[%dma_start3A_126, %dma_start3A_127] : memref<4x80xi32, #tpu.memory_space<vmem>> -> memref<1x80xi32, #tpu.memory_space<vmem>>
    %dma_start3A_129 = tpu.memref_squeeze %dma_start3A_128 : memref<1x80xi32, #tpu.memory_space<vmem>> -> memref<80xi32, #tpu.memory_space<vmem>>
    %dma_start3A_130 = arith.constant 0 : i32
    %dma_start3A_131 = tpu.memref_slice %arg3[%add3A_124, %dma_start3A_125, %dma_start3A_130] : memref<64x125x80xi32, #tpu.memory_space<hbm>> -> memref<1x1x80xi32, #tpu.memory_space<hbm>>
    %dma_start3A_132 = tpu.memref_squeeze %dma_start3A_131 : memref<1x1x80xi32, #tpu.memory_space<hbm>> -> memref<80xi32, #tpu.memory_space<hbm>>
    %dma_start3A_133 = arith.constant 0 : i32
    %dma_start3A_134 = tpu.memref_slice %arg6[%dma_start3A_126, %dma_start3A_133] : memref<4x80xi32, #tpu.memory_space<vmem>> -> memref<1x80xi32, #tpu.memory_space<vmem>>
    %dma_start3A_135 = tpu.memref_squeeze %dma_start3A_134 : memref<1x80xi32, #tpu.memory_space<vmem>> -> memref<80xi32, #tpu.memory_space<vmem>>
    %dma_start3A_136 = arith.constant 0 : i32
    %dma_start3A_137 = tpu.memref_slice %arg3[%add3A_124, %dma_start3A_125, %dma_start3A_136] : memref<64x125x80xi32, #tpu.memory_space<hbm>> -> memref<1x1x80xi32, #tpu.memory_space<hbm>>
    %dma_start3A_138 = tpu.memref_squeeze %dma_start3A_137 : memref<1x1x80xi32, #tpu.memory_space<hbm>> -> memref<80xi32, #tpu.memory_space<hbm>>
    tpu.enqueue_dma source(%dma_start3A_138 : memref<80xi32, #tpu.memory_space<hbm>>) target(%dma_start3A_135 : memref<80xi32, #tpu.memory_space<vmem>>) target_semaphore(%arg23 : memref<!tpu.dma_semaphore, #tpu.memory_space<semaphore_mem>>)
    %dma_wait3A_139 = arith.constant 1 : i32
    %dma_wait3A_140 = arith.constant 1 : i32
    %dma_wait3A_141 = arith.constant 0 : i32
    %dma_wait3A_142 = tpu.memref_slice %arg5[%dma_wait3A_140, %dma_wait3A_141] : memref<8x80xi32, #tpu.memory_space<vmem>> -> memref<1x80xi32, #tpu.memory_space<vmem>>
    %dma_wait3A_143 = tpu.memref_squeeze %dma_wait3A_142 : memref<1x80xi32, #tpu.memory_space<vmem>> -> memref<80xi32, #tpu.memory_space<vmem>>
    %dma_wait3A_144 = arith.constant 0 : i32
    %dma_wait3A_145 = tpu.memref_slice %arg3[%add3A, %dma_wait3A_139, %dma_wait3A_144] : memref<64x125x80xi32, #tpu.memory_space<hbm>> -> memref<1x1x80xi32, #tpu.memory_space<hbm>>
    %dma_wait3A_146 = tpu.memref_squeeze %dma_wait3A_145 : memref<1x1x80xi32, #tpu.memory_space<hbm>> -> memref<80xi32, #tpu.memory_space<hbm>>
    %dma_wait3A_147 = arith.constant 0 : i32
    %dma_wait3A_148 = tpu.memref_slice %arg5[%dma_wait3A_140, %dma_wait3A_147] : memref<8x80xi32, #tpu.memory_space<vmem>> -> memref<1x80xi32, #tpu.memory_space<vmem>>
    %dma_wait3A_149 = tpu.memref_squeeze %dma_wait3A_148 : memref<1x80xi32, #tpu.memory_space<vmem>> -> memref<80xi32, #tpu.memory_space<vmem>>
    %dma_wait3A_150 = arith.constant 0 : i32
    %dma_wait3A_151 = tpu.memref_slice %arg3[%add3A, %dma_wait3A_139, %dma_wait3A_150] : memref<64x125x80xi32, #tpu.memory_space<hbm>> -> memref<1x1x80xi32, #tpu.memory_space<hbm>>
    %dma_wait3A_152 = tpu.memref_squeeze %dma_wait3A_151 : memref<1x1x80xi32, #tpu.memory_space<hbm>> -> memref<80xi32, #tpu.memory_space<hbm>>
    tpu.wait_dma2 semaphore(%arg12 : memref<!tpu.dma_semaphore, #tpu.memory_space<semaphore_mem>>) src(%dma_wait3A_152 : memref<80xi32, #tpu.memory_space<hbm>>) dst(%dma_wait3A_149 : memref<80xi32, #tpu.memory_space<vmem>>)
    %dma_start3A_153 = arith.constant 1 : i32
    %dma_start3A_154 = arith.constant 1 : i32
    %dma_start3A_155 = arith.constant 0 : i32
    %dma_start3A_156 = arith.constant 0 : i32
    %dma_start3A_157 = tpu.memref_slice %arg7[%dma_start3A_154, %dma_start3A_155, %dma_start3A_156] : memref<4x80x128xf32, #tpu.memory_space<vmem>> -> memref<1x80x128xf32, #tpu.memory_space<vmem>>
    %dma_start3A_158 = tpu.memref_squeeze %dma_start3A_157 : memref<1x80x128xf32, #tpu.memory_space<vmem>> -> memref<80x128xf32, #tpu.memory_space<vmem>>
    %dma_start3A_159 = arith.constant 0 : i32
    %dma_start3A_160 = tpu.memref_slice %arg5[%dma_start3A_153, %dma_start3A_159] : memref<8x80xi32, #tpu.memory_space<vmem>> -> memref<1x80xi32, #tpu.memory_space<vmem>>
    %dma_start3A_161 = tpu.memref_squeeze %dma_start3A_160 : memref<1x80xi32, #tpu.memory_space<vmem>> -> memref<80xi32, #tpu.memory_space<vmem>>
    %dma_start3A_162 = arith.constant 0 : i32
    %dma_start3A_163 = arith.constant 0 : i32
    %dma_start3A_164 = tpu.memref_slice %arg2[%dma_start3A_162, %dma_start3A_163] : memref<10000x128xf32, #tpu.memory_space<hbm>> -> memref<10000x128xf32, #tpu.memory_space<hbm>>
    tpu.enqueue_indirect_dma source(%dma_start3A_164 : memref<10000x128xf32, #tpu.memory_space<hbm>>) target(%dma_start3A_158 : memref<80x128xf32, #tpu.memory_space<vmem>>) offsets(%dma_start3A_161 : memref<80xi32, #tpu.memory_space<vmem>>) semaphore(%arg20 : memref<!tpu.dma_semaphore, #tpu.memory_space<semaphore_mem>>)
    %add3A_165 = arith.constant 32 : i32
    %add3A_166 = arith.addi %add3A_165, %add3A : i32
    %dma_start3A_167 = arith.constant 1 : i32
    %dma_start3A_168 = arith.constant 1 : i32
    %dma_start3A_169 = arith.constant 0 : i32
    %dma_start3A_170 = tpu.memref_slice %arg6[%dma_start3A_168, %dma_start3A_169] : memref<4x80xi32, #tpu.memory_space<vmem>> -> memref<1x80xi32, #tpu.memory_space<vmem>>
    %dma_start3A_171 = tpu.memref_squeeze %dma_start3A_170 : memref<1x80xi32, #tpu.memory_space<vmem>> -> memref<80xi32, #tpu.memory_space<vmem>>
    %dma_start3A_172 = arith.constant 0 : i32
    %dma_start3A_173 = tpu.memref_slice %arg3[%add3A_166, %dma_start3A_167, %dma_start3A_172] : memref<64x125x80xi32, #tpu.memory_space<hbm>> -> memref<1x1x80xi32, #tpu.memory_space<hbm>>
    %dma_start3A_174 = tpu.memref_squeeze %dma_start3A_173 : memref<1x1x80xi32, #tpu.memory_space<hbm>> -> memref<80xi32, #tpu.memory_space<hbm>>
    %dma_start3A_175 = arith.constant 0 : i32
    %dma_start3A_176 = tpu.memref_slice %arg6[%dma_start3A_168, %dma_start3A_175] : memref<4x80xi32, #tpu.memory_space<vmem>> -> memref<1x80xi32, #tpu.memory_space<vmem>>
    %dma_start3A_177 = tpu.memref_squeeze %dma_start3A_176 : memref<1x80xi32, #tpu.memory_space<vmem>> -> memref<80xi32, #tpu.memory_space<vmem>>
    %dma_start3A_178 = arith.constant 0 : i32
    %dma_start3A_179 = tpu.memref_slice %arg3[%add3A_166, %dma_start3A_167, %dma_start3A_178] : memref<64x125x80xi32, #tpu.memory_space<hbm>> -> memref<1x1x80xi32, #tpu.memory_space<hbm>>
    %dma_start3A_180 = tpu.memref_squeeze %dma_start3A_179 : memref<1x1x80xi32, #tpu.memory_space<hbm>> -> memref<80xi32, #tpu.memory_space<hbm>>
    tpu.enqueue_dma source(%dma_start3A_180 : memref<80xi32, #tpu.memory_space<hbm>>) target(%dma_start3A_177 : memref<80xi32, #tpu.memory_space<vmem>>) target_semaphore(%arg24 : memref<!tpu.dma_semaphore, #tpu.memory_space<semaphore_mem>>)
    %dma_wait3A_181 = arith.constant 2 : i32
    %dma_wait3A_182 = arith.constant 2 : i32
    %dma_wait3A_183 = arith.constant 0 : i32
    %dma_wait3A_184 = tpu.memref_slice %arg5[%dma_wait3A_182, %dma_wait3A_183] : memref<8x80xi32, #tpu.memory_space<vmem>> -> memref<1x80xi32, #tpu.memory_space<vmem>>
    %dma_wait3A_185 = tpu.memref_squeeze %dma_wait3A_184 : memref<1x80xi32, #tpu.memory_space<vmem>> -> memref<80xi32, #tpu.memory_space<vmem>>
    %dma_wait3A_186 = arith.constant 0 : i32
    %dma_wait3A_187 = tpu.memref_slice %arg3[%add3A, %dma_wait3A_181, %dma_wait3A_186] : memref<64x125x80xi32, #tpu.memory_space<hbm>> -> memref<1x1x80xi32, #tpu.memory_space<hbm>>
    %dma_wait3A_188 = tpu.memref_squeeze %dma_wait3A_187 : memref<1x1x80xi32, #tpu.memory_space<hbm>> -> memref<80xi32, #tpu.memory_space<hbm>>
    %dma_wait3A_189 = arith.constant 0 : i32
    %dma_wait3A_190 = tpu.memref_slice %arg5[%dma_wait3A_182, %dma_wait3A_189] : memref<8x80xi32, #tpu.memory_space<vmem>> -> memref<1x80xi32, #tpu.memory_space<vmem>>
    %dma_wait3A_191 = tpu.memref_squeeze %dma_wait3A_190 : memref<1x80xi32, #tpu.memory_space<vmem>> -> memref<80xi32, #tpu.memory_space<vmem>>
    %dma_wait3A_192 = arith.constant 0 : i32
    %dma_wait3A_193 = tpu.memref_slice %arg3[%add3A, %dma_wait3A_181, %dma_wait3A_192] : memref<64x125x80xi32, #tpu.memory_space<hbm>> -> memref<1x1x80xi32, #tpu.memory_space<hbm>>
    %dma_wait3A_194 = tpu.memref_squeeze %dma_wait3A_193 : memref<1x1x80xi32, #tpu.memory_space<hbm>> -> memref<80xi32, #tpu.memory_space<hbm>>
    tpu.wait_dma2 semaphore(%arg13 : memref<!tpu.dma_semaphore, #tpu.memory_space<semaphore_mem>>) src(%dma_wait3A_194 : memref<80xi32, #tpu.memory_space<hbm>>) dst(%dma_wait3A_191 : memref<80xi32, #tpu.memory_space<vmem>>)
    %dma_start3A_195 = arith.constant 2 : i32
    %dma_start3A_196 = arith.constant 2 : i32
    %dma_start3A_197 = arith.constant 0 : i32
    %dma_start3A_198 = arith.constant 0 : i32
    %dma_start3A_199 = tpu.memref_slice %arg7[%dma_start3A_196, %dma_start3A_197, %dma_start3A_198] : memref<4x80x128xf32, #tpu.memory_space<vmem>> -> memref<1x80x128xf32, #tpu.memory_space<vmem>>
    %dma_start3A_200 = tpu.memref_squeeze %dma_start3A_199 : memref<1x80x128xf32, #tpu.memory_space<vmem>> -> memref<80x128xf32, #tpu.memory_space<vmem>>
    %dma_start3A_201 = arith.constant 0 : i32
    %dma_start3A_202 = tpu.memref_slice %arg5[%dma_start3A_195, %dma_start3A_201] : memref<8x80xi32, #tpu.memory_space<vmem>> -> memref<1x80xi32, #tpu.memory_space<vmem>>
    %dma_start3A_203 = tpu.memref_squeeze %dma_start3A_202 : memref<1x80xi32, #tpu.memory_space<vmem>> -> memref<80xi32, #tpu.memory_space<vmem>>
    %dma_start3A_204 = arith.constant 0 : i32
    %dma_start3A_205 = arith.constant 0 : i32
    %dma_start3A_206 = tpu.memref_slice %arg2[%dma_start3A_204, %dma_start3A_205] : memref<10000x128xf32, #tpu.memory_space<hbm>> -> memref<10000x128xf32, #tpu.memory_space<hbm>>
    tpu.enqueue_indirect_dma source(%dma_start3A_206 : memref<10000x128xf32, #tpu.memory_space<hbm>>) target(%dma_start3A_200 : memref<80x128xf32, #tpu.memory_space<vmem>>) offsets(%dma_start3A_203 : memref<80xi32, #tpu.memory_space<vmem>>) semaphore(%arg21 : memref<!tpu.dma_semaphore, #tpu.memory_space<semaphore_mem>>)
    %add3A_207 = arith.constant 32 : i32
    %add3A_208 = arith.addi %add3A_207, %add3A : i32
    %dma_start3A_209 = arith.constant 2 : i32
    %dma_start3A_210 = arith.constant 2 : i32
    %dma_start3A_211 = arith.constant 0 : i32
    %dma_start3A_212 = tpu.memref_slice %arg6[%dma_start3A_210, %dma_start3A_211] : memref<4x80xi32, #tpu.memory_space<vmem>> -> memref<1x80xi32, #tpu.memory_space<vmem>>
    %dma_start3A_213 = tpu.memref_squeeze %dma_start3A_212 : memref<1x80xi32, #tpu.memory_space<vmem>> -> memref<80xi32, #tpu.memory_space<vmem>>
    %dma_start3A_214 = arith.constant 0 : i32
    %dma_start3A_215 = tpu.memref_slice %arg3[%add3A_208, %dma_start3A_209, %dma_start3A_214] : memref<64x125x80xi32, #tpu.memory_space<hbm>> -> memref<1x1x80xi32, #tpu.memory_space<hbm>>
    %dma_start3A_216 = tpu.memref_squeeze %dma_start3A_215 : memref<1x1x80xi32, #tpu.memory_space<hbm>> -> memref<80xi32, #tpu.memory_space<hbm>>
    %dma_start3A_217 = arith.constant 0 : i32
    %dma_start3A_218 = tpu.memref_slice %arg6[%dma_start3A_210, %dma_start3A_217] : memref<4x80xi32, #tpu.memory_space<vmem>> -> memref<1x80xi32, #tpu.memory_space<vmem>>
    %dma_start3A_219 = tpu.memref_squeeze %dma_start3A_218 : memref<1x80xi32, #tpu.memory_space<vmem>> -> memref<80xi32, #tpu.memory_space<vmem>>
    %dma_start3A_220 = arith.constant 0 : i32
    %dma_start3A_221 = tpu.memref_slice %arg3[%add3A_208, %dma_start3A_209, %dma_start3A_220] : memref<64x125x80xi32, #tpu.memory_space<hbm>> -> memref<1x1x80xi32, #tpu.memory_space<hbm>>
    %dma_start3A_222 = tpu.memref_squeeze %dma_start3A_221 : memref<1x1x80xi32, #tpu.memory_space<hbm>> -> memref<80xi32, #tpu.memory_space<hbm>>
    tpu.enqueue_dma source(%dma_start3A_222 : memref<80xi32, #tpu.memory_space<hbm>>) target(%dma_start3A_219 : memref<80xi32, #tpu.memory_space<vmem>>) target_semaphore(%arg25 : memref<!tpu.dma_semaphore, #tpu.memory_space<semaphore_mem>>)
    %scan3A = arith.constant 0 : i32
    %scan3A_223 = arith.constant 0 : i32
    %scan3A_224 = arith.constant 40 : i32
    %scan3A_225 = arith.addi %scan3A_223, %scan3A_224 : i32
    %scan3A_226 = arith.constant 1 : i32
    scf.for %scan3A_259 = %scan3A_223 to %scan3A_225 step %scan3A_226  : i32 {
      %broadcast_in_dim3A = arith.constant 0.000000e+00 : f32
      %broadcast_in_dim3A_260 = vector.broadcast %broadcast_in_dim3A : f32 to vector<16xf32>
      %swap3A = arith.index_cast %scan3A_259 : i32 to index
      %swap3A_261 = arith.constant 0 : index
      %swap3A_262 = tpu.vector_load %arg8[%swap3A, %swap3A_261] {strides = array<i32>} : memref<40x128xf32, #tpu.memory_space<vmem>>, vector<1x16xf32>,
      %swap3A_263 = vector.shape_cast %swap3A_262 : vector<1x16xf32> to vector<16xf32>
      %swap3A_264 = vector.shape_cast %broadcast_in_dim3A_260 : vector<16xf32> to vector<1x16xf32>
      tpu.vector_store %arg8[%swap3A, %swap3A_261], %swap3A_264 {strides = array<i32>} : memref<40x128xf32, #tpu.memory_space<vmem>>, vector<1x16xf32>,
      %broadcast_in_dim3A_265 = arith.constant 0.000000e+00 : f32
      %broadcast_in_dim3A_266 = vector.broadcast %broadcast_in_dim3A_265 : f32 to vector<16xf32>
      %swap3A_267 = arith.index_cast %scan3A_259 : i32 to index
      %swap3A_268 = arith.constant 16 : index
      %swap3A_269 = tpu.vector_load %arg8[%swap3A_267, %swap3A_268] {strides = array<i32>} : memref<40x128xf32, #tpu.memory_space<vmem>>, vector<1x16xf32>,
      %swap3A_270 = vector.shape_cast %swap3A_269 : vector<1x16xf32> to vector<16xf32>
      %swap3A_271 = vector.shape_cast %broadcast_in_dim3A_266 : vector<16xf32> to vector<1x16xf32>
      tpu.vector_store %arg8[%swap3A_267, %swap3A_268], %swap3A_271 {strides = array<i32>} : memref<40x128xf32, #tpu.memory_space<vmem>>, vector<1x16xf32>,
      %broadcast_in_dim3A_272 = arith.constant 0.000000e+00 : f32
      %broadcast_in_dim3A_273 = vector.broadcast %broadcast_in_dim3A_272 : f32 to vector<16xf32>
      %swap3A_274 = arith.index_cast %scan3A_259 : i32 to index
      %swap3A_275 = arith.constant 32 : index
      %swap3A_276 = tpu.vector_load %arg8[%swap3A_274, %swap3A_275] {strides = array<i32>} : memref<40x128xf32, #tpu.memory_space<vmem>>, vector<1x16xf32>,
      %swap3A_277 = vector.shape_cast %swap3A_276 : vector<1x16xf32> to vector<16xf32>
      %swap3A_278 = vector.shape_cast %broadcast_in_dim3A_273 : vector<16xf32> to vector<1x16xf32>
      tpu.vector_store %arg8[%swap3A_274, %swap3A_275], %swap3A_278 {strides = array<i32>} : memref<40x128xf32, #tpu.memory_space<vmem>>, vector<1x16xf32>,
      %broadcast_in_dim3A_279 = arith.constant 0.000000e+00 : f32
      %broadcast_in_dim3A_280 = vector.broadcast %broadcast_in_dim3A_279 : f32 to vector<16xf32>
      %swap3A_281 = arith.index_cast %scan3A_259 : i32 to index
      %swap3A_282 = arith.constant 48 : index
      %swap3A_283 = tpu.vector_load %arg8[%swap3A_281, %swap3A_282] {strides = array<i32>} : memref<40x128xf32, #tpu.memory_space<vmem>>, vector<1x16xf32>,
      %swap3A_284 = vector.shape_cast %swap3A_283 : vector<1x16xf32> to vector<16xf32>
      %swap3A_285 = vector.shape_cast %broadcast_in_dim3A_280 : vector<16xf32> to vector<1x16xf32>
      tpu.vector_store %arg8[%swap3A_281, %swap3A_282], %swap3A_285 {strides = array<i32>} : memref<40x128xf32, #tpu.memory_space<vmem>>, vector<1x16xf32>,
      %broadcast_in_dim3A_286 = arith.constant 0.000000e+00 : f32
      %broadcast_in_dim3A_287 = vector.broadcast %broadcast_in_dim3A_286 : f32 to vector<16xf32>
      %swap3A_288 = arith.index_cast %scan3A_259 : i32 to index
      %swap3A_289 = arith.constant 64 : index
      %swap3A_290 = tpu.vector_load %arg8[%swap3A_288, %swap3A_289] {strides = array<i32>} : memref<40x128xf32, #tpu.memory_space<vmem>>, vector<1x16xf32>,
      %swap3A_291 = vector.shape_cast %swap3A_290 : vector<1x16xf32> to vector<16xf32>
      %swap3A_292 = vector.shape_cast %broadcast_in_dim3A_287 : vector<16xf32> to vector<1x16xf32>
      tpu.vector_store %arg8[%swap3A_288, %swap3A_289], %swap3A_292 {strides = array<i32>} : memref<40x128xf32, #tpu.memory_space<vmem>>, vector<1x16xf32>,
      %broadcast_in_dim3A_293 = arith.constant 0.000000e+00 : f32
      %broadcast_in_dim3A_294 = vector.broadcast %broadcast_in_dim3A_293 : f32 to vector<16xf32>
      %swap3A_295 = arith.index_cast %scan3A_259 : i32 to index
      %swap3A_296 = arith.constant 80 : index
      %swap3A_297 = tpu.vector_load %arg8[%swap3A_295, %swap3A_296] {strides = array<i32>} : memref<40x128xf32, #tpu.memory_space<vmem>>, vector<1x16xf32>,
      %swap3A_298 = vector.shape_cast %swap3A_297 : vector<1x16xf32> to vector<16xf32>
      %swap3A_299 = vector.shape_cast %broadcast_in_dim3A_294 : vector<16xf32> to vector<1x16xf32>
      tpu.vector_store %arg8[%swap3A_295, %swap3A_296], %swap3A_299 {strides = array<i32>} : memref<40x128xf32, #tpu.memory_space<vmem>>, vector<1x16xf32>,
      %broadcast_in_dim3A_300 = arith.constant 0.000000e+00 : f32
      %broadcast_in_dim3A_301 = vector.broadcast %broadcast_in_dim3A_300 : f32 to vector<16xf32>
      %swap3A_302 = arith.index_cast %scan3A_259 : i32 to index
      %swap3A_303 = arith.constant 96 : index
      %swap3A_304 = tpu.vector_load %arg8[%swap3A_302, %swap3A_303] {strides = array<i32>} : memref<40x128xf32, #tpu.memory_space<vmem>>, vector<1x16xf32>,
      %swap3A_305 = vector.shape_cast %swap3A_304 : vector<1x16xf32> to vector<16xf32>
      %swap3A_306 = vector.shape_cast %broadcast_in_dim3A_301 : vector<16xf32> to vector<1x16xf32>
      tpu.vector_store %arg8[%swap3A_302, %swap3A_303], %swap3A_306 {strides = array<i32>} : memref<40x128xf32, #tpu.memory_space<vmem>>, vector<1x16xf32>,
      %broadcast_in_dim3A_307 = arith.constant 0.000000e+00 : f32
      %broadcast_in_dim3A_308 = vector.broadcast %broadcast_in_dim3A_307 : f32 to vector<16xf32>
      %swap3A_309 = arith.index_cast %scan3A_259 : i32 to index
      %swap3A_310 = arith.constant 112 : index
      %swap3A_311 = tpu.vector_load %arg8[%swap3A_309, %swap3A_310] {strides = array<i32>} : memref<40x128xf32, #tpu.memory_space<vmem>>, vector<1x16xf32>,
      %swap3A_312 = vector.shape_cast %swap3A_311 : vector<1x16xf32> to vector<16xf32>
      %swap3A_313 = vector.shape_cast %broadcast_in_dim3A_308 : vector<16xf32> to vector<1x16xf32>
      tpu.vector_store %arg8[%swap3A_309, %swap3A_310], %swap3A_313 {strides = array<i32>} : memref<40x128xf32, #tpu.memory_space<vmem>>, vector<1x16xf32>,
    }
    %scan3A_227 = arith.constant 40 : i32
    %scan3A_228 = arith.constant 0 : i32
    %scan3A_229 = arith.constant 0 : i32
    %scan3A_230 = arith.constant 16 : i32
    %scan3A_231 = arith.addi %scan3A_229, %scan3A_230 : i32
    %scan3A_232 = arith.constant 1 : i32
    scf.for %scan3A_259 = %scan3A_229 to %scan3A_231 step %scan3A_232  : i32 {
      %mul3A_260 = arith.constant 16 : i32
      %mul3A_261 = arith.muli %scan3A_259, %mul3A_260 : i32
      %add3A_262 = arith.addi %arg1, %mul3A_261 : i32
      %lt3A = arith.constant 250 : i32
      %lt3A_263 = arith.cmpi slt, %add3A_262, %lt3A : i32
      %convert_element_type3A = arith.extui %lt3A_263 : i1 to i32
      %cond3A = arith.constant 0 : i32
      %cond3A_264 = arith.cmpi ne, %convert_element_type3A, %cond3A : i32
      scf.if %cond3A_264 {
        %mul3A_265 = arith.constant 40 : i32
        %mul3A_266 = arith.muli %add3A_262, %mul3A_265 : i32
        %dma_start3A_267 = arith.constant 0 : i32
        %dma_start3A_268 = tpu.memref_slice %arg9[%mul3A_266, %dma_start3A_267] : memref<10000x128xf32, #tpu.memory_space<vmem_shared>> -> memref<40x128xf32, #tpu.memory_space<vmem_shared>>
        %dma_start3A_269 = arith.constant 0 : i32
        %dma_start3A_270 = tpu.memref_slice %arg9[%mul3A_266, %dma_start3A_269] : memref<10000x128xf32, #tpu.memory_space<vmem_shared>> -> memref<40x128xf32, #tpu.memory_space<vmem_shared>>
        tpu.enqueue_dma source(%arg8 : memref<40x128xf32, #tpu.memory_space<vmem>>) target(%dma_start3A_270 : memref<40x128xf32, #tpu.memory_space<vmem_shared>>) target_semaphore(%arg10 : memref<!tpu.dma_semaphore, #tpu.memory_space<semaphore_mem>>)
      } else {
      }
    }
    %scan3A_233 = arith.constant 16 : i32
    %scan3A_234 = arith.constant 0 : i32
    %scan3A_235 = arith.constant 0 : i32
    %scan3A_236 = arith.constant 16 : i32
    %scan3A_237 = arith.addi %scan3A_235, %scan3A_236 : i32
    %scan3A_238 = arith.constant 1 : i32
    scf.for %scan3A_259 = %scan3A_235 to %scan3A_237 step %scan3A_238  : i32 {
      %mul3A_260 = arith.constant 16 : i32
      %mul3A_261 = arith.muli %scan3A_259, %mul3A_260 : i32
      %add3A_262 = arith.addi %arg1, %mul3A_261 : i32
      %lt3A = arith.constant 250 : i32
      %lt3A_263 = arith.cmpi slt, %add3A_262, %lt3A : i32
      %convert_element_type3A = arith.extui %lt3A_263 : i1 to i32
      %cond3A = arith.constant 0 : i32
      %cond3A_264 = arith.cmpi ne, %convert_element_type3A, %cond3A : i32
      scf.if %cond3A_264 {
        %mul3A_265 = arith.constant 40 : i32
        %mul3A_266 = arith.muli %add3A_262, %mul3A_265 : i32
        %dma_wait3A_267 = arith.constant 0 : i32
        %dma_wait3A_268 = tpu.memref_slice %arg9[%mul3A_266, %dma_wait3A_267] : memref<10000x128xf32, #tpu.memory_space<vmem_shared>> -> memref<40x128xf32, #tpu.memory_space<vmem_shared>>
        %dma_wait3A_269 = arith.constant 0 : i32
        %dma_wait3A_270 = tpu.memref_slice %arg9[%mul3A_266, %dma_wait3A_269] : memref<10000x128xf32, #tpu.memory_space<vmem_shared>> -> memref<40x128xf32, #tpu.memory_space<vmem_shared>>
        tpu.wait_dma2 semaphore(%arg10 : memref<!tpu.dma_semaphore, #tpu.memory_space<semaphore_mem>>) src(%arg8 : memref<40x128xf32, #tpu.memory_space<vmem>>) dst(%dma_wait3A_270 : memref<40x128xf32, #tpu.memory_space<vmem_shared>>)
      } else {
      }
    }
    %scan3A_239 = arith.constant 16 : i32
    %barrier3A = arith.constant 0 : index
    tpu.barrier barrier_id(%barrier3A)
    %scan3A_240 = arith.constant 0 : i32
    %scan3A_241 = arith.constant 0 : i32
    %scan3A_242 = arith.constant 125 : i32
    %scan3A_243 = arith.addi %scan3A_241, %scan3A_242 : i32
    %scan3A_244 = arith.constant 1 : i32
    scf.for %scan3A_259 = %scan3A_241 to %scan3A_243 step %scan3A_244  : i32 {
      %jit3A = arith.constant 8 : i32
      %eq3A = arith.constant 0 : i32
      %eq3A_260 = arith.cmpi eq, %jit3A, %eq3A : i32
      %jit3A_261 = arith.constant 1 : i32
      %select_n3A = arith.select %eq3A_260, %jit3A_261, %jit3A : i32
      %rem3A = arith.remsi %scan3A_259, %select_n3A : i32
      %ne3A = arith.constant 0 : i32
      %ne3A_262 = arith.cmpi ne, %rem3A, %ne3A : i32
      %lt3A = arith.constant 0 : i32
      %lt3A_263 = arith.cmpi slt, %rem3A, %lt3A : i32
      %lt3A_264 = arith.constant 0 : i32
      %lt3A_265 = arith.cmpi slt, %select_n3A, %lt3A_264 : i32
      %ne3A_266 = arith.xori %lt3A_263, %lt3A_265 : i1
      %and3A = arith.andi %ne3A_266, %ne3A_262 : i1
      %add3A_267 = arith.addi %rem3A, %select_n3A : i32
      %select_n3A_268 = arith.select %and3A, %add3A_267, %rem3A : i32
      %eq3A_269 = arith.constant 0 : i32
      %eq3A_270 = arith.cmpi eq, %select_n3A_268, %eq3A_269 : i32
      %convert_element_type3A = arith.extui %eq3A_270 : i1 to i32
      %cond3A = arith.constant 0 : i32
      %cond3A_271 = arith.cmpi ne, %convert_element_type3A, %cond3A : i32
      scf.if %cond3A_271 {
        %dma_wait3A_419 = arith.constant 0 : i32
        %dma_wait3A_420 = arith.constant 0 : i32
        %dma_wait3A_421 = arith.constant 0 : i32
        %dma_wait3A_422 = arith.constant 0 : i32
        %dma_wait3A_423 = tpu.memref_slice %arg7[%dma_wait3A_420, %dma_wait3A_421, %dma_wait3A_422] : memref<4x80x128xf32, #tpu.memory_space<vmem>> -> memref<1x80x128xf32, #tpu.memory_space<vmem>>
        %dma_wait3A_424 = tpu.memref_squeeze %dma_wait3A_423 : memref<1x80x128xf32, #tpu.memory_space<vmem>> -> memref<80x128xf32, #tpu.memory_space<vmem>>
        %dma_wait3A_425 = arith.constant 0 : i32
        %dma_wait3A_426 = tpu.memref_slice %arg5[%dma_wait3A_419, %dma_wait3A_425] : memref<8x80xi32, #tpu.memory_space<vmem>> -> memref<1x80xi32, #tpu.memory_space<vmem>>
        %dma_wait3A_427 = tpu.memref_squeeze %dma_wait3A_426 : memref<1x80xi32, #tpu.memory_space<vmem>> -> memref<80xi32, #tpu.memory_space<vmem>>
        %dma_wait3A_428 = arith.constant 0 : i32
        %dma_wait3A_429 = arith.constant 0 : i32
        %dma_wait3A_430 = tpu.memref_slice %arg2[%dma_wait3A_428, %dma_wait3A_429] : memref<10000x128xf32, #tpu.memory_space<hbm>> -> memref<10000x128xf32, #tpu.memory_space<hbm>>
        tpu.wait_indirect_dma semaphore(%arg19 : memref<!tpu.dma_semaphore, #tpu.memory_space<semaphore_mem>>) src(%dma_wait3A_430 : memref<10000x128xf32, #tpu.memory_space<hbm>>) dst(%dma_wait3A_424 : memref<80x128xf32, #tpu.memory_space<vmem>>)
        %add3A_431 = arith.constant 4 : i32
        %add3A_432 = arith.addi %scan3A_259, %add3A_431 : i32
        %sub3A = arith.constant 1 : i32
        %sub3A_433 = arith.subi %add3A_432, %sub3A : i32
        %lt3A_434 = arith.constant 125 : i32
        %lt3A_435 = arith.cmpi slt, %sub3A_433, %lt3A_434 : i32
        %convert_element_type3A_436 = arith.extui %lt3A_435 : i1 to i32
        %cond3A_437 = arith.constant 0 : i32
        %cond3A_438 = arith.cmpi ne, %convert_element_type3A_436, %cond3A_437 : i32
        scf.if %cond3A_438 {
          %add3A_464 = arith.constant 4 : i32
          %add3A_465 = arith.addi %scan3A_259, %add3A_464 : i32
          %sub3A_466 = arith.constant 1 : i32
          %sub3A_467 = arith.subi %add3A_465, %sub3A_466 : i32
          %dma_wait3A_468 = arith.constant 3 : i32
          %dma_wait3A_469 = arith.constant 0 : i32
          %dma_wait3A_470 = tpu.memref_slice %arg5[%dma_wait3A_468, %dma_wait3A_469] : memref<8x80xi32, #tpu.memory_space<vmem>> -> memref<1x80xi32, #tpu.memory_space<vmem>>
          %dma_wait3A_471 = tpu.memref_squeeze %dma_wait3A_470 : memref<1x80xi32, #tpu.memory_space<vmem>> -> memref<80xi32, #tpu.memory_space<vmem>>
          %dma_wait3A_472 = arith.constant 0 : i32
          %dma_wait3A_473 = tpu.memref_slice %arg3[%add3A, %sub3A_467, %dma_wait3A_472] : memref<64x125x80xi32, #tpu.memory_space<hbm>> -> memref<1x1x80xi32, #tpu.memory_space<hbm>>
          %dma_wait3A_474 = tpu.memref_squeeze %dma_wait3A_473 : memref<1x1x80xi32, #tpu.memory_space<hbm>> -> memref<80xi32, #tpu.memory_space<hbm>>
          %dma_wait3A_475 = arith.constant 0 : i32
          %dma_wait3A_476 = tpu.memref_slice %arg5[%dma_wait3A_468, %dma_wait3A_475] : memref<8x80xi32, #tpu.memory_space<vmem>> -> memref<1x80xi32, #tpu.memory_space<vmem>>
          %dma_wait3A_477 = tpu.memref_squeeze %dma_wait3A_476 : memref<1x80xi32, #tpu.memory_space<vmem>> -> memref<80xi32, #tpu.memory_space<vmem>>
          %dma_wait3A_478 = arith.constant 0 : i32
          %dma_wait3A_479 = tpu.memref_slice %arg3[%add3A, %sub3A_467, %dma_wait3A_478] : memref<64x125x80xi32, #tpu.memory_space<hbm>> -> memref<1x1x80xi32, #tpu.memory_space<hbm>>
          %dma_wait3A_480 = tpu.memref_squeeze %dma_wait3A_479 : memref<1x1x80xi32, #tpu.memory_space<hbm>> -> memref<80xi32, #tpu.memory_space<hbm>>
          tpu.wait_dma2 semaphore(%arg14 : memref<!tpu.dma_semaphore, #tpu.memory_space<semaphore_mem>>) src(%dma_wait3A_480 : memref<80xi32, #tpu.memory_space<hbm>>) dst(%dma_wait3A_477 : memref<80xi32, #tpu.memory_space<vmem>>)
          %add3A_481 = arith.constant 4 : i32
          %add3A_482 = arith.addi %scan3A_259, %add3A_481 : i32
          %sub3A_483 = arith.constant 1 : i32
          %sub3A_484 = arith.subi %add3A_482, %sub3A_483 : i32
          %dma_start3A_485 = arith.constant 3 : i32
          %dma_start3A_486 = arith.constant 3 : i32
          %dma_start3A_487 = arith.constant 0 : i32
          %dma_start3A_488 = arith.constant 0 : i32
          %dma_start3A_489 = tpu.memref_slice %arg7[%dma_start3A_486, %dma_start3A_487, %dma_start3A_488] : memref<4x80x128xf32, #tpu.memory_space<vmem>> -> memref<1x80x128xf32, #tpu.memory_space<vmem>>
          %dma_start3A_490 = tpu.memref_squeeze %dma_start3A_489 : memref<1x80x128xf32, #tpu.memory_space<vmem>> -> memref<80x128xf32, #tpu.memory_space<vmem>>
          %dma_start3A_491 = arith.constant 0 : i32
          %dma_start3A_492 = tpu.memref_slice %arg5[%dma_start3A_485, %dma_start3A_491] : memref<8x80xi32, #tpu.memory_space<vmem>> -> memref<1x80xi32, #tpu.memory_space<vmem>>
          %dma_start3A_493 = tpu.memref_squeeze %dma_start3A_492 : memref<1x80xi32, #tpu.memory_space<vmem>> -> memref<80xi32, #tpu.memory_space<vmem>>
          %dma_start3A_494 = arith.constant 0 : i32
          %dma_start3A_495 = arith.constant 0 : i32
          %dma_start3A_496 = tpu.memref_slice %arg2[%dma_start3A_494, %dma_start3A_495] : memref<10000x128xf32, #tpu.memory_space<hbm>> -> memref<10000x128xf32, #tpu.memory_space<hbm>>
          tpu.enqueue_indirect_dma source(%dma_start3A_496 : memref<10000x128xf32, #tpu.memory_space<hbm>>) target(%dma_start3A_490 : memref<80x128xf32, #tpu.memory_space<vmem>>) offsets(%dma_start3A_493 : memref<80xi32, #tpu.memory_space<vmem>>) semaphore(%arg22 : memref<!tpu.dma_semaphore, #tpu.memory_space<semaphore_mem>>)
          %add3A_497 = arith.constant 4 : i32
          %add3A_498 = arith.addi %scan3A_259, %add3A_497 : i32
          %sub3A_499 = arith.constant 1 : i32
          %sub3A_500 = arith.subi %add3A_498, %sub3A_499 : i32
          %add3A_501 = arith.constant 32 : i32
          %add3A_502 = arith.addi %add3A_501, %add3A : i32
          %dma_start3A_503 = arith.constant 3 : i32
          %dma_start3A_504 = arith.constant 0 : i32
          %dma_start3A_505 = tpu.memref_slice %arg6[%dma_start3A_503, %dma_start3A_504] : memref<4x80xi32, #tpu.memory_space<vmem>> -> memref<1x80xi32, #tpu.memory_space<vmem>>
          %dma_start3A_506 = tpu.memref_squeeze %dma_start3A_505 : memref<1x80xi32, #tpu.memory_space<vmem>> -> memref<80xi32, #tpu.memory_space<vmem>>
          %dma_start3A_507 = arith.constant 0 : i32
          %dma_start3A_508 = tpu.memref_slice %arg3[%add3A_502, %sub3A_500, %dma_start3A_507] : memref<64x125x80xi32, #tpu.memory_space<hbm>> -> memref<1x1x80xi32, #tpu.memory_space<hbm>>
          %dma_start3A_509 = tpu.memref_squeeze %dma_start3A_508 : memref<1x1x80xi32, #tpu.memory_space<hbm>> -> memref<80xi32, #tpu.memory_space<hbm>>
          %dma_start3A_510 = arith.constant 0 : i32
          %dma_start3A_511 = tpu.memref_slice %arg6[%dma_start3A_503, %dma_start3A_510] : memref<4x80xi32, #tpu.memory_space<vmem>> -> memref<1x80xi32, #tpu.memory_space<vmem>>
          %dma_start3A_512 = tpu.memref_squeeze %dma_start3A_511 : memref<1x80xi32, #tpu.memory_space<vmem>> -> memref<80xi32, #tpu.memory_space<vmem>>
          %dma_start3A_513 = arith.constant 0 : i32
          %dma_start3A_514 = tpu.memref_slice %arg3[%add3A_502, %sub3A_500, %dma_start3A_513] : memref<64x125x80xi32, #tpu.memory_space<hbm>> -> memref<1x1x80xi32, #tpu.memory_space<hbm>>
          %dma_start3A_515 = tpu.memref_squeeze %dma_start3A_514 : memref<1x1x80xi32, #tpu.memory_space<hbm>> -> memref<80xi32, #tpu.memory_space<hbm>>
          tpu.enqueue_dma source(%dma_start3A_515 : memref<80xi32, #tpu.memory_space<hbm>>) target(%dma_start3A_512 : memref<80xi32, #tpu.memory_space<vmem>>) target_semaphore(%arg26 : memref<!tpu.dma_semaphore, #tpu.memory_space<semaphore_mem>>)
        } else {
        }
        %add3A_439 = arith.constant 8 : i32
        %add3A_440 = arith.addi %scan3A_259, %add3A_439 : i32
        %sub3A_441 = arith.constant 1 : i32
        %sub3A_442 = arith.subi %add3A_440, %sub3A_441 : i32
        %lt3A_443 = arith.constant 125 : i32
        %lt3A_444 = arith.cmpi slt, %sub3A_442, %lt3A_443 : i32
        %convert_element_type3A_445 = arith.extui %lt3A_444 : i1 to i32
        %cond3A_446 = arith.constant 0 : i32
        %cond3A_447 = arith.cmpi ne, %convert_element_type3A_445, %cond3A_446 : i32
        scf.if %cond3A_447 {
          %add3A_464 = arith.constant 8 : i32
          %add3A_465 = arith.addi %scan3A_259, %add3A_464 : i32
          %sub3A_466 = arith.constant 1 : i32
          %sub3A_467 = arith.subi %add3A_465, %sub3A_466 : i32
          %dma_start3A_468 = arith.constant 7 : i32
          %dma_start3A_469 = arith.constant 0 : i32
          %dma_start3A_470 = tpu.memref_slice %arg5[%dma_start3A_468, %dma_start3A_469] : memref<8x80xi32, #tpu.memory_space<vmem>> -> memref<1x80xi32, #tpu.memory_space<vmem>>
          %dma_start3A_471 = tpu.memref_squeeze %dma_start3A_470 : memref<1x80xi32, #tpu.memory_space<vmem>> -> memref<80xi32, #tpu.memory_space<vmem>>
          %dma_start3A_472 = arith.constant 0 : i32
          %dma_start3A_473 = tpu.memref_slice %arg3[%add3A, %sub3A_467, %dma_start3A_472] : memref<64x125x80xi32, #tpu.memory_space<hbm>> -> memref<1x1x80xi32, #tpu.memory_space<hbm>>
          %dma_start3A_474 = tpu.memref_squeeze %dma_start3A_473 : memref<1x1x80xi32, #tpu.memory_space<hbm>> -> memref<80xi32, #tpu.memory_space<hbm>>
          %dma_start3A_475 = arith.constant 0 : i32
          %dma_start3A_476 = tpu.memref_slice %arg5[%dma_start3A_468, %dma_start3A_475] : memref<8x80xi32, #tpu.memory_space<vmem>> -> memref<1x80xi32, #tpu.memory_space<vmem>>
          %dma_start3A_477 = tpu.memref_squeeze %dma_start3A_476 : memref<1x80xi32, #tpu.memory_space<vmem>> -> memref<80xi32, #tpu.memory_space<vmem>>
          %dma_start3A_478 = arith.constant 0 : i32
          %dma_start3A_479 = tpu.memref_slice %arg3[%add3A, %sub3A_467, %dma_start3A_478] : memref<64x125x80xi32, #tpu.memory_space<hbm>> -> memref<1x1x80xi32, #tpu.memory_space<hbm>>
          %dma_start3A_480 = tpu.memref_squeeze %dma_start3A_479 : memref<1x1x80xi32, #tpu.memory_space<hbm>> -> memref<80xi32, #tpu.memory_space<hbm>>
          tpu.enqueue_dma source(%dma_start3A_480 : memref<80xi32, #tpu.memory_space<hbm>>) target(%dma_start3A_477 : memref<80xi32, #tpu.memory_space<vmem>>) target_semaphore(%arg18 : memref<!tpu.dma_semaphore, #tpu.memory_space<semaphore_mem>>)
        } else {
        }
        %add3A_448 = arith.constant 32 : i32
        %add3A_449 = arith.addi %add3A_448, %add3A : i32
        %dma_wait3A_450 = arith.constant 0 : i32
        %dma_wait3A_451 = arith.constant 0 : i32
        %dma_wait3A_452 = tpu.memref_slice %arg6[%dma_wait3A_450, %dma_wait3A_451] : memref<4x80xi32, #tpu.memory_space<vmem>> -> memref<1x80xi32, #tpu.memory_space<vmem>>
        %dma_wait3A_453 = tpu.memref_squeeze %dma_wait3A_452 : memref<1x80xi32, #tpu.memory_space<vmem>> -> memref<80xi32, #tpu.memory_space<vmem>>
        %dma_wait3A_454 = arith.constant 0 : i32
        %dma_wait3A_455 = tpu.memref_slice %arg3[%add3A_449, %scan3A_259, %dma_wait3A_454] : memref<64x125x80xi32, #tpu.memory_space<hbm>> -> memref<1x1x80xi32, #tpu.memory_space<hbm>>
        %dma_wait3A_456 = tpu.memref_squeeze %dma_wait3A_455 : memref<1x1x80xi32, #tpu.memory_space<hbm>> -> memref<80xi32, #tpu.memory_space<hbm>>
        %dma_wait3A_457 = arith.constant 0 : i32
        %dma_wait3A_458 = tpu.memref_slice %arg6[%dma_wait3A_450, %dma_wait3A_457] : memref<4x80xi32, #tpu.memory_space<vmem>> -> memref<1x80xi32, #tpu.memory_space<vmem>>
        %dma_wait3A_459 = tpu.memref_squeeze %dma_wait3A_458 : memref<1x80xi32, #tpu.memory_space<vmem>> -> memref<80xi32, #tpu.memory_space<vmem>>
        %dma_wait3A_460 = arith.constant 0 : i32
        %dma_wait3A_461 = tpu.memref_slice %arg3[%add3A_449, %scan3A_259, %dma_wait3A_460] : memref<64x125x80xi32, #tpu.memory_space<hbm>> -> memref<1x1x80xi32, #tpu.memory_space<hbm>>
        %dma_wait3A_462 = tpu.memref_squeeze %dma_wait3A_461 : memref<1x1x80xi32, #tpu.memory_space<hbm>> -> memref<80xi32, #tpu.memory_space<hbm>>
        tpu.wait_dma2 semaphore(%arg23 : memref<!tpu.dma_semaphore, #tpu.memory_space<semaphore_mem>>) src(%dma_wait3A_462 : memref<80xi32, #tpu.memory_space<hbm>>) dst(%dma_wait3A_459 : memref<80xi32, #tpu.memory_space<vmem>>)
        %run_scoped3A = arith.constant 0 : i32
        %run_scoped3A_463 = arith.constant 0 : i32
        "tpu.region"() ({
          %run_scoped3A_464 = tpu.sem_alloc : memref<!tpu.dma_semaphore, #tpu.memory_space<semaphore_mem>>
          %dma_start3A_465 = arith.constant 0 : i32
          %dma_start3A_466 = arith.constant 0 : i32
          %dma_start3A_467 = tpu.memref_slice %arg7[%run_scoped3A, %dma_start3A_465, %dma_start3A_466] : memref<4x80x128xf32, #tpu.memory_space<vmem>> -> memref<1x80x128xf32, #tpu.memory_space<vmem>>
          %dma_start3A_468 = tpu.memref_squeeze %dma_start3A_467 : memref<1x80x128xf32, #tpu.memory_space<vmem>> -> memref<80x128xf32, #tpu.memory_space<vmem>>
          %dma_start3A_469 = arith.constant 0 : i32
          %dma_start3A_470 = tpu.memref_slice %arg6[%run_scoped3A_463, %dma_start3A_469] : memref<4x80xi32, #tpu.memory_space<vmem>> -> memref<1x80xi32, #tpu.memory_space<vmem>>
          %dma_start3A_471 = tpu.memref_squeeze %dma_start3A_470 : memref<1x80xi32, #tpu.memory_space<vmem>> -> memref<80xi32, #tpu.memory_space<vmem>>
          %dma_start3A_472 = arith.constant 0 : i32
          %dma_start3A_473 = arith.constant 0 : i32
          %dma_start3A_474 = tpu.memref_slice %arg9[%dma_start3A_472, %dma_start3A_473] : memref<10000x128xf32, #tpu.memory_space<vmem_shared>> -> memref<10000x128xf32, #tpu.memory_space<vmem_shared>>
          tpu.enqueue_indirect_dma source(%dma_start3A_468 : memref<80x128xf32, #tpu.memory_space<vmem>>) target(%dma_start3A_474 : memref<10000x128xf32, #tpu.memory_space<vmem_shared>>) offsets(%dma_start3A_471 : memref<80xi32, #tpu.memory_space<vmem>>) semaphore(%run_scoped3A_464 : memref<!tpu.dma_semaphore, #tpu.memory_space<semaphore_mem>>) {add = true}
          %dma_wait3A_475 = arith.constant 0 : i32
          %dma_wait3A_476 = arith.constant 0 : i32
          %dma_wait3A_477 = tpu.memref_slice %arg7[%run_scoped3A, %dma_wait3A_475, %dma_wait3A_476] : memref<4x80x128xf32, #tpu.memory_space<vmem>> -> memref<1x80x128xf32, #tpu.memory_space<vmem>>
          %dma_wait3A_478 = tpu.memref_squeeze %dma_wait3A_477 : memref<1x80x128xf32, #tpu.memory_space<vmem>> -> memref<80x128xf32, #tpu.memory_space<vmem>>
          %dma_wait3A_479 = arith.constant 0 : i32
          %dma_wait3A_480 = tpu.memref_slice %arg6[%run_scoped3A_463, %dma_wait3A_479] : memref<4x80xi32, #tpu.memory_space<vmem>> -> memref<1x80xi32, #tpu.memory_space<vmem>>
          %dma_wait3A_481 = tpu.memref_squeeze %dma_wait3A_480 : memref<1x80xi32, #tpu.memory_space<vmem>> -> memref<80xi32, #tpu.memory_space<vmem>>
          %dma_wait3A_482 = arith.constant 0 : i32
          %dma_wait3A_483 = arith.constant 0 : i32
          %dma_wait3A_484 = tpu.memref_slice %arg9[%dma_wait3A_482, %dma_wait3A_483] : memref<10000x128xf32, #tpu.memory_space<vmem_shared>> -> memref<10000x128xf32, #tpu.memory_space<vmem_shared>>
          tpu.wait_indirect_dma semaphore(%run_scoped3A_464 : memref<!tpu.dma_semaphore, #tpu.memory_space<semaphore_mem>>) src(%dma_wait3A_478 : memref<80x128xf32, #tpu.memory_space<vmem>>) dst(%dma_wait3A_484 : memref<10000x128xf32, #tpu.memory_space<vmem_shared>>)
          tpu.yield
        }) : () -> ()
      } else {
      }
      %jit3A_272 = arith.constant 8 : i32
      %eq3A_273 = arith.constant 0 : i32
      %eq3A_274 = arith.cmpi eq, %jit3A_272, %eq3A_273 : i32
      %jit3A_275 = arith.constant 1 : i32
      %select_n3A_276 = arith.select %eq3A_274, %jit3A_275, %jit3A_272 : i32
      %rem3A_277 = arith.remsi %scan3A_259, %select_n3A_276 : i32
      %ne3A_278 = arith.constant 0 : i32
      %ne3A_279 = arith.cmpi ne, %rem3A_277, %ne3A_278 : i32
      %lt3A_280 = arith.constant 0 : i32
      %lt3A_281 = arith.cmpi slt, %rem3A_277, %lt3A_280 : i32
      %lt3A_282 = arith.constant 0 : i32
      %lt3A_283 = arith.cmpi slt, %select_n3A_276, %lt3A_282 : i32
      %ne3A_284 = arith.xori %lt3A_281, %lt3A_283 : i1
      %and3A_285 = arith.andi %ne3A_284, %ne3A_279 : i1
      %add3A_286 = arith.addi %rem3A_277, %select_n3A_276 : i32
      %select_n3A_287 = arith.select %and3A_285, %add3A_286, %rem3A_277 : i32
      %eq3A_288 = arith.constant 1 : i32
      %eq3A_289 = arith.cmpi eq, %select_n3A_287, %eq3A_288 : i32
      %convert_element_type3A_290 = arith.extui %eq3A_289 : i1 to i32
      %cond3A_291 = arith.constant 0 : i32
      %cond3A_292 = arith.cmpi ne, %convert_element_type3A_290, %cond3A_291 : i32
      scf.if %cond3A_292 {
        %dma_wait3A_419 = arith.constant 1 : i32
        %dma_wait3A_420 = arith.constant 1 : i32
        %dma_wait3A_421 = arith.constant 0 : i32
        %dma_wait3A_422 = arith.constant 0 : i32
        %dma_wait3A_423 = tpu.memref_slice %arg7[%dma_wait3A_420, %dma_wait3A_421, %dma_wait3A_422] : memref<4x80x128xf32, #tpu.memory_space<vmem>> -> memref<1x80x128xf32, #tpu.memory_space<vmem>>
        %dma_wait3A_424 = tpu.memref_squeeze %dma_wait3A_423 : memref<1x80x128xf32, #tpu.memory_space<vmem>> -> memref<80x128xf32, #tpu.memory_space<vmem>>
        %dma_wait3A_425 = arith.constant 0 : i32
        %dma_wait3A_426 = tpu.memref_slice %arg5[%dma_wait3A_419, %dma_wait3A_425] : memref<8x80xi32, #tpu.memory_space<vmem>> -> memref<1x80xi32, #tpu.memory_space<vmem>>
        %dma_wait3A_427 = tpu.memref_squeeze %dma_wait3A_426 : memref<1x80xi32, #tpu.memory_space<vmem>> -> memref<80xi32, #tpu.memory_space<vmem>>
        %dma_wait3A_428 = arith.constant 0 : i32
        %dma_wait3A_429 = arith.constant 0 : i32
        %dma_wait3A_430 = tpu.memref_slice %arg2[%dma_wait3A_428, %dma_wait3A_429] : memref<10000x128xf32, #tpu.memory_space<hbm>> -> memref<10000x128xf32, #tpu.memory_space<hbm>>
        tpu.wait_indirect_dma semaphore(%arg20 : memref<!tpu.dma_semaphore, #tpu.memory_space<semaphore_mem>>) src(%dma_wait3A_430 : memref<10000x128xf32, #tpu.memory_space<hbm>>) dst(%dma_wait3A_424 : memref<80x128xf32, #tpu.memory_space<vmem>>)
        %add3A_431 = arith.constant 4 : i32
        %add3A_432 = arith.addi %scan3A_259, %add3A_431 : i32
        %sub3A = arith.constant 1 : i32
        %sub3A_433 = arith.subi %add3A_432, %sub3A : i32
        %lt3A_434 = arith.constant 125 : i32
        %lt3A_435 = arith.cmpi slt, %sub3A_433, %lt3A_434 : i32
        %convert_element_type3A_436 = arith.extui %lt3A_435 : i1 to i32
        %cond3A_437 = arith.constant 0 : i32
        %cond3A_438 = arith.cmpi ne, %convert_element_type3A_436, %cond3A_437 : i32
        scf.if %cond3A_438 {
          %add3A_464 = arith.constant 4 : i32
          %add3A_465 = arith.addi %scan3A_259, %add3A_464 : i32
          %sub3A_466 = arith.constant 1 : i32
          %sub3A_467 = arith.subi %add3A_465, %sub3A_466 : i32
          %dma_wait3A_468 = arith.constant 4 : i32
          %dma_wait3A_469 = arith.constant 0 : i32
          %dma_wait3A_470 = tpu.memref_slice %arg5[%dma_wait3A_468, %dma_wait3A_469] : memref<8x80xi32, #tpu.memory_space<vmem>> -> memref<1x80xi32, #tpu.memory_space<vmem>>
          %dma_wait3A_471 = tpu.memref_squeeze %dma_wait3A_470 : memref<1x80xi32, #tpu.memory_space<vmem>> -> memref<80xi32, #tpu.memory_space<vmem>>
          %dma_wait3A_472 = arith.constant 0 : i32
          %dma_wait3A_473 = tpu.memref_slice %arg3[%add3A, %sub3A_467, %dma_wait3A_472] : memref<64x125x80xi32, #tpu.memory_space<hbm>> -> memref<1x1x80xi32, #tpu.memory_space<hbm>>
          %dma_wait3A_474 = tpu.memref_squeeze %dma_wait3A_473 : memref<1x1x80xi32, #tpu.memory_space<hbm>> -> memref<80xi32, #tpu.memory_space<hbm>>
          %dma_wait3A_475 = arith.constant 0 : i32
          %dma_wait3A_476 = tpu.memref_slice %arg5[%dma_wait3A_468, %dma_wait3A_475] : memref<8x80xi32, #tpu.memory_space<vmem>> -> memref<1x80xi32, #tpu.memory_space<vmem>>
          %dma_wait3A_477 = tpu.memref_squeeze %dma_wait3A_476 : memref<1x80xi32, #tpu.memory_space<vmem>> -> memref<80xi32, #tpu.memory_space<vmem>>
          %dma_wait3A_478 = arith.constant 0 : i32
          %dma_wait3A_479 = tpu.memref_slice %arg3[%add3A, %sub3A_467, %dma_wait3A_478] : memref<64x125x80xi32, #tpu.memory_space<hbm>> -> memref<1x1x80xi32, #tpu.memory_space<hbm>>
          %dma_wait3A_480 = tpu.memref_squeeze %dma_wait3A_479 : memref<1x1x80xi32, #tpu.memory_space<hbm>> -> memref<80xi32, #tpu.memory_space<hbm>>
          tpu.wait_dma2 semaphore(%arg15 : memref<!tpu.dma_semaphore, #tpu.memory_space<semaphore_mem>>) src(%dma_wait3A_480 : memref<80xi32, #tpu.memory_space<hbm>>) dst(%dma_wait3A_477 : memref<80xi32, #tpu.memory_space<vmem>>)
          %add3A_481 = arith.constant 4 : i32
          %add3A_482 = arith.addi %scan3A_259, %add3A_481 : i32
          %sub3A_483 = arith.constant 1 : i32
          %sub3A_484 = arith.subi %add3A_482, %sub3A_483 : i32
          %dma_start3A_485 = arith.constant 4 : i32
          %dma_start3A_486 = arith.constant 0 : i32
          %dma_start3A_487 = arith.constant 0 : i32
          %dma_start3A_488 = arith.constant 0 : i32
          %dma_start3A_489 = tpu.memref_slice %arg7[%dma_start3A_486, %dma_start3A_487, %dma_start3A_488] : memref<4x80x128xf32, #tpu.memory_space<vmem>> -> memref<1x80x128xf32, #tpu.memory_space<vmem>>
          %dma_start3A_490 = tpu.memref_squeeze %dma_start3A_489 : memref<1x80x128xf32, #tpu.memory_space<vmem>> -> memref<80x128xf32, #tpu.memory_space<vmem>>
          %dma_start3A_491 = arith.constant 0 : i32
          %dma_start3A_492 = tpu.memref_slice %arg5[%dma_start3A_485, %dma_start3A_491] : memref<8x80xi32, #tpu.memory_space<vmem>> -> memref<1x80xi32, #tpu.memory_space<vmem>>
          %dma_start3A_493 = tpu.memref_squeeze %dma_start3A_492 : memref<1x80xi32, #tpu.memory_space<vmem>> -> memref<80xi32, #tpu.memory_space<vmem>>
          %dma_start3A_494 = arith.constant 0 : i32
          %dma_start3A_495 = arith.constant 0 : i32
          %dma_start3A_496 = tpu.memref_slice %arg2[%dma_start3A_494, %dma_start3A_495] : memref<10000x128xf32, #tpu.memory_space<hbm>> -> memref<10000x128xf32, #tpu.memory_space<hbm>>
          tpu.enqueue_indirect_dma source(%dma_start3A_496 : memref<10000x128xf32, #tpu.memory_space<hbm>>) target(%dma_start3A_490 : memref<80x128xf32, #tpu.memory_space<vmem>>) offsets(%dma_start3A_493 : memref<80xi32, #tpu.memory_space<vmem>>) semaphore(%arg19 : memref<!tpu.dma_semaphore, #tpu.memory_space<semaphore_mem>>)
          %add3A_497 = arith.constant 4 : i32
          %add3A_498 = arith.addi %scan3A_259, %add3A_497 : i32
          %sub3A_499 = arith.constant 1 : i32
          %sub3A_500 = arith.subi %add3A_498, %sub3A_499 : i32
          %add3A_501 = arith.constant 32 : i32
          %add3A_502 = arith.addi %add3A_501, %add3A : i32
          %dma_start3A_503 = arith.constant 0 : i32
          %dma_start3A_504 = arith.constant 0 : i32
          %dma_start3A_505 = tpu.memref_slice %arg6[%dma_start3A_503, %dma_start3A_504] : memref<4x80xi32, #tpu.memory_space<vmem>> -> memref<1x80xi32, #tpu.memory_space<vmem>>
          %dma_start3A_506 = tpu.memref_squeeze %dma_start3A_505 : memref<1x80xi32, #tpu.memory_space<vmem>> -> memref<80xi32, #tpu.memory_space<vmem>>
          %dma_start3A_507 = arith.constant 0 : i32
          %dma_start3A_508 = tpu.memref_slice %arg3[%add3A_502, %sub3A_500, %dma_start3A_507] : memref<64x125x80xi32, #tpu.memory_space<hbm>> -> memref<1x1x80xi32, #tpu.memory_space<hbm>>
          %dma_start3A_509 = tpu.memref_squeeze %dma_start3A_508 : memref<1x1x80xi32, #tpu.memory_space<hbm>> -> memref<80xi32, #tpu.memory_space<hbm>>
          %dma_start3A_510 = arith.constant 0 : i32
          %dma_start3A_511 = tpu.memref_slice %arg6[%dma_start3A_503, %dma_start3A_510] : memref<4x80xi32, #tpu.memory_space<vmem>> -> memref<1x80xi32, #tpu.memory_space<vmem>>
          %dma_start3A_512 = tpu.memref_squeeze %dma_start3A_511 : memref<1x80xi32, #tpu.memory_space<vmem>> -> memref<80xi32, #tpu.memory_space<vmem>>
          %dma_start3A_513 = arith.constant 0 : i32
          %dma_start3A_514 = tpu.memref_slice %arg3[%add3A_502, %sub3A_500, %dma_start3A_513] : memref<64x125x80xi32, #tpu.memory_space<hbm>> -> memref<1x1x80xi32, #tpu.memory_space<hbm>>
          %dma_start3A_515 = tpu.memref_squeeze %dma_start3A_514 : memref<1x1x80xi32, #tpu.memory_space<hbm>> -> memref<80xi32, #tpu.memory_space<hbm>>
          tpu.enqueue_dma source(%dma_start3A_515 : memref<80xi32, #tpu.memory_space<hbm>>) target(%dma_start3A_512 : memref<80xi32, #tpu.memory_space<vmem>>) target_semaphore(%arg23 : memref<!tpu.dma_semaphore, #tpu.memory_space<semaphore_mem>>)
        } else {
        }
        %add3A_439 = arith.constant 8 : i32
        %add3A_440 = arith.addi %scan3A_259, %add3A_439 : i32
        %sub3A_441 = arith.constant 1 : i32
        %sub3A_442 = arith.subi %add3A_440, %sub3A_441 : i32
        %lt3A_443 = arith.constant 125 : i32
        %lt3A_444 = arith.cmpi slt, %sub3A_442, %lt3A_443 : i32
        %convert_element_type3A_445 = arith.extui %lt3A_444 : i1 to i32
        %cond3A_446 = arith.constant 0 : i32
        %cond3A_447 = arith.cmpi ne, %convert_element_type3A_445, %cond3A_446 : i32
        scf.if %cond3A_447 {
          %add3A_464 = arith.constant 8 : i32
          %add3A_465 = arith.addi %scan3A_259, %add3A_464 : i32
          %sub3A_466 = arith.constant 1 : i32
          %sub3A_467 = arith.subi %add3A_465, %sub3A_466 : i32
          %dma_start3A_468 = arith.constant 0 : i32
          %dma_start3A_469 = arith.constant 0 : i32
          %dma_start3A_470 = tpu.memref_slice %arg5[%dma_start3A_468, %dma_start3A_469] : memref<8x80xi32, #tpu.memory_space<vmem>> -> memref<1x80xi32, #tpu.memory_space<vmem>>
          %dma_start3A_471 = tpu.memref_squeeze %dma_start3A_470 : memref<1x80xi32, #tpu.memory_space<vmem>> -> memref<80xi32, #tpu.memory_space<vmem>>
          %dma_start3A_472 = arith.constant 0 : i32
          %dma_start3A_473 = tpu.memref_slice %arg3[%add3A, %sub3A_467, %dma_start3A_472] : memref<64x125x80xi32, #tpu.memory_space<hbm>> -> memref<1x1x80xi32, #tpu.memory_space<hbm>>
          %dma_start3A_474 = tpu.memref_squeeze %dma_start3A_473 : memref<1x1x80xi32, #tpu.memory_space<hbm>> -> memref<80xi32, #tpu.memory_space<hbm>>
          %dma_start3A_475 = arith.constant 0 : i32
          %dma_start3A_476 = tpu.memref_slice %arg5[%dma_start3A_468, %dma_start3A_475] : memref<8x80xi32, #tpu.memory_space<vmem>> -> memref<1x80xi32, #tpu.memory_space<vmem>>
          %dma_start3A_477 = tpu.memref_squeeze %dma_start3A_476 : memref<1x80xi32, #tpu.memory_space<vmem>> -> memref<80xi32, #tpu.memory_space<vmem>>
          %dma_start3A_478 = arith.constant 0 : i32
          %dma_start3A_479 = tpu.memref_slice %arg3[%add3A, %sub3A_467, %dma_start3A_478] : memref<64x125x80xi32, #tpu.memory_space<hbm>> -> memref<1x1x80xi32, #tpu.memory_space<hbm>>
          %dma_start3A_480 = tpu.memref_squeeze %dma_start3A_479 : memref<1x1x80xi32, #tpu.memory_space<hbm>> -> memref<80xi32, #tpu.memory_space<hbm>>
          tpu.enqueue_dma source(%dma_start3A_480 : memref<80xi32, #tpu.memory_space<hbm>>) target(%dma_start3A_477 : memref<80xi32, #tpu.memory_space<vmem>>) target_semaphore(%arg11 : memref<!tpu.dma_semaphore, #tpu.memory_space<semaphore_mem>>)
        } else {
        }
        %add3A_448 = arith.constant 32 : i32
        %add3A_449 = arith.addi %add3A_448, %add3A : i32
        %dma_wait3A_450 = arith.constant 1 : i32
        %dma_wait3A_451 = arith.constant 0 : i32
        %dma_wait3A_452 = tpu.memref_slice %arg6[%dma_wait3A_450, %dma_wait3A_451] : memref<4x80xi32, #tpu.memory_space<vmem>> -> memref<1x80xi32, #tpu.memory_space<vmem>>
        %dma_wait3A_453 = tpu.memref_squeeze %dma_wait3A_452 : memref<1x80xi32, #tpu.memory_space<vmem>> -> memref<80xi32, #tpu.memory_space<vmem>>
        %dma_wait3A_454 = arith.constant 0 : i32
        %dma_wait3A_455 = tpu.memref_slice %arg3[%add3A_449, %scan3A_259, %dma_wait3A_454] : memref<64x125x80xi32, #tpu.memory_space<hbm>> -> memref<1x1x80xi32, #tpu.memory_space<hbm>>
        %dma_wait3A_456 = tpu.memref_squeeze %dma_wait3A_455 : memref<1x1x80xi32, #tpu.memory_space<hbm>> -> memref<80xi32, #tpu.memory_space<hbm>>
        %dma_wait3A_457 = arith.constant 0 : i32
        %dma_wait3A_458 = tpu.memref_slice %arg6[%dma_wait3A_450, %dma_wait3A_457] : memref<4x80xi32, #tpu.memory_space<vmem>> -> memref<1x80xi32, #tpu.memory_space<vmem>>
        %dma_wait3A_459 = tpu.memref_squeeze %dma_wait3A_458 : memref<1x80xi32, #tpu.memory_space<vmem>> -> memref<80xi32, #tpu.memory_space<vmem>>
        %dma_wait3A_460 = arith.constant 0 : i32
        %dma_wait3A_461 = tpu.memref_slice %arg3[%add3A_449, %scan3A_259, %dma_wait3A_460] : memref<64x125x80xi32, #tpu.memory_space<hbm>> -> memref<1x1x80xi32, #tpu.memory_space<hbm>>
        %dma_wait3A_462 = tpu.memref_squeeze %dma_wait3A_461 : memref<1x1x80xi32, #tpu.memory_space<hbm>> -> memref<80xi32, #tpu.memory_space<hbm>>
        tpu.wait_dma2 semaphore(%arg24 : memref<!tpu.dma_semaphore, #tpu.memory_space<semaphore_mem>>) src(%dma_wait3A_462 : memref<80xi32, #tpu.memory_space<hbm>>) dst(%dma_wait3A_459 : memref<80xi32, #tpu.memory_space<vmem>>)
        %run_scoped3A = arith.constant 1 : i32
        %run_scoped3A_463 = arith.constant 1 : i32
        "tpu.region"() ({
          %run_scoped3A_464 = tpu.sem_alloc : memref<!tpu.dma_semaphore, #tpu.memory_space<semaphore_mem>>
          %dma_start3A_465 = arith.constant 0 : i32
          %dma_start3A_466 = arith.constant 0 : i32
          %dma_start3A_467 = tpu.memref_slice %arg7[%run_scoped3A, %dma_start3A_465, %dma_start3A_466] : memref<4x80x128xf32, #tpu.memory_space<vmem>> -> memref<1x80x128xf32, #tpu.memory_space<vmem>>
          %dma_start3A_468 = tpu.memref_squeeze %dma_start3A_467 : memref<1x80x128xf32, #tpu.memory_space<vmem>> -> memref<80x128xf32, #tpu.memory_space<vmem>>
          %dma_start3A_469 = arith.constant 0 : i32
          %dma_start3A_470 = tpu.memref_slice %arg6[%run_scoped3A_463, %dma_start3A_469] : memref<4x80xi32, #tpu.memory_space<vmem>> -> memref<1x80xi32, #tpu.memory_space<vmem>>
          %dma_start3A_471 = tpu.memref_squeeze %dma_start3A_470 : memref<1x80xi32, #tpu.memory_space<vmem>> -> memref<80xi32, #tpu.memory_space<vmem>>
          %dma_start3A_472 = arith.constant 0 : i32
          %dma_start3A_473 = arith.constant 0 : i32
          %dma_start3A_474 = tpu.memref_slice %arg9[%dma_start3A_472, %dma_start3A_473] : memref<10000x128xf32, #tpu.memory_space<vmem_shared>> -> memref<10000x128xf32, #tpu.memory_space<vmem_shared>>
          tpu.enqueue_indirect_dma source(%dma_start3A_468 : memref<80x128xf32, #tpu.memory_space<vmem>>) target(%dma_start3A_474 : memref<10000x128xf32, #tpu.memory_space<vmem_shared>>) offsets(%dma_start3A_471 : memref<80xi32, #tpu.memory_space<vmem>>) semaphore(%run_scoped3A_464 : memref<!tpu.dma_semaphore, #tpu.memory_space<semaphore_mem>>) {add = true}
          %dma_wait3A_475 = arith.constant 0 : i32
          %dma_wait3A_476 = arith.constant 0 : i32
          %dma_wait3A_477 = tpu.memref_slice %arg7[%run_scoped3A, %dma_wait3A_475, %dma_wait3A_476] : memref<4x80x128xf32, #tpu.memory_space<vmem>> -> memref<1x80x128xf32, #tpu.memory_space<vmem>>
          %dma_wait3A_478 = tpu.memref_squeeze %dma_wait3A_477 : memref<1x80x128xf32, #tpu.memory_space<vmem>> -> memref<80x128xf32, #tpu.memory_space<vmem>>
          %dma_wait3A_479 = arith.constant 0 : i32
          %dma_wait3A_480 = tpu.memref_slice %arg6[%run_scoped3A_463, %dma_wait3A_479] : memref<4x80xi32, #tpu.memory_space<vmem>> -> memref<1x80xi32, #tpu.memory_space<vmem>>
          %dma_wait3A_481 = tpu.memref_squeeze %dma_wait3A_480 : memref<1x80xi32, #tpu.memory_space<vmem>> -> memref<80xi32, #tpu.memory_space<vmem>>
          %dma_wait3A_482 = arith.constant 0 : i32
          %dma_wait3A_483 = arith.constant 0 : i32
          %dma_wait3A_484 = tpu.memref_slice %arg9[%dma_wait3A_482, %dma_wait3A_483] : memref<10000x128xf32, #tpu.memory_space<vmem_shared>> -> memref<10000x128xf32, #tpu.memory_space<vmem_shared>>
          tpu.wait_indirect_dma semaphore(%run_scoped3A_464 : memref<!tpu.dma_semaphore, #tpu.memory_space<semaphore_mem>>) src(%dma_wait3A_478 : memref<80x128xf32, #tpu.memory_space<vmem>>) dst(%dma_wait3A_484 : memref<10000x128xf32, #tpu.memory_space<vmem_shared>>)
          tpu.yield
        }) : () -> ()
      } else {
      }
      %jit3A_293 = arith.constant 8 : i32
      %eq3A_294 = arith.constant 0 : i32
      %eq3A_295 = arith.cmpi eq, %jit3A_293, %eq3A_294 : i32
      %jit3A_296 = arith.constant 1 : i32
      %select_n3A_297 = arith.select %eq3A_295, %jit3A_296, %jit3A_293 : i32
      %rem3A_298 = arith.remsi %scan3A_259, %select_n3A_297 : i32
      %ne3A_299 = arith.constant 0 : i32
      %ne3A_300 = arith.cmpi ne, %rem3A_298, %ne3A_299 : i32
      %lt3A_301 = arith.constant 0 : i32
      %lt3A_302 = arith.cmpi slt, %rem3A_298, %lt3A_301 : i32
      %lt3A_303 = arith.constant 0 : i32
      %lt3A_304 = arith.cmpi slt, %select_n3A_297, %lt3A_303 : i32
      %ne3A_305 = arith.xori %lt3A_302, %lt3A_304 : i1
      %and3A_306 = arith.andi %ne3A_305, %ne3A_300 : i1
      %add3A_307 = arith.addi %rem3A_298, %select_n3A_297 : i32
      %select_n3A_308 = arith.select %and3A_306, %add3A_307, %rem3A_298 : i32
      %eq3A_309 = arith.constant 2 : i32
      %eq3A_310 = arith.cmpi eq, %select_n3A_308, %eq3A_309 : i32
      %convert_element_type3A_311 = arith.extui %eq3A_310 : i1 to i32
      %cond3A_312 = arith.constant 0 : i32
      %cond3A_313 = arith.cmpi ne, %convert_element_type3A_311, %cond3A_312 : i32
      scf.if %cond3A_313 {
        %dma_wait3A_419 = arith.constant 2 : i32
        %dma_wait3A_420 = arith.constant 2 : i32
        %dma_wait3A_421 = arith.constant 0 : i32
        %dma_wait3A_422 = arith.constant 0 : i32
        %dma_wait3A_423 = tpu.memref_slice %arg7[%dma_wait3A_420, %dma_wait3A_421, %dma_wait3A_422] : memref<4x80x128xf32, #tpu.memory_space<vmem>> -> memref<1x80x128xf32, #tpu.memory_space<vmem>>
        %dma_wait3A_424 = tpu.memref_squeeze %dma_wait3A_423 : memref<1x80x128xf32, #tpu.memory_space<vmem>> -> memref<80x128xf32, #tpu.memory_space<vmem>>
        %dma_wait3A_425 = arith.constant 0 : i32
        %dma_wait3A_426 = tpu.memref_slice %arg5[%dma_wait3A_419, %dma_wait3A_425] : memref<8x80xi32, #tpu.memory_space<vmem>> -> memref<1x80xi32, #tpu.memory_space<vmem>>
        %dma_wait3A_427 = tpu.memref_squeeze %dma_wait3A_426 : memref<1x80xi32, #tpu.memory_space<vmem>> -> memref<80xi32, #tpu.memory_space<vmem>>
        %dma_wait3A_428 = arith.constant 0 : i32
        %dma_wait3A_429 = arith.constant 0 : i32
        %dma_wait3A_430 = tpu.memref_slice %arg2[%dma_wait3A_428, %dma_wait3A_429] : memref<10000x128xf32, #tpu.memory_space<hbm>> -> memref<10000x128xf32, #tpu.memory_space<hbm>>
        tpu.wait_indirect_dma semaphore(%arg21 : memref<!tpu.dma_semaphore, #tpu.memory_space<semaphore_mem>>) src(%dma_wait3A_430 : memref<10000x128xf32, #tpu.memory_space<hbm>>) dst(%dma_wait3A_424 : memref<80x128xf32, #tpu.memory_space<vmem>>)
        %add3A_431 = arith.constant 4 : i32
        %add3A_432 = arith.addi %scan3A_259, %add3A_431 : i32
        %sub3A = arith.constant 1 : i32
        %sub3A_433 = arith.subi %add3A_432, %sub3A : i32
        %lt3A_434 = arith.constant 125 : i32
        %lt3A_435 = arith.cmpi slt, %sub3A_433, %lt3A_434 : i32
        %convert_element_type3A_436 = arith.extui %lt3A_435 : i1 to i32
        %cond3A_437 = arith.constant 0 : i32
        %cond3A_438 = arith.cmpi ne, %convert_element_type3A_436, %cond3A_437 : i32
        scf.if %cond3A_438 {
          %add3A_464 = arith.constant 4 : i32
          %add3A_465 = arith.addi %scan3A_259, %add3A_464 : i32
          %sub3A_466 = arith.constant 1 : i32
          %sub3A_467 = arith.subi %add3A_465, %sub3A_466 : i32
          %dma_wait3A_468 = arith.constant 5 : i32
          %dma_wait3A_469 = arith.constant 0 : i32
          %dma_wait3A_470 = tpu.memref_slice %arg5[%dma_wait3A_468, %dma_wait3A_469] : memref<8x80xi32, #tpu.memory_space<vmem>> -> memref<1x80xi32, #tpu.memory_space<vmem>>
          %dma_wait3A_471 = tpu.memref_squeeze %dma_wait3A_470 : memref<1x80xi32, #tpu.memory_space<vmem>> -> memref<80xi32, #tpu.memory_space<vmem>>
          %dma_wait3A_472 = arith.constant 0 : i32
          %dma_wait3A_473 = tpu.memref_slice %arg3[%add3A, %sub3A_467, %dma_wait3A_472] : memref<64x125x80xi32, #tpu.memory_space<hbm>> -> memref<1x1x80xi32, #tpu.memory_space<hbm>>
          %dma_wait3A_474 = tpu.memref_squeeze %dma_wait3A_473 : memref<1x1x80xi32, #tpu.memory_space<hbm>> -> memref<80xi32, #tpu.memory_space<hbm>>
          %dma_wait3A_475 = arith.constant 0 : i32
          %dma_wait3A_476 = tpu.memref_slice %arg5[%dma_wait3A_468, %dma_wait3A_475] : memref<8x80xi32, #tpu.memory_space<vmem>> -> memref<1x80xi32, #tpu.memory_space<vmem>>
          %dma_wait3A_477 = tpu.memref_squeeze %dma_wait3A_476 : memref<1x80xi32, #tpu.memory_space<vmem>> -> memref<80xi32, #tpu.memory_space<vmem>>
          %dma_wait3A_478 = arith.constant 0 : i32
          %dma_wait3A_479 = tpu.memref_slice %arg3[%add3A, %sub3A_467, %dma_wait3A_478] : memref<64x125x80xi32, #tpu.memory_space<hbm>> -> memref<1x1x80xi32, #tpu.memory_space<hbm>>
          %dma_wait3A_480 = tpu.memref_squeeze %dma_wait3A_479 : memref<1x1x80xi32, #tpu.memory_space<hbm>> -> memref<80xi32, #tpu.memory_space<hbm>>
          tpu.wait_dma2 semaphore(%arg16 : memref<!tpu.dma_semaphore, #tpu.memory_space<semaphore_mem>>) src(%dma_wait3A_480 : memref<80xi32, #tpu.memory_space<hbm>>) dst(%dma_wait3A_477 : memref<80xi32, #tpu.memory_space<vmem>>)
          %add3A_481 = arith.constant 4 : i32
          %add3A_482 = arith.addi %scan3A_259, %add3A_481 : i32
          %sub3A_483 = arith.constant 1 : i32
          %sub3A_484 = arith.subi %add3A_482, %sub3A_483 : i32
          %dma_start3A_485 = arith.constant 5 : i32
          %dma_start3A_486 = arith.constant 1 : i32
          %dma_start3A_487 = arith.constant 0 : i32
          %dma_start3A_488 = arith.constant 0 : i32
          %dma_start3A_489 = tpu.memref_slice %arg7[%dma_start3A_486, %dma_start3A_487, %dma_start3A_488] : memref<4x80x128xf32, #tpu.memory_space<vmem>> -> memref<1x80x128xf32, #tpu.memory_space<vmem>>
          %dma_start3A_490 = tpu.memref_squeeze %dma_start3A_489 : memref<1x80x128xf32, #tpu.memory_space<vmem>> -> memref<80x128xf32, #tpu.memory_space<vmem>>
          %dma_start3A_491 = arith.constant 0 : i32
          %dma_start3A_492 = tpu.memref_slice %arg5[%dma_start3A_485, %dma_start3A_491] : memref<8x80xi32, #tpu.memory_space<vmem>> -> memref<1x80xi32, #tpu.memory_space<vmem>>
          %dma_start3A_493 = tpu.memref_squeeze %dma_start3A_492 : memref<1x80xi32, #tpu.memory_space<vmem>> -> memref<80xi32, #tpu.memory_space<vmem>>
          %dma_start3A_494 = arith.constant 0 : i32
          %dma_start3A_495 = arith.constant 0 : i32
          %dma_start3A_496 = tpu.memref_slice %arg2[%dma_start3A_494, %dma_start3A_495] : memref<10000x128xf32, #tpu.memory_space<hbm>> -> memref<10000x128xf32, #tpu.memory_space<hbm>>
          tpu.enqueue_indirect_dma source(%dma_start3A_496 : memref<10000x128xf32, #tpu.memory_space<hbm>>) target(%dma_start3A_490 : memref<80x128xf32, #tpu.memory_space<vmem>>) offsets(%dma_start3A_493 : memref<80xi32, #tpu.memory_space<vmem>>) semaphore(%arg20 : memref<!tpu.dma_semaphore, #tpu.memory_space<semaphore_mem>>)
          %add3A_497 = arith.constant 4 : i32
          %add3A_498 = arith.addi %scan3A_259, %add3A_497 : i32
          %sub3A_499 = arith.constant 1 : i32
          %sub3A_500 = arith.subi %add3A_498, %sub3A_499 : i32
          %add3A_501 = arith.constant 32 : i32
          %add3A_502 = arith.addi %add3A_501, %add3A : i32
          %dma_start3A_503 = arith.constant 1 : i32
          %dma_start3A_504 = arith.constant 0 : i32
          %dma_start3A_505 = tpu.memref_slice %arg6[%dma_start3A_503, %dma_start3A_504] : memref<4x80xi32, #tpu.memory_space<vmem>> -> memref<1x80xi32, #tpu.memory_space<vmem>>
          %dma_start3A_506 = tpu.memref_squeeze %dma_start3A_505 : memref<1x80xi32, #tpu.memory_space<vmem>> -> memref<80xi32, #tpu.memory_space<vmem>>
          %dma_start3A_507 = arith.constant 0 : i32
          %dma_start3A_508 = tpu.memref_slice %arg3[%add3A_502, %sub3A_500, %dma_start3A_507] : memref<64x125x80xi32, #tpu.memory_space<hbm>> -> memref<1x1x80xi32, #tpu.memory_space<hbm>>
          %dma_start3A_509 = tpu.memref_squeeze %dma_start3A_508 : memref<1x1x80xi32, #tpu.memory_space<hbm>> -> memref<80xi32, #tpu.memory_space<hbm>>
          %dma_start3A_510 = arith.constant 0 : i32
          %dma_start3A_511 = tpu.memref_slice %arg6[%dma_start3A_503, %dma_start3A_510] : memref<4x80xi32, #tpu.memory_space<vmem>> -> memref<1x80xi32, #tpu.memory_space<vmem>>
          %dma_start3A_512 = tpu.memref_squeeze %dma_start3A_511 : memref<1x80xi32, #tpu.memory_space<vmem>> -> memref<80xi32, #tpu.memory_space<vmem>>
          %dma_start3A_513 = arith.constant 0 : i32
          %dma_start3A_514 = tpu.memref_slice %arg3[%add3A_502, %sub3A_500, %dma_start3A_513] : memref<64x125x80xi32, #tpu.memory_space<hbm>> -> memref<1x1x80xi32, #tpu.memory_space<hbm>>
          %dma_start3A_515 = tpu.memref_squeeze %dma_start3A_514 : memref<1x1x80xi32, #tpu.memory_space<hbm>> -> memref<80xi32, #tpu.memory_space<hbm>>
          tpu.enqueue_dma source(%dma_start3A_515 : memref<80xi32, #tpu.memory_space<hbm>>) target(%dma_start3A_512 : memref<80xi32, #tpu.memory_space<vmem>>) target_semaphore(%arg24 : memref<!tpu.dma_semaphore, #tpu.memory_space<semaphore_mem>>)
        } else {
        }
        %add3A_439 = arith.constant 8 : i32
        %add3A_440 = arith.addi %scan3A_259, %add3A_439 : i32
        %sub3A_441 = arith.constant 1 : i32
        %sub3A_442 = arith.subi %add3A_440, %sub3A_441 : i32
        %lt3A_443 = arith.constant 125 : i32
        %lt3A_444 = arith.cmpi slt, %sub3A_442, %lt3A_443 : i32
        %convert_element_type3A_445 = arith.extui %lt3A_444 : i1 to i32
        %cond3A_446 = arith.constant 0 : i32
        %cond3A_447 = arith.cmpi ne, %convert_element_type3A_445, %cond3A_446 : i32
        scf.if %cond3A_447 {
          %add3A_464 = arith.constant 8 : i32
          %add3A_465 = arith.addi %scan3A_259, %add3A_464 : i32
          %sub3A_466 = arith.constant 1 : i32
          %sub3A_467 = arith.subi %add3A_465, %sub3A_466 : i32
          %dma_start3A_468 = arith.constant 1 : i32
          %dma_start3A_469 = arith.constant 0 : i32
          %dma_start3A_470 = tpu.memref_slice %arg5[%dma_start3A_468, %dma_start3A_469] : memref<8x80xi32, #tpu.memory_space<vmem>> -> memref<1x80xi32, #tpu.memory_space<vmem>>
          %dma_start3A_471 = tpu.memref_squeeze %dma_start3A_470 : memref<1x80xi32, #tpu.memory_space<vmem>> -> memref<80xi32, #tpu.memory_space<vmem>>
          %dma_start3A_472 = arith.constant 0 : i32
          %dma_start3A_473 = tpu.memref_slice %arg3[%add3A, %sub3A_467, %dma_start3A_472] : memref<64x125x80xi32, #tpu.memory_space<hbm>> -> memref<1x1x80xi32, #tpu.memory_space<hbm>>
          %dma_start3A_474 = tpu.memref_squeeze %dma_start3A_473 : memref<1x1x80xi32, #tpu.memory_space<hbm>> -> memref<80xi32, #tpu.memory_space<hbm>>
          %dma_start3A_475 = arith.constant 0 : i32
          %dma_start3A_476 = tpu.memref_slice %arg5[%dma_start3A_468, %dma_start3A_475] : memref<8x80xi32, #tpu.memory_space<vmem>> -> memref<1x80xi32, #tpu.memory_space<vmem>>
          %dma_start3A_477 = tpu.memref_squeeze %dma_start3A_476 : memref<1x80xi32, #tpu.memory_space<vmem>> -> memref<80xi32, #tpu.memory_space<vmem>>
          %dma_start3A_478 = arith.constant 0 : i32
          %dma_start3A_479 = tpu.memref_slice %arg3[%add3A, %sub3A_467, %dma_start3A_478] : memref<64x125x80xi32, #tpu.memory_space<hbm>> -> memref<1x1x80xi32, #tpu.memory_space<hbm>>
          %dma_start3A_480 = tpu.memref_squeeze %dma_start3A_479 : memref<1x1x80xi32, #tpu.memory_space<hbm>> -> memref<80xi32, #tpu.memory_space<hbm>>
          tpu.enqueue_dma source(%dma_start3A_480 : memref<80xi32, #tpu.memory_space<hbm>>) target(%dma_start3A_477 : memref<80xi32, #tpu.memory_space<vmem>>) target_semaphore(%arg12 : memref<!tpu.dma_semaphore, #tpu.memory_space<semaphore_mem>>)
        } else {
        }
        %add3A_448 = arith.constant 32 : i32
        %add3A_449 = arith.addi %add3A_448, %add3A : i32
        %dma_wait3A_450 = arith.constant 2 : i32
        %dma_wait3A_451 = arith.constant 0 : i32
        %dma_wait3A_452 = tpu.memref_slice %arg6[%dma_wait3A_450, %dma_wait3A_451] : memref<4x80xi32, #tpu.memory_space<vmem>> -> memref<1x80xi32, #tpu.memory_space<vmem>>
        %dma_wait3A_453 = tpu.memref_squeeze %dma_wait3A_452 : memref<1x80xi32, #tpu.memory_space<vmem>> -> memref<80xi32, #tpu.memory_space<vmem>>
        %dma_wait3A_454 = arith.constant 0 : i32
        %dma_wait3A_455 = tpu.memref_slice %arg3[%add3A_449, %scan3A_259, %dma_wait3A_454] : memref<64x125x80xi32, #tpu.memory_space<hbm>> -> memref<1x1x80xi32, #tpu.memory_space<hbm>>
        %dma_wait3A_456 = tpu.memref_squeeze %dma_wait3A_455 : memref<1x1x80xi32, #tpu.memory_space<hbm>> -> memref<80xi32, #tpu.memory_space<hbm>>
        %dma_wait3A_457 = arith.constant 0 : i32
        %dma_wait3A_458 = tpu.memref_slice %arg6[%dma_wait3A_450, %dma_wait3A_457] : memref<4x80xi32, #tpu.memory_space<vmem>> -> memref<1x80xi32, #tpu.memory_space<vmem>>
        %dma_wait3A_459 = tpu.memref_squeeze %dma_wait3A_458 : memref<1x80xi32, #tpu.memory_space<vmem>> -> memref<80xi32, #tpu.memory_space<vmem>>
        %dma_wait3A_460 = arith.constant 0 : i32
        %dma_wait3A_461 = tpu.memref_slice %arg3[%add3A_449, %scan3A_259, %dma_wait3A_460] : memref<64x125x80xi32, #tpu.memory_space<hbm>> -> memref<1x1x80xi32, #tpu.memory_space<hbm>>
        %dma_wait3A_462 = tpu.memref_squeeze %dma_wait3A_461 : memref<1x1x80xi32, #tpu.memory_space<hbm>> -> memref<80xi32, #tpu.memory_space<hbm>>
        tpu.wait_dma2 semaphore(%arg25 : memref<!tpu.dma_semaphore, #tpu.memory_space<semaphore_mem>>) src(%dma_wait3A_462 : memref<80xi32, #tpu.memory_space<hbm>>) dst(%dma_wait3A_459 : memref<80xi32, #tpu.memory_space<vmem>>)
        %run_scoped3A = arith.constant 2 : i32
        %run_scoped3A_463 = arith.constant 2 : i32
        "tpu.region"() ({
          %run_scoped3A_464 = tpu.sem_alloc : memref<!tpu.dma_semaphore, #tpu.memory_space<semaphore_mem>>
          %dma_start3A_465 = arith.constant 0 : i32
          %dma_start3A_466 = arith.constant 0 : i32
          %dma_start3A_467 = tpu.memref_slice %arg7[%run_scoped3A, %dma_start3A_465, %dma_start3A_466] : memref<4x80x128xf32, #tpu.memory_space<vmem>> -> memref<1x80x128xf32, #tpu.memory_space<vmem>>
          %dma_start3A_468 = tpu.memref_squeeze %dma_start3A_467 : memref<1x80x128xf32, #tpu.memory_space<vmem>> -> memref<80x128xf32, #tpu.memory_space<vmem>>
          %dma_start3A_469 = arith.constant 0 : i32
          %dma_start3A_470 = tpu.memref_slice %arg6[%run_scoped3A_463, %dma_start3A_469] : memref<4x80xi32, #tpu.memory_space<vmem>> -> memref<1x80xi32, #tpu.memory_space<vmem>>
          %dma_start3A_471 = tpu.memref_squeeze %dma_start3A_470 : memref<1x80xi32, #tpu.memory_space<vmem>> -> memref<80xi32, #tpu.memory_space<vmem>>
          %dma_start3A_472 = arith.constant 0 : i32
          %dma_start3A_473 = arith.constant 0 : i32
          %dma_start3A_474 = tpu.memref_slice %arg9[%dma_start3A_472, %dma_start3A_473] : memref<10000x128xf32, #tpu.memory_space<vmem_shared>> -> memref<10000x128xf32, #tpu.memory_space<vmem_shared>>
          tpu.enqueue_indirect_dma source(%dma_start3A_468 : memref<80x128xf32, #tpu.memory_space<vmem>>) target(%dma_start3A_474 : memref<10000x128xf32, #tpu.memory_space<vmem_shared>>) offsets(%dma_start3A_471 : memref<80xi32, #tpu.memory_space<vmem>>) semaphore(%run_scoped3A_464 : memref<!tpu.dma_semaphore, #tpu.memory_space<semaphore_mem>>) {add = true}
          %dma_wait3A_475 = arith.constant 0 : i32
          %dma_wait3A_476 = arith.constant 0 : i32
          %dma_wait3A_477 = tpu.memref_slice %arg7[%run_scoped3A, %dma_wait3A_475, %dma_wait3A_476] : memref<4x80x128xf32, #tpu.memory_space<vmem>> -> memref<1x80x128xf32, #tpu.memory_space<vmem>>
          %dma_wait3A_478 = tpu.memref_squeeze %dma_wait3A_477 : memref<1x80x128xf32, #tpu.memory_space<vmem>> -> memref<80x128xf32, #tpu.memory_space<vmem>>
          %dma_wait3A_479 = arith.constant 0 : i32
          %dma_wait3A_480 = tpu.memref_slice %arg6[%run_scoped3A_463, %dma_wait3A_479] : memref<4x80xi32, #tpu.memory_space<vmem>> -> memref<1x80xi32, #tpu.memory_space<vmem>>
          %dma_wait3A_481 = tpu.memref_squeeze %dma_wait3A_480 : memref<1x80xi32, #tpu.memory_space<vmem>> -> memref<80xi32, #tpu.memory_space<vmem>>
          %dma_wait3A_482 = arith.constant 0 : i32
          %dma_wait3A_483 = arith.constant 0 : i32
          %dma_wait3A_484 = tpu.memref_slice %arg9[%dma_wait3A_482, %dma_wait3A_483] : memref<10000x128xf32, #tpu.memory_space<vmem_shared>> -> memref<10000x128xf32, #tpu.memory_space<vmem_shared>>
          tpu.wait_indirect_dma semaphore(%run_scoped3A_464 : memref<!tpu.dma_semaphore, #tpu.memory_space<semaphore_mem>>) src(%dma_wait3A_478 : memref<80x128xf32, #tpu.memory_space<vmem>>) dst(%dma_wait3A_484 : memref<10000x128xf32, #tpu.memory_space<vmem_shared>>)
          tpu.yield
        }) : () -> ()
      } else {
      }
      %jit3A_314 = arith.constant 8 : i32
      %eq3A_315 = arith.constant 0 : i32
      %eq3A_316 = arith.cmpi eq, %jit3A_314, %eq3A_315 : i32
      %jit3A_317 = arith.constant 1 : i32
      %select_n3A_318 = arith.select %eq3A_316, %jit3A_317, %jit3A_314 : i32
      %rem3A_319 = arith.remsi %scan3A_259, %select_n3A_318 : i32
      %ne3A_320 = arith.constant 0 : i32
      %ne3A_321 = arith.cmpi ne, %rem3A_319, %ne3A_320 : i32
      %lt3A_322 = arith.constant 0 : i32
      %lt3A_323 = arith.cmpi slt, %rem3A_319, %lt3A_322 : i32
      %lt3A_324 = arith.constant 0 : i32
      %lt3A_325 = arith.cmpi slt, %select_n3A_318, %lt3A_324 : i32
      %ne3A_326 = arith.xori %lt3A_323, %lt3A_325 : i1
      %and3A_327 = arith.andi %ne3A_326, %ne3A_321 : i1
      %add3A_328 = arith.addi %rem3A_319, %select_n3A_318 : i32
      %select_n3A_329 = arith.select %and3A_327, %add3A_328, %rem3A_319 : i32
      %eq3A_330 = arith.constant 3 : i32
      %eq3A_331 = arith.cmpi eq, %select_n3A_329, %eq3A_330 : i32
      %convert_element_type3A_332 = arith.extui %eq3A_331 : i1 to i32
      %cond3A_333 = arith.constant 0 : i32
      %cond3A_334 = arith.cmpi ne, %convert_element_type3A_332, %cond3A_333 : i32
      scf.if %cond3A_334 {
        %dma_wait3A_419 = arith.constant 3 : i32
        %dma_wait3A_420 = arith.constant 3 : i32
        %dma_wait3A_421 = arith.constant 0 : i32
        %dma_wait3A_422 = arith.constant 0 : i32
        %dma_wait3A_423 = tpu.memref_slice %arg7[%dma_wait3A_420, %dma_wait3A_421, %dma_wait3A_422] : memref<4x80x128xf32, #tpu.memory_space<vmem>> -> memref<1x80x128xf32, #tpu.memory_space<vmem>>
        %dma_wait3A_424 = tpu.memref_squeeze %dma_wait3A_423 : memref<1x80x128xf32, #tpu.memory_space<vmem>> -> memref<80x128xf32, #tpu.memory_space<vmem>>
        %dma_wait3A_425 = arith.constant 0 : i32
        %dma_wait3A_426 = tpu.memref_slice %arg5[%dma_wait3A_419, %dma_wait3A_425] : memref<8x80xi32, #tpu.memory_space<vmem>> -> memref<1x80xi32, #tpu.memory_space<vmem>>
        %dma_wait3A_427 = tpu.memref_squeeze %dma_wait3A_426 : memref<1x80xi32, #tpu.memory_space<vmem>> -> memref<80xi32, #tpu.memory_space<vmem>>
        %dma_wait3A_428 = arith.constant 0 : i32
        %dma_wait3A_429 = arith.constant 0 : i32
        %dma_wait3A_430 = tpu.memref_slice %arg2[%dma_wait3A_428, %dma_wait3A_429] : memref<10000x128xf32, #tpu.memory_space<hbm>> -> memref<10000x128xf32, #tpu.memory_space<hbm>>
        tpu.wait_indirect_dma semaphore(%arg22 : memref<!tpu.dma_semaphore, #tpu.memory_space<semaphore_mem>>) src(%dma_wait3A_430 : memref<10000x128xf32, #tpu.memory_space<hbm>>) dst(%dma_wait3A_424 : memref<80x128xf32, #tpu.memory_space<vmem>>)
        %add3A_431 = arith.constant 4 : i32
        %add3A_432 = arith.addi %scan3A_259, %add3A_431 : i32
        %sub3A = arith.constant 1 : i32
        %sub3A_433 = arith.subi %add3A_432, %sub3A : i32
        %lt3A_434 = arith.constant 125 : i32
        %lt3A_435 = arith.cmpi slt, %sub3A_433, %lt3A_434 : i32
        %convert_element_type3A_436 = arith.extui %lt3A_435 : i1 to i32
        %cond3A_437 = arith.constant 0 : i32
        %cond3A_438 = arith.cmpi ne, %convert_element_type3A_436, %cond3A_437 : i32
        scf.if %cond3A_438 {
          %add3A_464 = arith.constant 4 : i32
          %add3A_465 = arith.addi %scan3A_259, %add3A_464 : i32
          %sub3A_466 = arith.constant 1 : i32
          %sub3A_467 = arith.subi %add3A_465, %sub3A_466 : i32
          %dma_wait3A_468 = arith.constant 6 : i32
          %dma_wait3A_469 = arith.constant 0 : i32
          %dma_wait3A_470 = tpu.memref_slice %arg5[%dma_wait3A_468, %dma_wait3A_469] : memref<8x80xi32, #tpu.memory_space<vmem>> -> memref<1x80xi32, #tpu.memory_space<vmem>>
          %dma_wait3A_471 = tpu.memref_squeeze %dma_wait3A_470 : memref<1x80xi32, #tpu.memory_space<vmem>> -> memref<80xi32, #tpu.memory_space<vmem>>
          %dma_wait3A_472 = arith.constant 0 : i32
          %dma_wait3A_473 = tpu.memref_slice %arg3[%add3A, %sub3A_467, %dma_wait3A_472] : memref<64x125x80xi32, #tpu.memory_space<hbm>> -> memref<1x1x80xi32, #tpu.memory_space<hbm>>
          %dma_wait3A_474 = tpu.memref_squeeze %dma_wait3A_473 : memref<1x1x80xi32, #tpu.memory_space<hbm>> -> memref<80xi32, #tpu.memory_space<hbm>>
          %dma_wait3A_475 = arith.constant 0 : i32
          %dma_wait3A_476 = tpu.memref_slice %arg5[%dma_wait3A_468, %dma_wait3A_475] : memref<8x80xi32, #tpu.memory_space<vmem>> -> memref<1x80xi32, #tpu.memory_space<vmem>>
          %dma_wait3A_477 = tpu.memref_squeeze %dma_wait3A_476 : memref<1x80xi32, #tpu.memory_space<vmem>> -> memref<80xi32, #tpu.memory_space<vmem>>
          %dma_wait3A_478 = arith.constant 0 : i32
          %dma_wait3A_479 = tpu.memref_slice %arg3[%add3A, %sub3A_467, %dma_wait3A_478] : memref<64x125x80xi32, #tpu.memory_space<hbm>> -> memref<1x1x80xi32, #tpu.memory_space<hbm>>
          %dma_wait3A_480 = tpu.memref_squeeze %dma_wait3A_479 : memref<1x1x80xi32, #tpu.memory_space<hbm>> -> memref<80xi32, #tpu.memory_space<hbm>>
          tpu.wait_dma2 semaphore(%arg17 : memref<!tpu.dma_semaphore, #tpu.memory_space<semaphore_mem>>) src(%dma_wait3A_480 : memref<80xi32, #tpu.memory_space<hbm>>) dst(%dma_wait3A_477 : memref<80xi32, #tpu.memory_space<vmem>>)
          %add3A_481 = arith.constant 4 : i32
          %add3A_482 = arith.addi %scan3A_259, %add3A_481 : i32
          %sub3A_483 = arith.constant 1 : i32
          %sub3A_484 = arith.subi %add3A_482, %sub3A_483 : i32
          %dma_start3A_485 = arith.constant 6 : i32
          %dma_start3A_486 = arith.constant 2 : i32
          %dma_start3A_487 = arith.constant 0 : i32
          %dma_start3A_488 = arith.constant 0 : i32
          %dma_start3A_489 = tpu.memref_slice %arg7[%dma_start3A_486, %dma_start3A_487, %dma_start3A_488] : memref<4x80x128xf32, #tpu.memory_space<vmem>> -> memref<1x80x128xf32, #tpu.memory_space<vmem>>
          %dma_start3A_490 = tpu.memref_squeeze %dma_start3A_489 : memref<1x80x128xf32, #tpu.memory_space<vmem>> -> memref<80x128xf32, #tpu.memory_space<vmem>>
          %dma_start3A_491 = arith.constant 0 : i32
          %dma_start3A_492 = tpu.memref_slice %arg5[%dma_start3A_485, %dma_start3A_491] : memref<8x80xi32, #tpu.memory_space<vmem>> -> memref<1x80xi32, #tpu.memory_space<vmem>>
          %dma_start3A_493 = tpu.memref_squeeze %dma_start3A_492 : memref<1x80xi32, #tpu.memory_space<vmem>> -> memref<80xi32, #tpu.memory_space<vmem>>
          %dma_start3A_494 = arith.constant 0 : i32
          %dma_start3A_495 = arith.constant 0 : i32
          %dma_start3A_496 = tpu.memref_slice %arg2[%dma_start3A_494, %dma_start3A_495] : memref<10000x128xf32, #tpu.memory_space<hbm>> -> memref<10000x128xf32, #tpu.memory_space<hbm>>
          tpu.enqueue_indirect_dma source(%dma_start3A_496 : memref<10000x128xf32, #tpu.memory_space<hbm>>) target(%dma_start3A_490 : memref<80x128xf32, #tpu.memory_space<vmem>>) offsets(%dma_start3A_493 : memref<80xi32, #tpu.memory_space<vmem>>) semaphore(%arg21 : memref<!tpu.dma_semaphore, #tpu.memory_space<semaphore_mem>>)
          %add3A_497 = arith.constant 4 : i32
          %add3A_498 = arith.addi %scan3A_259, %add3A_497 : i32
          %sub3A_499 = arith.constant 1 : i32
          %sub3A_500 = arith.subi %add3A_498, %sub3A_499 : i32
          %add3A_501 = arith.constant 32 : i32
          %add3A_502 = arith.addi %add3A_501, %add3A : i32
          %dma_start3A_503 = arith.constant 2 : i32
          %dma_start3A_504 = arith.constant 0 : i32
          %dma_start3A_505 = tpu.memref_slice %arg6[%dma_start3A_503, %dma_start3A_504] : memref<4x80xi32, #tpu.memory_space<vmem>> -> memref<1x80xi32, #tpu.memory_space<vmem>>
          %dma_start3A_506 = tpu.memref_squeeze %dma_start3A_505 : memref<1x80xi32, #tpu.memory_space<vmem>> -> memref<80xi32, #tpu.memory_space<vmem>>
          %dma_start3A_507 = arith.constant 0 : i32
          %dma_start3A_508 = tpu.memref_slice %arg3[%add3A_502, %sub3A_500, %dma_start3A_507] : memref<64x125x80xi32, #tpu.memory_space<hbm>> -> memref<1x1x80xi32, #tpu.memory_space<hbm>>
          %dma_start3A_509 = tpu.memref_squeeze %dma_start3A_508 : memref<1x1x80xi32, #tpu.memory_space<hbm>> -> memref<80xi32, #tpu.memory_space<hbm>>
          %dma_start3A_510 = arith.constant 0 : i32
          %dma_start3A_511 = tpu.memref_slice %arg6[%dma_start3A_503, %dma_start3A_510] : memref<4x80xi32, #tpu.memory_space<vmem>> -> memref<1x80xi32, #tpu.memory_space<vmem>>
          %dma_start3A_512 = tpu.memref_squeeze %dma_start3A_511 : memref<1x80xi32, #tpu.memory_space<vmem>> -> memref<80xi32, #tpu.memory_space<vmem>>
          %dma_start3A_513 = arith.constant 0 : i32
          %dma_start3A_514 = tpu.memref_slice %arg3[%add3A_502, %sub3A_500, %dma_start3A_513] : memref<64x125x80xi32, #tpu.memory_space<hbm>> -> memref<1x1x80xi32, #tpu.memory_space<hbm>>
          %dma_start3A_515 = tpu.memref_squeeze %dma_start3A_514 : memref<1x1x80xi32, #tpu.memory_space<hbm>> -> memref<80xi32, #tpu.memory_space<hbm>>
          tpu.enqueue_dma source(%dma_start3A_515 : memref<80xi32, #tpu.memory_space<hbm>>) target(%dma_start3A_512 : memref<80xi32, #tpu.memory_space<vmem>>) target_semaphore(%arg25 : memref<!tpu.dma_semaphore, #tpu.memory_space<semaphore_mem>>)
        } else {
        }
        %add3A_439 = arith.constant 8 : i32
        %add3A_440 = arith.addi %scan3A_259, %add3A_439 : i32
        %sub3A_441 = arith.constant 1 : i32
        %sub3A_442 = arith.subi %add3A_440, %sub3A_441 : i32
        %lt3A_443 = arith.constant 125 : i32
        %lt3A_444 = arith.cmpi slt, %sub3A_442, %lt3A_443 : i32
        %convert_element_type3A_445 = arith.extui %lt3A_444 : i1 to i32
        %cond3A_446 = arith.constant 0 : i32
        %cond3A_447 = arith.cmpi ne, %convert_element_type3A_445, %cond3A_446 : i32
        scf.if %cond3A_447 {
          %add3A_464 = arith.constant 8 : i32
          %add3A_465 = arith.addi %scan3A_259, %add3A_464 : i32
          %sub3A_466 = arith.constant 1 : i32
          %sub3A_467 = arith.subi %add3A_465, %sub3A_466 : i32
          %dma_start3A_468 = arith.constant 2 : i32
          %dma_start3A_469 = arith.constant 0 : i32
          %dma_start3A_470 = tpu.memref_slice %arg5[%dma_start3A_468, %dma_start3A_469] : memref<8x80xi32, #tpu.memory_space<vmem>> -> memref<1x80xi32, #tpu.memory_space<vmem>>
          %dma_start3A_471 = tpu.memref_squeeze %dma_start3A_470 : memref<1x80xi32, #tpu.memory_space<vmem>> -> memref<80xi32, #tpu.memory_space<vmem>>
          %dma_start3A_472 = arith.constant 0 : i32
          %dma_start3A_473 = tpu.memref_slice %arg3[%add3A, %sub3A_467, %dma_start3A_472] : memref<64x125x80xi32, #tpu.memory_space<hbm>> -> memref<1x1x80xi32, #tpu.memory_space<hbm>>
          %dma_start3A_474 = tpu.memref_squeeze %dma_start3A_473 : memref<1x1x80xi32, #tpu.memory_space<hbm>> -> memref<80xi32, #tpu.memory_space<hbm>>
          %dma_start3A_475 = arith.constant 0 : i32
          %dma_start3A_476 = tpu.memref_slice %arg5[%dma_start3A_468, %dma_start3A_475] : memref<8x80xi32, #tpu.memory_space<vmem>> -> memref<1x80xi32, #tpu.memory_space<vmem>>
          %dma_start3A_477 = tpu.memref_squeeze %dma_start3A_476 : memref<1x80xi32, #tpu.memory_space<vmem>> -> memref<80xi32, #tpu.memory_space<vmem>>
          %dma_start3A_478 = arith.constant 0 : i32
          %dma_start3A_479 = tpu.memref_slice %arg3[%add3A, %sub3A_467, %dma_start3A_478] : memref<64x125x80xi32, #tpu.memory_space<hbm>> -> memref<1x1x80xi32, #tpu.memory_space<hbm>>
          %dma_start3A_480 = tpu.memref_squeeze %dma_start3A_479 : memref<1x1x80xi32, #tpu.memory_space<hbm>> -> memref<80xi32, #tpu.memory_space<hbm>>
          tpu.enqueue_dma source(%dma_start3A_480 : memref<80xi32, #tpu.memory_space<hbm>>) target(%dma_start3A_477 : memref<80xi32, #tpu.memory_space<vmem>>) target_semaphore(%arg13 : memref<!tpu.dma_semaphore, #tpu.memory_space<semaphore_mem>>)
        } else {
        }
        %add3A_448 = arith.constant 32 : i32
        %add3A_449 = arith.addi %add3A_448, %add3A : i32
        %dma_wait3A_450 = arith.constant 3 : i32
        %dma_wait3A_451 = arith.constant 0 : i32
        %dma_wait3A_452 = tpu.memref_slice %arg6[%dma_wait3A_450, %dma_wait3A_451] : memref<4x80xi32, #tpu.memory_space<vmem>> -> memref<1x80xi32, #tpu.memory_space<vmem>>
        %dma_wait3A_453 = tpu.memref_squeeze %dma_wait3A_452 : memref<1x80xi32, #tpu.memory_space<vmem>> -> memref<80xi32, #tpu.memory_space<vmem>>
        %dma_wait3A_454 = arith.constant 0 : i32
        %dma_wait3A_455 = tpu.memref_slice %arg3[%add3A_449, %scan3A_259, %dma_wait3A_454] : memref<64x125x80xi32, #tpu.memory_space<hbm>> -> memref<1x1x80xi32, #tpu.memory_space<hbm>>
        %dma_wait3A_456 = tpu.memref_squeeze %dma_wait3A_455 : memref<1x1x80xi32, #tpu.memory_space<hbm>> -> memref<80xi32, #tpu.memory_space<hbm>>
        %dma_wait3A_457 = arith.constant 0 : i32
        %dma_wait3A_458 = tpu.memref_slice %arg6[%dma_wait3A_450, %dma_wait3A_457] : memref<4x80xi32, #tpu.memory_space<vmem>> -> memref<1x80xi32, #tpu.memory_space<vmem>>
        %dma_wait3A_459 = tpu.memref_squeeze %dma_wait3A_458 : memref<1x80xi32, #tpu.memory_space<vmem>> -> memref<80xi32, #tpu.memory_space<vmem>>
        %dma_wait3A_460 = arith.constant 0 : i32
        %dma_wait3A_461 = tpu.memref_slice %arg3[%add3A_449, %scan3A_259, %dma_wait3A_460] : memref<64x125x80xi32, #tpu.memory_space<hbm>> -> memref<1x1x80xi32, #tpu.memory_space<hbm>>
        %dma_wait3A_462 = tpu.memref_squeeze %dma_wait3A_461 : memref<1x1x80xi32, #tpu.memory_space<hbm>> -> memref<80xi32, #tpu.memory_space<hbm>>
        tpu.wait_dma2 semaphore(%arg26 : memref<!tpu.dma_semaphore, #tpu.memory_space<semaphore_mem>>) src(%dma_wait3A_462 : memref<80xi32, #tpu.memory_space<hbm>>) dst(%dma_wait3A_459 : memref<80xi32, #tpu.memory_space<vmem>>)
        %run_scoped3A = arith.constant 3 : i32
        %run_scoped3A_463 = arith.constant 3 : i32
        "tpu.region"() ({
          %run_scoped3A_464 = tpu.sem_alloc : memref<!tpu.dma_semaphore, #tpu.memory_space<semaphore_mem>>
          %dma_start3A_465 = arith.constant 0 : i32
          %dma_start3A_466 = arith.constant 0 : i32
          %dma_start3A_467 = tpu.memref_slice %arg7[%run_scoped3A, %dma_start3A_465, %dma_start3A_466] : memref<4x80x128xf32, #tpu.memory_space<vmem>> -> memref<1x80x128xf32, #tpu.memory_space<vmem>>
          %dma_start3A_468 = tpu.memref_squeeze %dma_start3A_467 : memref<1x80x128xf32, #tpu.memory_space<vmem>> -> memref<80x128xf32, #tpu.memory_space<vmem>>
          %dma_start3A_469 = arith.constant 0 : i32
          %dma_start3A_470 = tpu.memref_slice %arg6[%run_scoped3A_463, %dma_start3A_469] : memref<4x80xi32, #tpu.memory_space<vmem>> -> memref<1x80xi32, #tpu.memory_space<vmem>>
          %dma_start3A_471 = tpu.memref_squeeze %dma_start3A_470 : memref<1x80xi32, #tpu.memory_space<vmem>> -> memref<80xi32, #tpu.memory_space<vmem>>
          %dma_start3A_472 = arith.constant 0 : i32
          %dma_start3A_473 = arith.constant 0 : i32
          %dma_start3A_474 = tpu.memref_slice %arg9[%dma_start3A_472, %dma_start3A_473] : memref<10000x128xf32, #tpu.memory_space<vmem_shared>> -> memref<10000x128xf32, #tpu.memory_space<vmem_shared>>
          tpu.enqueue_indirect_dma source(%dma_start3A_468 : memref<80x128xf32, #tpu.memory_space<vmem>>) target(%dma_start3A_474 : memref<10000x128xf32, #tpu.memory_space<vmem_shared>>) offsets(%dma_start3A_471 : memref<80xi32, #tpu.memory_space<vmem>>) semaphore(%run_scoped3A_464 : memref<!tpu.dma_semaphore, #tpu.memory_space<semaphore_mem>>) {add = true}
          %dma_wait3A_475 = arith.constant 0 : i32
          %dma_wait3A_476 = arith.constant 0 : i32
          %dma_wait3A_477 = tpu.memref_slice %arg7[%run_scoped3A, %dma_wait3A_475, %dma_wait3A_476] : memref<4x80x128xf32, #tpu.memory_space<vmem>> -> memref<1x80x128xf32, #tpu.memory_space<vmem>>
          %dma_wait3A_478 = tpu.memref_squeeze %dma_wait3A_477 : memref<1x80x128xf32, #tpu.memory_space<vmem>> -> memref<80x128xf32, #tpu.memory_space<vmem>>
          %dma_wait3A_479 = arith.constant 0 : i32
          %dma_wait3A_480 = tpu.memref_slice %arg6[%run_scoped3A_463, %dma_wait3A_479] : memref<4x80xi32, #tpu.memory_space<vmem>> -> memref<1x80xi32, #tpu.memory_space<vmem>>
          %dma_wait3A_481 = tpu.memref_squeeze %dma_wait3A_480 : memref<1x80xi32, #tpu.memory_space<vmem>> -> memref<80xi32, #tpu.memory_space<vmem>>
          %dma_wait3A_482 = arith.constant 0 : i32
          %dma_wait3A_483 = arith.constant 0 : i32
          %dma_wait3A_484 = tpu.memref_slice %arg9[%dma_wait3A_482, %dma_wait3A_483] : memref<10000x128xf32, #tpu.memory_space<vmem_shared>> -> memref<10000x128xf32, #tpu.memory_space<vmem_shared>>
          tpu.wait_indirect_dma semaphore(%run_scoped3A_464 : memref<!tpu.dma_semaphore, #tpu.memory_space<semaphore_mem>>) src(%dma_wait3A_478 : memref<80x128xf32, #tpu.memory_space<vmem>>) dst(%dma_wait3A_484 : memref<10000x128xf32, #tpu.memory_space<vmem_shared>>)
          tpu.yield
        }) : () -> ()
      } else {
      }
      %jit3A_335 = arith.constant 8 : i32
      %eq3A_336 = arith.constant 0 : i32
      %eq3A_337 = arith.cmpi eq, %jit3A_335, %eq3A_336 : i32
      %jit3A_338 = arith.constant 1 : i32
      %select_n3A_339 = arith.select %eq3A_337, %jit3A_338, %jit3A_335 : i32
      %rem3A_340 = arith.remsi %scan3A_259, %select_n3A_339 : i32
      %ne3A_341 = arith.constant 0 : i32
      %ne3A_342 = arith.cmpi ne, %rem3A_340, %ne3A_341 : i32
      %lt3A_343 = arith.constant 0 : i32
      %lt3A_344 = arith.cmpi slt, %rem3A_340, %lt3A_343 : i32
      %lt3A_345 = arith.constant 0 : i32
      %lt3A_346 = arith.cmpi slt, %select_n3A_339, %lt3A_345 : i32
      %ne3A_347 = arith.xori %lt3A_344, %lt3A_346 : i1
      %and3A_348 = arith.andi %ne3A_347, %ne3A_342 : i1
      %add3A_349 = arith.addi %rem3A_340, %select_n3A_339 : i32
      %select_n3A_350 = arith.select %and3A_348, %add3A_349, %rem3A_340 : i32
      %eq3A_351 = arith.constant 4 : i32
      %eq3A_352 = arith.cmpi eq, %select_n3A_350, %eq3A_351 : i32
      %convert_element_type3A_353 = arith.extui %eq3A_352 : i1 to i32
      %cond3A_354 = arith.constant 0 : i32
      %cond3A_355 = arith.cmpi ne, %convert_element_type3A_353, %cond3A_354 : i32
      scf.if %cond3A_355 {
        %dma_wait3A_419 = arith.constant 4 : i32
        %dma_wait3A_420 = arith.constant 0 : i32
        %dma_wait3A_421 = arith.constant 0 : i32
        %dma_wait3A_422 = arith.constant 0 : i32
        %dma_wait3A_423 = tpu.memref_slice %arg7[%dma_wait3A_420, %dma_wait3A_421, %dma_wait3A_422] : memref<4x80x128xf32, #tpu.memory_space<vmem>> -> memref<1x80x128xf32, #tpu.memory_space<vmem>>
        %dma_wait3A_424 = tpu.memref_squeeze %dma_wait3A_423 : memref<1x80x128xf32, #tpu.memory_space<vmem>> -> memref<80x128xf32, #tpu.memory_space<vmem>>
        %dma_wait3A_425 = arith.constant 0 : i32
        %dma_wait3A_426 = tpu.memref_slice %arg5[%dma_wait3A_419, %dma_wait3A_425] : memref<8x80xi32, #tpu.memory_space<vmem>> -> memref<1x80xi32, #tpu.memory_space<vmem>>
        %dma_wait3A_427 = tpu.memref_squeeze %dma_wait3A_426 : memref<1x80xi32, #tpu.memory_space<vmem>> -> memref<80xi32, #tpu.memory_space<vmem>>
        %dma_wait3A_428 = arith.constant 0 : i32
        %dma_wait3A_429 = arith.constant 0 : i32
        %dma_wait3A_430 = tpu.memref_slice %arg2[%dma_wait3A_428, %dma_wait3A_429] : memref<10000x128xf32, #tpu.memory_space<hbm>> -> memref<10000x128xf32, #tpu.memory_space<hbm>>
        tpu.wait_indirect_dma semaphore(%arg19 : memref<!tpu.dma_semaphore, #tpu.memory_space<semaphore_mem>>) src(%dma_wait3A_430 : memref<10000x128xf32, #tpu.memory_space<hbm>>) dst(%dma_wait3A_424 : memref<80x128xf32, #tpu.memory_space<vmem>>)
        %add3A_431 = arith.constant 4 : i32
        %add3A_432 = arith.addi %scan3A_259, %add3A_431 : i32
        %sub3A = arith.constant 1 : i32
        %sub3A_433 = arith.subi %add3A_432, %sub3A : i32
        %lt3A_434 = arith.constant 125 : i32
        %lt3A_435 = arith.cmpi slt, %sub3A_433, %lt3A_434 : i32
        %convert_element_type3A_436 = arith.extui %lt3A_435 : i1 to i32
        %cond3A_437 = arith.constant 0 : i32
        %cond3A_438 = arith.cmpi ne, %convert_element_type3A_436, %cond3A_437 : i32
        scf.if %cond3A_438 {
          %add3A_464 = arith.constant 4 : i32
          %add3A_465 = arith.addi %scan3A_259, %add3A_464 : i32
          %sub3A_466 = arith.constant 1 : i32
          %sub3A_467 = arith.subi %add3A_465, %sub3A_466 : i32
          %dma_wait3A_468 = arith.constant 7 : i32
          %dma_wait3A_469 = arith.constant 0 : i32
          %dma_wait3A_470 = tpu.memref_slice %arg5[%dma_wait3A_468, %dma_wait3A_469] : memref<8x80xi32, #tpu.memory_space<vmem>> -> memref<1x80xi32, #tpu.memory_space<vmem>>
          %dma_wait3A_471 = tpu.memref_squeeze %dma_wait3A_470 : memref<1x80xi32, #tpu.memory_space<vmem>> -> memref<80xi32, #tpu.memory_space<vmem>>
          %dma_wait3A_472 = arith.constant 0 : i32
          %dma_wait3A_473 = tpu.memref_slice %arg3[%add3A, %sub3A_467, %dma_wait3A_472] : memref<64x125x80xi32, #tpu.memory_space<hbm>> -> memref<1x1x80xi32, #tpu.memory_space<hbm>>
          %dma_wait3A_474 = tpu.memref_squeeze %dma_wait3A_473 : memref<1x1x80xi32, #tpu.memory_space<hbm>> -> memref<80xi32, #tpu.memory_space<hbm>>
          %dma_wait3A_475 = arith.constant 0 : i32
          %dma_wait3A_476 = tpu.memref_slice %arg5[%dma_wait3A_468, %dma_wait3A_475] : memref<8x80xi32, #tpu.memory_space<vmem>> -> memref<1x80xi32, #tpu.memory_space<vmem>>
          %dma_wait3A_477 = tpu.memref_squeeze %dma_wait3A_476 : memref<1x80xi32, #tpu.memory_space<vmem>> -> memref<80xi32, #tpu.memory_space<vmem>>
          %dma_wait3A_478 = arith.constant 0 : i32
          %dma_wait3A_479 = tpu.memref_slice %arg3[%add3A, %sub3A_467, %dma_wait3A_478] : memref<64x125x80xi32, #tpu.memory_space<hbm>> -> memref<1x1x80xi32, #tpu.memory_space<hbm>>
          %dma_wait3A_480 = tpu.memref_squeeze %dma_wait3A_479 : memref<1x1x80xi32, #tpu.memory_space<hbm>> -> memref<80xi32, #tpu.memory_space<hbm>>
          tpu.wait_dma2 semaphore(%arg18 : memref<!tpu.dma_semaphore, #tpu.memory_space<semaphore_mem>>) src(%dma_wait3A_480 : memref<80xi32, #tpu.memory_space<hbm>>) dst(%dma_wait3A_477 : memref<80xi32, #tpu.memory_space<vmem>>)
          %add3A_481 = arith.constant 4 : i32
          %add3A_482 = arith.addi %scan3A_259, %add3A_481 : i32
          %sub3A_483 = arith.constant 1 : i32
          %sub3A_484 = arith.subi %add3A_482, %sub3A_483 : i32
          %dma_start3A_485 = arith.constant 7 : i32
          %dma_start3A_486 = arith.constant 3 : i32
          %dma_start3A_487 = arith.constant 0 : i32
          %dma_start3A_488 = arith.constant 0 : i32
          %dma_start3A_489 = tpu.memref_slice %arg7[%dma_start3A_486, %dma_start3A_487, %dma_start3A_488] : memref<4x80x128xf32, #tpu.memory_space<vmem>> -> memref<1x80x128xf32, #tpu.memory_space<vmem>>
          %dma_start3A_490 = tpu.memref_squeeze %dma_start3A_489 : memref<1x80x128xf32, #tpu.memory_space<vmem>> -> memref<80x128xf32, #tpu.memory_space<vmem>>
          %dma_start3A_491 = arith.constant 0 : i32
          %dma_start3A_492 = tpu.memref_slice %arg5[%dma_start3A_485, %dma_start3A_491] : memref<8x80xi32, #tpu.memory_space<vmem>> -> memref<1x80xi32, #tpu.memory_space<vmem>>
          %dma_start3A_493 = tpu.memref_squeeze %dma_start3A_492 : memref<1x80xi32, #tpu.memory_space<vmem>> -> memref<80xi32, #tpu.memory_space<vmem>>
          %dma_start3A_494 = arith.constant 0 : i32
          %dma_start3A_495 = arith.constant 0 : i32
          %dma_start3A_496 = tpu.memref_slice %arg2[%dma_start3A_494, %dma_start3A_495] : memref<10000x128xf32, #tpu.memory_space<hbm>> -> memref<10000x128xf32, #tpu.memory_space<hbm>>
          tpu.enqueue_indirect_dma source(%dma_start3A_496 : memref<10000x128xf32, #tpu.memory_space<hbm>>) target(%dma_start3A_490 : memref<80x128xf32, #tpu.memory_space<vmem>>) offsets(%dma_start3A_493 : memref<80xi32, #tpu.memory_space<vmem>>) semaphore(%arg22 : memref<!tpu.dma_semaphore, #tpu.memory_space<semaphore_mem>>)
          %add3A_497 = arith.constant 4 : i32
          %add3A_498 = arith.addi %scan3A_259, %add3A_497 : i32
          %sub3A_499 = arith.constant 1 : i32
          %sub3A_500 = arith.subi %add3A_498, %sub3A_499 : i32
          %add3A_501 = arith.constant 32 : i32
          %add3A_502 = arith.addi %add3A_501, %add3A : i32
          %dma_start3A_503 = arith.constant 3 : i32
          %dma_start3A_504 = arith.constant 0 : i32
          %dma_start3A_505 = tpu.memref_slice %arg6[%dma_start3A_503, %dma_start3A_504] : memref<4x80xi32, #tpu.memory_space<vmem>> -> memref<1x80xi32, #tpu.memory_space<vmem>>
          %dma_start3A_506 = tpu.memref_squeeze %dma_start3A_505 : memref<1x80xi32, #tpu.memory_space<vmem>> -> memref<80xi32, #tpu.memory_space<vmem>>
          %dma_start3A_507 = arith.constant 0 : i32
          %dma_start3A_508 = tpu.memref_slice %arg3[%add3A_502, %sub3A_500, %dma_start3A_507] : memref<64x125x80xi32, #tpu.memory_space<hbm>> -> memref<1x1x80xi32, #tpu.memory_space<hbm>>
          %dma_start3A_509 = tpu.memref_squeeze %dma_start3A_508 : memref<1x1x80xi32, #tpu.memory_space<hbm>> -> memref<80xi32, #tpu.memory_space<hbm>>
          %dma_start3A_510 = arith.constant 0 : i32
          %dma_start3A_511 = tpu.memref_slice %arg6[%dma_start3A_503, %dma_start3A_510] : memref<4x80xi32, #tpu.memory_space<vmem>> -> memref<1x80xi32, #tpu.memory_space<vmem>>
          %dma_start3A_512 = tpu.memref_squeeze %dma_start3A_511 : memref<1x80xi32, #tpu.memory_space<vmem>> -> memref<80xi32, #tpu.memory_space<vmem>>
          %dma_start3A_513 = arith.constant 0 : i32
          %dma_start3A_514 = tpu.memref_slice %arg3[%add3A_502, %sub3A_500, %dma_start3A_513] : memref<64x125x80xi32, #tpu.memory_space<hbm>> -> memref<1x1x80xi32, #tpu.memory_space<hbm>>
          %dma_start3A_515 = tpu.memref_squeeze %dma_start3A_514 : memref<1x1x80xi32, #tpu.memory_space<hbm>> -> memref<80xi32, #tpu.memory_space<hbm>>
          tpu.enqueue_dma source(%dma_start3A_515 : memref<80xi32, #tpu.memory_space<hbm>>) target(%dma_start3A_512 : memref<80xi32, #tpu.memory_space<vmem>>) target_semaphore(%arg26 : memref<!tpu.dma_semaphore, #tpu.memory_space<semaphore_mem>>)
        } else {
        }
        %add3A_439 = arith.constant 8 : i32
        %add3A_440 = arith.addi %scan3A_259, %add3A_439 : i32
        %sub3A_441 = arith.constant 1 : i32
        %sub3A_442 = arith.subi %add3A_440, %sub3A_441 : i32
        %lt3A_443 = arith.constant 125 : i32
        %lt3A_444 = arith.cmpi slt, %sub3A_442, %lt3A_443 : i32
        %convert_element_type3A_445 = arith.extui %lt3A_444 : i1 to i32
        %cond3A_446 = arith.constant 0 : i32
        %cond3A_447 = arith.cmpi ne, %convert_element_type3A_445, %cond3A_446 : i32
        scf.if %cond3A_447 {
          %add3A_464 = arith.constant 8 : i32
          %add3A_465 = arith.addi %scan3A_259, %add3A_464 : i32
          %sub3A_466 = arith.constant 1 : i32
          %sub3A_467 = arith.subi %add3A_465, %sub3A_466 : i32
          %dma_start3A_468 = arith.constant 3 : i32
          %dma_start3A_469 = arith.constant 0 : i32
          %dma_start3A_470 = tpu.memref_slice %arg5[%dma_start3A_468, %dma_start3A_469] : memref<8x80xi32, #tpu.memory_space<vmem>> -> memref<1x80xi32, #tpu.memory_space<vmem>>
          %dma_start3A_471 = tpu.memref_squeeze %dma_start3A_470 : memref<1x80xi32, #tpu.memory_space<vmem>> -> memref<80xi32, #tpu.memory_space<vmem>>
          %dma_start3A_472 = arith.constant 0 : i32
          %dma_start3A_473 = tpu.memref_slice %arg3[%add3A, %sub3A_467, %dma_start3A_472] : memref<64x125x80xi32, #tpu.memory_space<hbm>> -> memref<1x1x80xi32, #tpu.memory_space<hbm>>
          %dma_start3A_474 = tpu.memref_squeeze %dma_start3A_473 : memref<1x1x80xi32, #tpu.memory_space<hbm>> -> memref<80xi32, #tpu.memory_space<hbm>>
          %dma_start3A_475 = arith.constant 0 : i32
          %dma_start3A_476 = tpu.memref_slice %arg5[%dma_start3A_468, %dma_start3A_475] : memref<8x80xi32, #tpu.memory_space<vmem>> -> memref<1x80xi32, #tpu.memory_space<vmem>>
          %dma_start3A_477 = tpu.memref_squeeze %dma_start3A_476 : memref<1x80xi32, #tpu.memory_space<vmem>> -> memref<80xi32, #tpu.memory_space<vmem>>
          %dma_start3A_478 = arith.constant 0 : i32
          %dma_start3A_479 = tpu.memref_slice %arg3[%add3A, %sub3A_467, %dma_start3A_478] : memref<64x125x80xi32, #tpu.memory_space<hbm>> -> memref<1x1x80xi32, #tpu.memory_space<hbm>>
          %dma_start3A_480 = tpu.memref_squeeze %dma_start3A_479 : memref<1x1x80xi32, #tpu.memory_space<hbm>> -> memref<80xi32, #tpu.memory_space<hbm>>
          tpu.enqueue_dma source(%dma_start3A_480 : memref<80xi32, #tpu.memory_space<hbm>>) target(%dma_start3A_477 : memref<80xi32, #tpu.memory_space<vmem>>) target_semaphore(%arg14 : memref<!tpu.dma_semaphore, #tpu.memory_space<semaphore_mem>>)
        } else {
        }
        %add3A_448 = arith.constant 32 : i32
        %add3A_449 = arith.addi %add3A_448, %add3A : i32
        %dma_wait3A_450 = arith.constant 0 : i32
        %dma_wait3A_451 = arith.constant 0 : i32
        %dma_wait3A_452 = tpu.memref_slice %arg6[%dma_wait3A_450, %dma_wait3A_451] : memref<4x80xi32, #tpu.memory_space<vmem>> -> memref<1x80xi32, #tpu.memory_space<vmem>>
        %dma_wait3A_453 = tpu.memref_squeeze %dma_wait3A_452 : memref<1x80xi32, #tpu.memory_space<vmem>> -> memref<80xi32, #tpu.memory_space<vmem>>
        %dma_wait3A_454 = arith.constant 0 : i32
        %dma_wait3A_455 = tpu.memref_slice %arg3[%add3A_449, %scan3A_259, %dma_wait3A_454] : memref<64x125x80xi32, #tpu.memory_space<hbm>> -> memref<1x1x80xi32, #tpu.memory_space<hbm>>
        %dma_wait3A_456 = tpu.memref_squeeze %dma_wait3A_455 : memref<1x1x80xi32, #tpu.memory_space<hbm>> -> memref<80xi32, #tpu.memory_space<hbm>>
        %dma_wait3A_457 = arith.constant 0 : i32
        %dma_wait3A_458 = tpu.memref_slice %arg6[%dma_wait3A_450, %dma_wait3A_457] : memref<4x80xi32, #tpu.memory_space<vmem>> -> memref<1x80xi32, #tpu.memory_space<vmem>>
        %dma_wait3A_459 = tpu.memref_squeeze %dma_wait3A_458 : memref<1x80xi32, #tpu.memory_space<vmem>> -> memref<80xi32, #tpu.memory_space<vmem>>
        %dma_wait3A_460 = arith.constant 0 : i32
        %dma_wait3A_461 = tpu.memref_slice %arg3[%add3A_449, %scan3A_259, %dma_wait3A_460] : memref<64x125x80xi32, #tpu.memory_space<hbm>> -> memref<1x1x80xi32, #tpu.memory_space<hbm>>
        %dma_wait3A_462 = tpu.memref_squeeze %dma_wait3A_461 : memref<1x1x80xi32, #tpu.memory_space<hbm>> -> memref<80xi32, #tpu.memory_space<hbm>>
        tpu.wait_dma2 semaphore(%arg23 : memref<!tpu.dma_semaphore, #tpu.memory_space<semaphore_mem>>) src(%dma_wait3A_462 : memref<80xi32, #tpu.memory_space<hbm>>) dst(%dma_wait3A_459 : memref<80xi32, #tpu.memory_space<vmem>>)
        %run_scoped3A = arith.constant 0 : i32
        %run_scoped3A_463 = arith.constant 0 : i32
        "tpu.region"() ({
          %run_scoped3A_464 = tpu.sem_alloc : memref<!tpu.dma_semaphore, #tpu.memory_space<semaphore_mem>>
          %dma_start3A_465 = arith.constant 0 : i32
          %dma_start3A_466 = arith.constant 0 : i32
          %dma_start3A_467 = tpu.memref_slice %arg7[%run_scoped3A, %dma_start3A_465, %dma_start3A_466] : memref<4x80x128xf32, #tpu.memory_space<vmem>> -> memref<1x80x128xf32, #tpu.memory_space<vmem>>
          %dma_start3A_468 = tpu.memref_squeeze %dma_start3A_467 : memref<1x80x128xf32, #tpu.memory_space<vmem>> -> memref<80x128xf32, #tpu.memory_space<vmem>>
          %dma_start3A_469 = arith.constant 0 : i32
          %dma_start3A_470 = tpu.memref_slice %arg6[%run_scoped3A_463, %dma_start3A_469] : memref<4x80xi32, #tpu.memory_space<vmem>> -> memref<1x80xi32, #tpu.memory_space<vmem>>
          %dma_start3A_471 = tpu.memref_squeeze %dma_start3A_470 : memref<1x80xi32, #tpu.memory_space<vmem>> -> memref<80xi32, #tpu.memory_space<vmem>>
          %dma_start3A_472 = arith.constant 0 : i32
          %dma_start3A_473 = arith.constant 0 : i32
          %dma_start3A_474 = tpu.memref_slice %arg9[%dma_start3A_472, %dma_start3A_473] : memref<10000x128xf32, #tpu.memory_space<vmem_shared>> -> memref<10000x128xf32, #tpu.memory_space<vmem_shared>>
          tpu.enqueue_indirect_dma source(%dma_start3A_468 : memref<80x128xf32, #tpu.memory_space<vmem>>) target(%dma_start3A_474 : memref<10000x128xf32, #tpu.memory_space<vmem_shared>>) offsets(%dma_start3A_471 : memref<80xi32, #tpu.memory_space<vmem>>) semaphore(%run_scoped3A_464 : memref<!tpu.dma_semaphore, #tpu.memory_space<semaphore_mem>>) {add = true}
          %dma_wait3A_475 = arith.constant 0 : i32
          %dma_wait3A_476 = arith.constant 0 : i32
          %dma_wait3A_477 = tpu.memref_slice %arg7[%run_scoped3A, %dma_wait3A_475, %dma_wait3A_476] : memref<4x80x128xf32, #tpu.memory_space<vmem>> -> memref<1x80x128xf32, #tpu.memory_space<vmem>>
          %dma_wait3A_478 = tpu.memref_squeeze %dma_wait3A_477 : memref<1x80x128xf32, #tpu.memory_space<vmem>> -> memref<80x128xf32, #tpu.memory_space<vmem>>
          %dma_wait3A_479 = arith.constant 0 : i32
          %dma_wait3A_480 = tpu.memref_slice %arg6[%run_scoped3A_463, %dma_wait3A_479] : memref<4x80xi32, #tpu.memory_space<vmem>> -> memref<1x80xi32, #tpu.memory_space<vmem>>
          %dma_wait3A_481 = tpu.memref_squeeze %dma_wait3A_480 : memref<1x80xi32, #tpu.memory_space<vmem>> -> memref<80xi32, #tpu.memory_space<vmem>>
          %dma_wait3A_482 = arith.constant 0 : i32
          %dma_wait3A_483 = arith.constant 0 : i32
          %dma_wait3A_484 = tpu.memref_slice %arg9[%dma_wait3A_482, %dma_wait3A_483] : memref<10000x128xf32, #tpu.memory_space<vmem_shared>> -> memref<10000x128xf32, #tpu.memory_space<vmem_shared>>
          tpu.wait_indirect_dma semaphore(%run_scoped3A_464 : memref<!tpu.dma_semaphore, #tpu.memory_space<semaphore_mem>>) src(%dma_wait3A_478 : memref<80x128xf32, #tpu.memory_space<vmem>>) dst(%dma_wait3A_484 : memref<10000x128xf32, #tpu.memory_space<vmem_shared>>)
          tpu.yield
        }) : () -> ()
      } else {
      }
      %jit3A_356 = arith.constant 8 : i32
      %eq3A_357 = arith.constant 0 : i32
      %eq3A_358 = arith.cmpi eq, %jit3A_356, %eq3A_357 : i32
      %jit3A_359 = arith.constant 1 : i32
      %select_n3A_360 = arith.select %eq3A_358, %jit3A_359, %jit3A_356 : i32
      %rem3A_361 = arith.remsi %scan3A_259, %select_n3A_360 : i32
      %ne3A_362 = arith.constant 0 : i32
      %ne3A_363 = arith.cmpi ne, %rem3A_361, %ne3A_362 : i32
      %lt3A_364 = arith.constant 0 : i32
      %lt3A_365 = arith.cmpi slt, %rem3A_361, %lt3A_364 : i32
      %lt3A_366 = arith.constant 0 : i32
      %lt3A_367 = arith.cmpi slt, %select_n3A_360, %lt3A_366 : i32
      %ne3A_368 = arith.xori %lt3A_365, %lt3A_367 : i1
      %and3A_369 = arith.andi %ne3A_368, %ne3A_363 : i1
      %add3A_370 = arith.addi %rem3A_361, %select_n3A_360 : i32
      %select_n3A_371 = arith.select %and3A_369, %add3A_370, %rem3A_361 : i32
      %eq3A_372 = arith.constant 5 : i32
      %eq3A_373 = arith.cmpi eq, %select_n3A_371, %eq3A_372 : i32
      %convert_element_type3A_374 = arith.extui %eq3A_373 : i1 to i32
      %cond3A_375 = arith.constant 0 : i32
      %cond3A_376 = arith.cmpi ne, %convert_element_type3A_374, %cond3A_375 : i32
      scf.if %cond3A_376 {
        %dma_wait3A_419 = arith.constant 5 : i32
        %dma_wait3A_420 = arith.constant 1 : i32
        %dma_wait3A_421 = arith.constant 0 : i32
        %dma_wait3A_422 = arith.constant 0 : i32
        %dma_wait3A_423 = tpu.memref_slice %arg7[%dma_wait3A_420, %dma_wait3A_421, %dma_wait3A_422] : memref<4x80x128xf32, #tpu.memory_space<vmem>> -> memref<1x80x128xf32, #tpu.memory_space<vmem>>
        %dma_wait3A_424 = tpu.memref_squeeze %dma_wait3A_423 : memref<1x80x128xf32, #tpu.memory_space<vmem>> -> memref<80x128xf32, #tpu.memory_space<vmem>>
        %dma_wait3A_425 = arith.constant 0 : i32
        %dma_wait3A_426 = tpu.memref_slice %arg5[%dma_wait3A_419, %dma_wait3A_425] : memref<8x80xi32, #tpu.memory_space<vmem>> -> memref<1x80xi32, #tpu.memory_space<vmem>>
        %dma_wait3A_427 = tpu.memref_squeeze %dma_wait3A_426 : memref<1x80xi32, #tpu.memory_space<vmem>> -> memref<80xi32, #tpu.memory_space<vmem>>
        %dma_wait3A_428 = arith.constant 0 : i32
        %dma_wait3A_429 = arith.constant 0 : i32
        %dma_wait3A_430 = tpu.memref_slice %arg2[%dma_wait3A_428, %dma_wait3A_429] : memref<10000x128xf32, #tpu.memory_space<hbm>> -> memref<10000x128xf32, #tpu.memory_space<hbm>>
        tpu.wait_indirect_dma semaphore(%arg20 : memref<!tpu.dma_semaphore, #tpu.memory_space<semaphore_mem>>) src(%dma_wait3A_430 : memref<10000x128xf32, #tpu.memory_space<hbm>>) dst(%dma_wait3A_424 : memref<80x128xf32, #tpu.memory_space<vmem>>)
        %add3A_431 = arith.constant 4 : i32
        %add3A_432 = arith.addi %scan3A_259, %add3A_431 : i32
        %sub3A = arith.constant 1 : i32
        %sub3A_433 = arith.subi %add3A_432, %sub3A : i32
        %lt3A_434 = arith.constant 125 : i32
        %lt3A_435 = arith.cmpi slt, %sub3A_433, %lt3A_434 : i32
        %convert_element_type3A_436 = arith.extui %lt3A_435 : i1 to i32
        %cond3A_437 = arith.constant 0 : i32
        %cond3A_438 = arith.cmpi ne, %convert_element_type3A_436, %cond3A_437 : i32
        scf.if %cond3A_438 {
          %add3A_464 = arith.constant 4 : i32
          %add3A_465 = arith.addi %scan3A_259, %add3A_464 : i32
          %sub3A_466 = arith.constant 1 : i32
          %sub3A_467 = arith.subi %add3A_465, %sub3A_466 : i32
          %dma_wait3A_468 = arith.constant 0 : i32
          %dma_wait3A_469 = arith.constant 0 : i32
          %dma_wait3A_470 = tpu.memref_slice %arg5[%dma_wait3A_468, %dma_wait3A_469] : memref<8x80xi32, #tpu.memory_space<vmem>> -> memref<1x80xi32, #tpu.memory_space<vmem>>
          %dma_wait3A_471 = tpu.memref_squeeze %dma_wait3A_470 : memref<1x80xi32, #tpu.memory_space<vmem>> -> memref<80xi32, #tpu.memory_space<vmem>>
          %dma_wait3A_472 = arith.constant 0 : i32
          %dma_wait3A_473 = tpu.memref_slice %arg3[%add3A, %sub3A_467, %dma_wait3A_472] : memref<64x125x80xi32, #tpu.memory_space<hbm>> -> memref<1x1x80xi32, #tpu.memory_space<hbm>>
          %dma_wait3A_474 = tpu.memref_squeeze %dma_wait3A_473 : memref<1x1x80xi32, #tpu.memory_space<hbm>> -> memref<80xi32, #tpu.memory_space<hbm>>
          %dma_wait3A_475 = arith.constant 0 : i32
          %dma_wait3A_476 = tpu.memref_slice %arg5[%dma_wait3A_468, %dma_wait3A_475] : memref<8x80xi32, #tpu.memory_space<vmem>> -> memref<1x80xi32, #tpu.memory_space<vmem>>
          %dma_wait3A_477 = tpu.memref_squeeze %dma_wait3A_476 : memref<1x80xi32, #tpu.memory_space<vmem>> -> memref<80xi32, #tpu.memory_space<vmem>>
          %dma_wait3A_478 = arith.constant 0 : i32
          %dma_wait3A_479 = tpu.memref_slice %arg3[%add3A, %sub3A_467, %dma_wait3A_478] : memref<64x125x80xi32, #tpu.memory_space<hbm>> -> memref<1x1x80xi32, #tpu.memory_space<hbm>>
          %dma_wait3A_480 = tpu.memref_squeeze %dma_wait3A_479 : memref<1x1x80xi32, #tpu.memory_space<hbm>> -> memref<80xi32, #tpu.memory_space<hbm>>
          tpu.wait_dma2 semaphore(%arg11 : memref<!tpu.dma_semaphore, #tpu.memory_space<semaphore_mem>>) src(%dma_wait3A_480 : memref<80xi32, #tpu.memory_space<hbm>>) dst(%dma_wait3A_477 : memref<80xi32, #tpu.memory_space<vmem>>)
          %add3A_481 = arith.constant 4 : i32
          %add3A_482 = arith.addi %scan3A_259, %add3A_481 : i32
          %sub3A_483 = arith.constant 1 : i32
          %sub3A_484 = arith.subi %add3A_482, %sub3A_483 : i32
          %dma_start3A_485 = arith.constant 0 : i32
          %dma_start3A_486 = arith.constant 0 : i32
          %dma_start3A_487 = arith.constant 0 : i32
          %dma_start3A_488 = arith.constant 0 : i32
          %dma_start3A_489 = tpu.memref_slice %arg7[%dma_start3A_486, %dma_start3A_487, %dma_start3A_488] : memref<4x80x128xf32, #tpu.memory_space<vmem>> -> memref<1x80x128xf32, #tpu.memory_space<vmem>>
          %dma_start3A_490 = tpu.memref_squeeze %dma_start3A_489 : memref<1x80x128xf32, #tpu.memory_space<vmem>> -> memref<80x128xf32, #tpu.memory_space<vmem>>
          %dma_start3A_491 = arith.constant 0 : i32
          %dma_start3A_492 = tpu.memref_slice %arg5[%dma_start3A_485, %dma_start3A_491] : memref<8x80xi32, #tpu.memory_space<vmem>> -> memref<1x80xi32, #tpu.memory_space<vmem>>
          %dma_start3A_493 = tpu.memref_squeeze %dma_start3A_492 : memref<1x80xi32, #tpu.memory_space<vmem>> -> memref<80xi32, #tpu.memory_space<vmem>>
          %dma_start3A_494 = arith.constant 0 : i32
          %dma_start3A_495 = arith.constant 0 : i32
          %dma_start3A_496 = tpu.memref_slice %arg2[%dma_start3A_494, %dma_start3A_495] : memref<10000x128xf32, #tpu.memory_space<hbm>> -> memref<10000x128xf32, #tpu.memory_space<hbm>>
          tpu.enqueue_indirect_dma source(%dma_start3A_496 : memref<10000x128xf32, #tpu.memory_space<hbm>>) target(%dma_start3A_490 : memref<80x128xf32, #tpu.memory_space<vmem>>) offsets(%dma_start3A_493 : memref<80xi32, #tpu.memory_space<vmem>>) semaphore(%arg19 : memref<!tpu.dma_semaphore, #tpu.memory_space<semaphore_mem>>)
          %add3A_497 = arith.constant 4 : i32
          %add3A_498 = arith.addi %scan3A_259, %add3A_497 : i32
          %sub3A_499 = arith.constant 1 : i32
          %sub3A_500 = arith.subi %add3A_498, %sub3A_499 : i32
          %add3A_501 = arith.constant 32 : i32
          %add3A_502 = arith.addi %add3A_501, %add3A : i32
          %dma_start3A_503 = arith.constant 0 : i32
          %dma_start3A_504 = arith.constant 0 : i32
          %dma_start3A_505 = tpu.memref_slice %arg6[%dma_start3A_503, %dma_start3A_504] : memref<4x80xi32, #tpu.memory_space<vmem>> -> memref<1x80xi32, #tpu.memory_space<vmem>>
          %dma_start3A_506 = tpu.memref_squeeze %dma_start3A_505 : memref<1x80xi32, #tpu.memory_space<vmem>> -> memref<80xi32, #tpu.memory_space<vmem>>
          %dma_start3A_507 = arith.constant 0 : i32
          %dma_start3A_508 = tpu.memref_slice %arg3[%add3A_502, %sub3A_500, %dma_start3A_507] : memref<64x125x80xi32, #tpu.memory_space<hbm>> -> memref<1x1x80xi32, #tpu.memory_space<hbm>>
          %dma_start3A_509 = tpu.memref_squeeze %dma_start3A_508 : memref<1x1x80xi32, #tpu.memory_space<hbm>> -> memref<80xi32, #tpu.memory_space<hbm>>
          %dma_start3A_510 = arith.constant 0 : i32
          %dma_start3A_511 = tpu.memref_slice %arg6[%dma_start3A_503, %dma_start3A_510] : memref<4x80xi32, #tpu.memory_space<vmem>> -> memref<1x80xi32, #tpu.memory_space<vmem>>
          %dma_start3A_512 = tpu.memref_squeeze %dma_start3A_511 : memref<1x80xi32, #tpu.memory_space<vmem>> -> memref<80xi32, #tpu.memory_space<vmem>>
          %dma_start3A_513 = arith.constant 0 : i32
          %dma_start3A_514 = tpu.memref_slice %arg3[%add3A_502, %sub3A_500, %dma_start3A_513] : memref<64x125x80xi32, #tpu.memory_space<hbm>> -> memref<1x1x80xi32, #tpu.memory_space<hbm>>
          %dma_start3A_515 = tpu.memref_squeeze %dma_start3A_514 : memref<1x1x80xi32, #tpu.memory_space<hbm>> -> memref<80xi32, #tpu.memory_space<hbm>>
          tpu.enqueue_dma source(%dma_start3A_515 : memref<80xi32, #tpu.memory_space<hbm>>) target(%dma_start3A_512 : memref<80xi32, #tpu.memory_space<vmem>>) target_semaphore(%arg23 : memref<!tpu.dma_semaphore, #tpu.memory_space<semaphore_mem>>)
        } else {
        }
        %add3A_439 = arith.constant 8 : i32
        %add3A_440 = arith.addi %scan3A_259, %add3A_439 : i32
        %sub3A_441 = arith.constant 1 : i32
        %sub3A_442 = arith.subi %add3A_440, %sub3A_441 : i32
        %lt3A_443 = arith.constant 125 : i32
        %lt3A_444 = arith.cmpi slt, %sub3A_442, %lt3A_443 : i32
        %convert_element_type3A_445 = arith.extui %lt3A_444 : i1 to i32
        %cond3A_446 = arith.constant 0 : i32
        %cond3A_447 = arith.cmpi ne, %convert_element_type3A_445, %cond3A_446 : i32
        scf.if %cond3A_447 {
          %add3A_464 = arith.constant 8 : i32
          %add3A_465 = arith.addi %scan3A_259, %add3A_464 : i32
          %sub3A_466 = arith.constant 1 : i32
          %sub3A_467 = arith.subi %add3A_465, %sub3A_466 : i32
          %dma_start3A_468 = arith.constant 4 : i32
          %dma_start3A_469 = arith.constant 0 : i32
          %dma_start3A_470 = tpu.memref_slice %arg5[%dma_start3A_468, %dma_start3A_469] : memref<8x80xi32, #tpu.memory_space<vmem>> -> memref<1x80xi32, #tpu.memory_space<vmem>>
          %dma_start3A_471 = tpu.memref_squeeze %dma_start3A_470 : memref<1x80xi32, #tpu.memory_space<vmem>> -> memref<80xi32, #tpu.memory_space<vmem>>
          %dma_start3A_472 = arith.constant 0 : i32
          %dma_start3A_473 = tpu.memref_slice %arg3[%add3A, %sub3A_467, %dma_start3A_472] : memref<64x125x80xi32, #tpu.memory_space<hbm>> -> memref<1x1x80xi32, #tpu.memory_space<hbm>>
          %dma_start3A_474 = tpu.memref_squeeze %dma_start3A_473 : memref<1x1x80xi32, #tpu.memory_space<hbm>> -> memref<80xi32, #tpu.memory_space<hbm>>
          %dma_start3A_475 = arith.constant 0 : i32
          %dma_start3A_476 = tpu.memref_slice %arg5[%dma_start3A_468, %dma_start3A_475] : memref<8x80xi32, #tpu.memory_space<vmem>> -> memref<1x80xi32, #tpu.memory_space<vmem>>
          %dma_start3A_477 = tpu.memref_squeeze %dma_start3A_476 : memref<1x80xi32, #tpu.memory_space<vmem>> -> memref<80xi32, #tpu.memory_space<vmem>>
          %dma_start3A_478 = arith.constant 0 : i32
          %dma_start3A_479 = tpu.memref_slice %arg3[%add3A, %sub3A_467, %dma_start3A_478] : memref<64x125x80xi32, #tpu.memory_space<hbm>> -> memref<1x1x80xi32, #tpu.memory_space<hbm>>
          %dma_start3A_480 = tpu.memref_squeeze %dma_start3A_479 : memref<1x1x80xi32, #tpu.memory_space<hbm>> -> memref<80xi32, #tpu.memory_space<hbm>>
          tpu.enqueue_dma source(%dma_start3A_480 : memref<80xi32, #tpu.memory_space<hbm>>) target(%dma_start3A_477 : memref<80xi32, #tpu.memory_space<vmem>>) target_semaphore(%arg15 : memref<!tpu.dma_semaphore, #tpu.memory_space<semaphore_mem>>)
        } else {
        }
        %add3A_448 = arith.constant 32 : i32
        %add3A_449 = arith.addi %add3A_448, %add3A : i32
        %dma_wait3A_450 = arith.constant 1 : i32
        %dma_wait3A_451 = arith.constant 0 : i32
        %dma_wait3A_452 = tpu.memref_slice %arg6[%dma_wait3A_450, %dma_wait3A_451] : memref<4x80xi32, #tpu.memory_space<vmem>> -> memref<1x80xi32, #tpu.memory_space<vmem>>
        %dma_wait3A_453 = tpu.memref_squeeze %dma_wait3A_452 : memref<1x80xi32, #tpu.memory_space<vmem>> -> memref<80xi32, #tpu.memory_space<vmem>>
        %dma_wait3A_454 = arith.constant 0 : i32
        %dma_wait3A_455 = tpu.memref_slice %arg3[%add3A_449, %scan3A_259, %dma_wait3A_454] : memref<64x125x80xi32, #tpu.memory_space<hbm>> -> memref<1x1x80xi32, #tpu.memory_space<hbm>>
        %dma_wait3A_456 = tpu.memref_squeeze %dma_wait3A_455 : memref<1x1x80xi32, #tpu.memory_space<hbm>> -> memref<80xi32, #tpu.memory_space<hbm>>
        %dma_wait3A_457 = arith.constant 0 : i32
        %dma_wait3A_458 = tpu.memref_slice %arg6[%dma_wait3A_450, %dma_wait3A_457] : memref<4x80xi32, #tpu.memory_space<vmem>> -> memref<1x80xi32, #tpu.memory_space<vmem>>
        %dma_wait3A_459 = tpu.memref_squeeze %dma_wait3A_458 : memref<1x80xi32, #tpu.memory_space<vmem>> -> memref<80xi32, #tpu.memory_space<vmem>>
        %dma_wait3A_460 = arith.constant 0 : i32
        %dma_wait3A_461 = tpu.memref_slice %arg3[%add3A_449, %scan3A_259, %dma_wait3A_460] : memref<64x125x80xi32, #tpu.memory_space<hbm>> -> memref<1x1x80xi32, #tpu.memory_space<hbm>>
        %dma_wait3A_462 = tpu.memref_squeeze %dma_wait3A_461 : memref<1x1x80xi32, #tpu.memory_space<hbm>> -> memref<80xi32, #tpu.memory_space<hbm>>
        tpu.wait_dma2 semaphore(%arg24 : memref<!tpu.dma_semaphore, #tpu.memory_space<semaphore_mem>>) src(%dma_wait3A_462 : memref<80xi32, #tpu.memory_space<hbm>>) dst(%dma_wait3A_459 : memref<80xi32, #tpu.memory_space<vmem>>)
        %run_scoped3A = arith.constant 1 : i32
        %run_scoped3A_463 = arith.constant 1 : i32
        "tpu.region"() ({
          %run_scoped3A_464 = tpu.sem_alloc : memref<!tpu.dma_semaphore, #tpu.memory_space<semaphore_mem>>
          %dma_start3A_465 = arith.constant 0 : i32
          %dma_start3A_466 = arith.constant 0 : i32
          %dma_start3A_467 = tpu.memref_slice %arg7[%run_scoped3A, %dma_start3A_465, %dma_start3A_466] : memref<4x80x128xf32, #tpu.memory_space<vmem>> -> memref<1x80x128xf32, #tpu.memory_space<vmem>>
          %dma_start3A_468 = tpu.memref_squeeze %dma_start3A_467 : memref<1x80x128xf32, #tpu.memory_space<vmem>> -> memref<80x128xf32, #tpu.memory_space<vmem>>
          %dma_start3A_469 = arith.constant 0 : i32
          %dma_start3A_470 = tpu.memref_slice %arg6[%run_scoped3A_463, %dma_start3A_469] : memref<4x80xi32, #tpu.memory_space<vmem>> -> memref<1x80xi32, #tpu.memory_space<vmem>>
          %dma_start3A_471 = tpu.memref_squeeze %dma_start3A_470 : memref<1x80xi32, #tpu.memory_space<vmem>> -> memref<80xi32, #tpu.memory_space<vmem>>
          %dma_start3A_472 = arith.constant 0 : i32
          %dma_start3A_473 = arith.constant 0 : i32
          %dma_start3A_474 = tpu.memref_slice %arg9[%dma_start3A_472, %dma_start3A_473] : memref<10000x128xf32, #tpu.memory_space<vmem_shared>> -> memref<10000x128xf32, #tpu.memory_space<vmem_shared>>
          tpu.enqueue_indirect_dma source(%dma_start3A_468 : memref<80x128xf32, #tpu.memory_space<vmem>>) target(%dma_start3A_474 : memref<10000x128xf32, #tpu.memory_space<vmem_shared>>) offsets(%dma_start3A_471 : memref<80xi32, #tpu.memory_space<vmem>>) semaphore(%run_scoped3A_464 : memref<!tpu.dma_semaphore, #tpu.memory_space<semaphore_mem>>) {add = true}
          %dma_wait3A_475 = arith.constant 0 : i32
          %dma_wait3A_476 = arith.constant 0 : i32
          %dma_wait3A_477 = tpu.memref_slice %arg7[%run_scoped3A, %dma_wait3A_475, %dma_wait3A_476] : memref<4x80x128xf32, #tpu.memory_space<vmem>> -> memref<1x80x128xf32, #tpu.memory_space<vmem>>
          %dma_wait3A_478 = tpu.memref_squeeze %dma_wait3A_477 : memref<1x80x128xf32, #tpu.memory_space<vmem>> -> memref<80x128xf32, #tpu.memory_space<vmem>>
          %dma_wait3A_479 = arith.constant 0 : i32
          %dma_wait3A_480 = tpu.memref_slice %arg6[%run_scoped3A_463, %dma_wait3A_479] : memref<4x80xi32, #tpu.memory_space<vmem>> -> memref<1x80xi32, #tpu.memory_space<vmem>>
          %dma_wait3A_481 = tpu.memref_squeeze %dma_wait3A_480 : memref<1x80xi32, #tpu.memory_space<vmem>> -> memref<80xi32, #tpu.memory_space<vmem>>
          %dma_wait3A_482 = arith.constant 0 : i32
          %dma_wait3A_483 = arith.constant 0 : i32
          %dma_wait3A_484 = tpu.memref_slice %arg9[%dma_wait3A_482, %dma_wait3A_483] : memref<10000x128xf32, #tpu.memory_space<vmem_shared>> -> memref<10000x128xf32, #tpu.memory_space<vmem_shared>>
          tpu.wait_indirect_dma semaphore(%run_scoped3A_464 : memref<!tpu.dma_semaphore, #tpu.memory_space<semaphore_mem>>) src(%dma_wait3A_478 : memref<80x128xf32, #tpu.memory_space<vmem>>) dst(%dma_wait3A_484 : memref<10000x128xf32, #tpu.memory_space<vmem_shared>>)
          tpu.yield
        }) : () -> ()
      } else {
      }
      %jit3A_377 = arith.constant 8 : i32
      %eq3A_378 = arith.constant 0 : i32
      %eq3A_379 = arith.cmpi eq, %jit3A_377, %eq3A_378 : i32
      %jit3A_380 = arith.constant 1 : i32
      %select_n3A_381 = arith.select %eq3A_379, %jit3A_380, %jit3A_377 : i32
      %rem3A_382 = arith.remsi %scan3A_259, %select_n3A_381 : i32
      %ne3A_383 = arith.constant 0 : i32
      %ne3A_384 = arith.cmpi ne, %rem3A_382, %ne3A_383 : i32
      %lt3A_385 = arith.constant 0 : i32
      %lt3A_386 = arith.cmpi slt, %rem3A_382, %lt3A_385 : i32
      %lt3A_387 = arith.constant 0 : i32
      %lt3A_388 = arith.cmpi slt, %select_n3A_381, %lt3A_387 : i32
      %ne3A_389 = arith.xori %lt3A_386, %lt3A_388 : i1
      %and3A_390 = arith.andi %ne3A_389, %ne3A_384 : i1
      %add3A_391 = arith.addi %rem3A_382, %select_n3A_381 : i32
      %select_n3A_392 = arith.select %and3A_390, %add3A_391, %rem3A_382 : i32
      %eq3A_393 = arith.constant 6 : i32
      %eq3A_394 = arith.cmpi eq, %select_n3A_392, %eq3A_393 : i32
      %convert_element_type3A_395 = arith.extui %eq3A_394 : i1 to i32
      %cond3A_396 = arith.constant 0 : i32
      %cond3A_397 = arith.cmpi ne, %convert_element_type3A_395, %cond3A_396 : i32
      scf.if %cond3A_397 {
        %dma_wait3A_419 = arith.constant 6 : i32
        %dma_wait3A_420 = arith.constant 2 : i32
        %dma_wait3A_421 = arith.constant 0 : i32
        %dma_wait3A_422 = arith.constant 0 : i32
        %dma_wait3A_423 = tpu.memref_slice %arg7[%dma_wait3A_420, %dma_wait3A_421, %dma_wait3A_422] : memref<4x80x128xf32, #tpu.memory_space<vmem>> -> memref<1x80x128xf32, #tpu.memory_space<vmem>>
        %dma_wait3A_424 = tpu.memref_squeeze %dma_wait3A_423 : memref<1x80x128xf32, #tpu.memory_space<vmem>> -> memref<80x128xf32, #tpu.memory_space<vmem>>
        %dma_wait3A_425 = arith.constant 0 : i32
        %dma_wait3A_426 = tpu.memref_slice %arg5[%dma_wait3A_419, %dma_wait3A_425] : memref<8x80xi32, #tpu.memory_space<vmem>> -> memref<1x80xi32, #tpu.memory_space<vmem>>
        %dma_wait3A_427 = tpu.memref_squeeze %dma_wait3A_426 : memref<1x80xi32, #tpu.memory_space<vmem>> -> memref<80xi32, #tpu.memory_space<vmem>>
        %dma_wait3A_428 = arith.constant 0 : i32
        %dma_wait3A_429 = arith.constant 0 : i32
        %dma_wait3A_430 = tpu.memref_slice %arg2[%dma_wait3A_428, %dma_wait3A_429] : memref<10000x128xf32, #tpu.memory_space<hbm>> -> memref<10000x128xf32, #tpu.memory_space<hbm>>
        tpu.wait_indirect_dma semaphore(%arg21 : memref<!tpu.dma_semaphore, #tpu.memory_space<semaphore_mem>>) src(%dma_wait3A_430 : memref<10000x128xf32, #tpu.memory_space<hbm>>) dst(%dma_wait3A_424 : memref<80x128xf32, #tpu.memory_space<vmem>>)
        %add3A_431 = arith.constant 4 : i32
        %add3A_432 = arith.addi %scan3A_259, %add3A_431 : i32
        %sub3A = arith.constant 1 : i32
        %sub3A_433 = arith.subi %add3A_432, %sub3A : i32
        %lt3A_434 = arith.constant 125 : i32
        %lt3A_435 = arith.cmpi slt, %sub3A_433, %lt3A_434 : i32
        %convert_element_type3A_436 = arith.extui %lt3A_435 : i1 to i32
        %cond3A_437 = arith.constant 0 : i32
        %cond3A_438 = arith.cmpi ne, %convert_element_type3A_436, %cond3A_437 : i32
        scf.if %cond3A_438 {
          %add3A_464 = arith.constant 4 : i32
          %add3A_465 = arith.addi %scan3A_259, %add3A_464 : i32
          %sub3A_466 = arith.constant 1 : i32
          %sub3A_467 = arith.subi %add3A_465, %sub3A_466 : i32
          %dma_wait3A_468 = arith.constant 1 : i32
          %dma_wait3A_469 = arith.constant 0 : i32
          %dma_wait3A_470 = tpu.memref_slice %arg5[%dma_wait3A_468, %dma_wait3A_469] : memref<8x80xi32, #tpu.memory_space<vmem>> -> memref<1x80xi32, #tpu.memory_space<vmem>>
          %dma_wait3A_471 = tpu.memref_squeeze %dma_wait3A_470 : memref<1x80xi32, #tpu.memory_space<vmem>> -> memref<80xi32, #tpu.memory_space<vmem>>
          %dma_wait3A_472 = arith.constant 0 : i32
          %dma_wait3A_473 = tpu.memref_slice %arg3[%add3A, %sub3A_467, %dma_wait3A_472] : memref<64x125x80xi32, #tpu.memory_space<hbm>> -> memref<1x1x80xi32, #tpu.memory_space<hbm>>
          %dma_wait3A_474 = tpu.memref_squeeze %dma_wait3A_473 : memref<1x1x80xi32, #tpu.memory_space<hbm>> -> memref<80xi32, #tpu.memory_space<hbm>>
          %dma_wait3A_475 = arith.constant 0 : i32
          %dma_wait3A_476 = tpu.memref_slice %arg5[%dma_wait3A_468, %dma_wait3A_475] : memref<8x80xi32, #tpu.memory_space<vmem>> -> memref<1x80xi32, #tpu.memory_space<vmem>>
          %dma_wait3A_477 = tpu.memref_squeeze %dma_wait3A_476 : memref<1x80xi32, #tpu.memory_space<vmem>> -> memref<80xi32, #tpu.memory_space<vmem>>
          %dma_wait3A_478 = arith.constant 0 : i32
          %dma_wait3A_479 = tpu.memref_slice %arg3[%add3A, %sub3A_467, %dma_wait3A_478] : memref<64x125x80xi32, #tpu.memory_space<hbm>> -> memref<1x1x80xi32, #tpu.memory_space<hbm>>
          %dma_wait3A_480 = tpu.memref_squeeze %dma_wait3A_479 : memref<1x1x80xi32, #tpu.memory_space<hbm>> -> memref<80xi32, #tpu.memory_space<hbm>>
          tpu.wait_dma2 semaphore(%arg12 : memref<!tpu.dma_semaphore, #tpu.memory_space<semaphore_mem>>) src(%dma_wait3A_480 : memref<80xi32, #tpu.memory_space<hbm>>) dst(%dma_wait3A_477 : memref<80xi32, #tpu.memory_space<vmem>>)
          %add3A_481 = arith.constant 4 : i32
          %add3A_482 = arith.addi %scan3A_259, %add3A_481 : i32
          %sub3A_483 = arith.constant 1 : i32
          %sub3A_484 = arith.subi %add3A_482, %sub3A_483 : i32
          %dma_start3A_485 = arith.constant 1 : i32
          %dma_start3A_486 = arith.constant 1 : i32
          %dma_start3A_487 = arith.constant 0 : i32
          %dma_start3A_488 = arith.constant 0 : i32
          %dma_start3A_489 = tpu.memref_slice %arg7[%dma_start3A_486, %dma_start3A_487, %dma_start3A_488] : memref<4x80x128xf32, #tpu.memory_space<vmem>> -> memref<1x80x128xf32, #tpu.memory_space<vmem>>
          %dma_start3A_490 = tpu.memref_squeeze %dma_start3A_489 : memref<1x80x128xf32, #tpu.memory_space<vmem>> -> memref<80x128xf32, #tpu.memory_space<vmem>>
          %dma_start3A_491 = arith.constant 0 : i32
          %dma_start3A_492 = tpu.memref_slice %arg5[%dma_start3A_485, %dma_start3A_491] : memref<8x80xi32, #tpu.memory_space<vmem>> -> memref<1x80xi32, #tpu.memory_space<vmem>>
          %dma_start3A_493 = tpu.memref_squeeze %dma_start3A_492 : memref<1x80xi32, #tpu.memory_space<vmem>> -> memref<80xi32, #tpu.memory_space<vmem>>
          %dma_start3A_494 = arith.constant 0 : i32
          %dma_start3A_495 = arith.constant 0 : i32
          %dma_start3A_496 = tpu.memref_slice %arg2[%dma_start3A_494, %dma_start3A_495] : memref<10000x128xf32, #tpu.memory_space<hbm>> -> memref<10000x128xf32, #tpu.memory_space<hbm>>
          tpu.enqueue_indirect_dma source(%dma_start3A_496 : memref<10000x128xf32, #tpu.memory_space<hbm>>) target(%dma_start3A_490 : memref<80x128xf32, #tpu.memory_space<vmem>>) offsets(%dma_start3A_493 : memref<80xi32, #tpu.memory_space<vmem>>) semaphore(%arg20 : memref<!tpu.dma_semaphore, #tpu.memory_space<semaphore_mem>>)
          %add3A_497 = arith.constant 4 : i32
          %add3A_498 = arith.addi %scan3A_259, %add3A_497 : i32
          %sub3A_499 = arith.constant 1 : i32
          %sub3A_500 = arith.subi %add3A_498, %sub3A_499 : i32
          %add3A_501 = arith.constant 32 : i32
          %add3A_502 = arith.addi %add3A_501, %add3A : i32
          %dma_start3A_503 = arith.constant 1 : i32
          %dma_start3A_504 = arith.constant 0 : i32
          %dma_start3A_505 = tpu.memref_slice %arg6[%dma_start3A_503, %dma_start3A_504] : memref<4x80xi32, #tpu.memory_space<vmem>> -> memref<1x80xi32, #tpu.memory_space<vmem>>
          %dma_start3A_506 = tpu.memref_squeeze %dma_start3A_505 : memref<1x80xi32, #tpu.memory_space<vmem>> -> memref<80xi32, #tpu.memory_space<vmem>>
          %dma_start3A_507 = arith.constant 0 : i32
          %dma_start3A_508 = tpu.memref_slice %arg3[%add3A_502, %sub3A_500, %dma_start3A_507] : memref<64x125x80xi32, #tpu.memory_space<hbm>> -> memref<1x1x80xi32, #tpu.memory_space<hbm>>
          %dma_start3A_509 = tpu.memref_squeeze %dma_start3A_508 : memref<1x1x80xi32, #tpu.memory_space<hbm>> -> memref<80xi32, #tpu.memory_space<hbm>>
          %dma_start3A_510 = arith.constant 0 : i32
          %dma_start3A_511 = tpu.memref_slice %arg6[%dma_start3A_503, %dma_start3A_510] : memref<4x80xi32, #tpu.memory_space<vmem>> -> memref<1x80xi32, #tpu.memory_space<vmem>>
          %dma_start3A_512 = tpu.memref_squeeze %dma_start3A_511 : memref<1x80xi32, #tpu.memory_space<vmem>> -> memref<80xi32, #tpu.memory_space<vmem>>
          %dma_start3A_513 = arith.constant 0 : i32
          %dma_start3A_514 = tpu.memref_slice %arg3[%add3A_502, %sub3A_500, %dma_start3A_513] : memref<64x125x80xi32, #tpu.memory_space<hbm>> -> memref<1x1x80xi32, #tpu.memory_space<hbm>>
          %dma_start3A_515 = tpu.memref_squeeze %dma_start3A_514 : memref<1x1x80xi32, #tpu.memory_space<hbm>> -> memref<80xi32, #tpu.memory_space<hbm>>
          tpu.enqueue_dma source(%dma_start3A_515 : memref<80xi32, #tpu.memory_space<hbm>>) target(%dma_start3A_512 : memref<80xi32, #tpu.memory_space<vmem>>) target_semaphore(%arg24 : memref<!tpu.dma_semaphore, #tpu.memory_space<semaphore_mem>>)
        } else {
        }
        %add3A_439 = arith.constant 8 : i32
        %add3A_440 = arith.addi %scan3A_259, %add3A_439 : i32
        %sub3A_441 = arith.constant 1 : i32
        %sub3A_442 = arith.subi %add3A_440, %sub3A_441 : i32
        %lt3A_443 = arith.constant 125 : i32
        %lt3A_444 = arith.cmpi slt, %sub3A_442, %lt3A_443 : i32
        %convert_element_type3A_445 = arith.extui %lt3A_444 : i1 to i32
        %cond3A_446 = arith.constant 0 : i32
        %cond3A_447 = arith.cmpi ne, %convert_element_type3A_445, %cond3A_446 : i32
        scf.if %cond3A_447 {
          %add3A_464 = arith.constant 8 : i32
          %add3A_465 = arith.addi %scan3A_259, %add3A_464 : i32
          %sub3A_466 = arith.constant 1 : i32
          %sub3A_467 = arith.subi %add3A_465, %sub3A_466 : i32
          %dma_start3A_468 = arith.constant 5 : i32
          %dma_start3A_469 = arith.constant 0 : i32
          %dma_start3A_470 = tpu.memref_slice %arg5[%dma_start3A_468, %dma_start3A_469] : memref<8x80xi32, #tpu.memory_space<vmem>> -> memref<1x80xi32, #tpu.memory_space<vmem>>
          %dma_start3A_471 = tpu.memref_squeeze %dma_start3A_470 : memref<1x80xi32, #tpu.memory_space<vmem>> -> memref<80xi32, #tpu.memory_space<vmem>>
          %dma_start3A_472 = arith.constant 0 : i32
          %dma_start3A_473 = tpu.memref_slice %arg3[%add3A, %sub3A_467, %dma_start3A_472] : memref<64x125x80xi32, #tpu.memory_space<hbm>> -> memref<1x1x80xi32, #tpu.memory_space<hbm>>
          %dma_start3A_474 = tpu.memref_squeeze %dma_start3A_473 : memref<1x1x80xi32, #tpu.memory_space<hbm>> -> memref<80xi32, #tpu.memory_space<hbm>>
          %dma_start3A_475 = arith.constant 0 : i32
          %dma_start3A_476 = tpu.memref_slice %arg5[%dma_start3A_468, %dma_start3A_475] : memref<8x80xi32, #tpu.memory_space<vmem>> -> memref<1x80xi32, #tpu.memory_space<vmem>>
          %dma_start3A_477 = tpu.memref_squeeze %dma_start3A_476 : memref<1x80xi32, #tpu.memory_space<vmem>> -> memref<80xi32, #tpu.memory_space<vmem>>
          %dma_start3A_478 = arith.constant 0 : i32
          %dma_start3A_479 = tpu.memref_slice %arg3[%add3A, %sub3A_467, %dma_start3A_478] : memref<64x125x80xi32, #tpu.memory_space<hbm>> -> memref<1x1x80xi32, #tpu.memory_space<hbm>>
          %dma_start3A_480 = tpu.memref_squeeze %dma_start3A_479 : memref<1x1x80xi32, #tpu.memory_space<hbm>> -> memref<80xi32, #tpu.memory_space<hbm>>
          tpu.enqueue_dma source(%dma_start3A_480 : memref<80xi32, #tpu.memory_space<hbm>>) target(%dma_start3A_477 : memref<80xi32, #tpu.memory_space<vmem>>) target_semaphore(%arg16 : memref<!tpu.dma_semaphore, #tpu.memory_space<semaphore_mem>>)
        } else {
        }
        %add3A_448 = arith.constant 32 : i32
        %add3A_449 = arith.addi %add3A_448, %add3A : i32
        %dma_wait3A_450 = arith.constant 2 : i32
        %dma_wait3A_451 = arith.constant 0 : i32
        %dma_wait3A_452 = tpu.memref_slice %arg6[%dma_wait3A_450, %dma_wait3A_451] : memref<4x80xi32, #tpu.memory_space<vmem>> -> memref<1x80xi32, #tpu.memory_space<vmem>>
        %dma_wait3A_453 = tpu.memref_squeeze %dma_wait3A_452 : memref<1x80xi32, #tpu.memory_space<vmem>> -> memref<80xi32, #tpu.memory_space<vmem>>
        %dma_wait3A_454 = arith.constant 0 : i32
        %dma_wait3A_455 = tpu.memref_slice %arg3[%add3A_449, %scan3A_259, %dma_wait3A_454] : memref<64x125x80xi32, #tpu.memory_space<hbm>> -> memref<1x1x80xi32, #tpu.memory_space<hbm>>
        %dma_wait3A_456 = tpu.memref_squeeze %dma_wait3A_455 : memref<1x1x80xi32, #tpu.memory_space<hbm>> -> memref<80xi32, #tpu.memory_space<hbm>>
        %dma_wait3A_457 = arith.constant 0 : i32
        %dma_wait3A_458 = tpu.memref_slice %arg6[%dma_wait3A_450, %dma_wait3A_457] : memref<4x80xi32, #tpu.memory_space<vmem>> -> memref<1x80xi32, #tpu.memory_space<vmem>>
        %dma_wait3A_459 = tpu.memref_squeeze %dma_wait3A_458 : memref<1x80xi32, #tpu.memory_space<vmem>> -> memref<80xi32, #tpu.memory_space<vmem>>
        %dma_wait3A_460 = arith.constant 0 : i32
        %dma_wait3A_461 = tpu.memref_slice %arg3[%add3A_449, %scan3A_259, %dma_wait3A_460] : memref<64x125x80xi32, #tpu.memory_space<hbm>> -> memref<1x1x80xi32, #tpu.memory_space<hbm>>
        %dma_wait3A_462 = tpu.memref_squeeze %dma_wait3A_461 : memref<1x1x80xi32, #tpu.memory_space<hbm>> -> memref<80xi32, #tpu.memory_space<hbm>>
        tpu.wait_dma2 semaphore(%arg25 : memref<!tpu.dma_semaphore, #tpu.memory_space<semaphore_mem>>) src(%dma_wait3A_462 : memref<80xi32, #tpu.memory_space<hbm>>) dst(%dma_wait3A_459 : memref<80xi32, #tpu.memory_space<vmem>>)
        %run_scoped3A = arith.constant 2 : i32
        %run_scoped3A_463 = arith.constant 2 : i32
        "tpu.region"() ({
          %run_scoped3A_464 = tpu.sem_alloc : memref<!tpu.dma_semaphore, #tpu.memory_space<semaphore_mem>>
          %dma_start3A_465 = arith.constant 0 : i32
          %dma_start3A_466 = arith.constant 0 : i32
          %dma_start3A_467 = tpu.memref_slice %arg7[%run_scoped3A, %dma_start3A_465, %dma_start3A_466] : memref<4x80x128xf32, #tpu.memory_space<vmem>> -> memref<1x80x128xf32, #tpu.memory_space<vmem>>
          %dma_start3A_468 = tpu.memref_squeeze %dma_start3A_467 : memref<1x80x128xf32, #tpu.memory_space<vmem>> -> memref<80x128xf32, #tpu.memory_space<vmem>>
          %dma_start3A_469 = arith.constant 0 : i32
          %dma_start3A_470 = tpu.memref_slice %arg6[%run_scoped3A_463, %dma_start3A_469] : memref<4x80xi32, #tpu.memory_space<vmem>> -> memref<1x80xi32, #tpu.memory_space<vmem>>
          %dma_start3A_471 = tpu.memref_squeeze %dma_start3A_470 : memref<1x80xi32, #tpu.memory_space<vmem>> -> memref<80xi32, #tpu.memory_space<vmem>>
          %dma_start3A_472 = arith.constant 0 : i32
          %dma_start3A_473 = arith.constant 0 : i32
          %dma_start3A_474 = tpu.memref_slice %arg9[%dma_start3A_472, %dma_start3A_473] : memref<10000x128xf32, #tpu.memory_space<vmem_shared>> -> memref<10000x128xf32, #tpu.memory_space<vmem_shared>>
          tpu.enqueue_indirect_dma source(%dma_start3A_468 : memref<80x128xf32, #tpu.memory_space<vmem>>) target(%dma_start3A_474 : memref<10000x128xf32, #tpu.memory_space<vmem_shared>>) offsets(%dma_start3A_471 : memref<80xi32, #tpu.memory_space<vmem>>) semaphore(%run_scoped3A_464 : memref<!tpu.dma_semaphore, #tpu.memory_space<semaphore_mem>>) {add = true}
          %dma_wait3A_475 = arith.constant 0 : i32
          %dma_wait3A_476 = arith.constant 0 : i32
          %dma_wait3A_477 = tpu.memref_slice %arg7[%run_scoped3A, %dma_wait3A_475, %dma_wait3A_476] : memref<4x80x128xf32, #tpu.memory_space<vmem>> -> memref<1x80x128xf32, #tpu.memory_space<vmem>>
          %dma_wait3A_478 = tpu.memref_squeeze %dma_wait3A_477 : memref<1x80x128xf32, #tpu.memory_space<vmem>> -> memref<80x128xf32, #tpu.memory_space<vmem>>
          %dma_wait3A_479 = arith.constant 0 : i32
          %dma_wait3A_480 = tpu.memref_slice %arg6[%run_scoped3A_463, %dma_wait3A_479] : memref<4x80xi32, #tpu.memory_space<vmem>> -> memref<1x80xi32, #tpu.memory_space<vmem>>
          %dma_wait3A_481 = tpu.memref_squeeze %dma_wait3A_480 : memref<1x80xi32, #tpu.memory_space<vmem>> -> memref<80xi32, #tpu.memory_space<vmem>>
          %dma_wait3A_482 = arith.constant 0 : i32
          %dma_wait3A_483 = arith.constant 0 : i32
          %dma_wait3A_484 = tpu.memref_slice %arg9[%dma_wait3A_482, %dma_wait3A_483] : memref<10000x128xf32, #tpu.memory_space<vmem_shared>> -> memref<10000x128xf32, #tpu.memory_space<vmem_shared>>
          tpu.wait_indirect_dma semaphore(%run_scoped3A_464 : memref<!tpu.dma_semaphore, #tpu.memory_space<semaphore_mem>>) src(%dma_wait3A_478 : memref<80x128xf32, #tpu.memory_space<vmem>>) dst(%dma_wait3A_484 : memref<10000x128xf32, #tpu.memory_space<vmem_shared>>)
          tpu.yield
        }) : () -> ()
      } else {
      }
      %jit3A_398 = arith.constant 8 : i32
      %eq3A_399 = arith.constant 0 : i32
      %eq3A_400 = arith.cmpi eq, %jit3A_398, %eq3A_399 : i32
      %jit3A_401 = arith.constant 1 : i32
      %select_n3A_402 = arith.select %eq3A_400, %jit3A_401, %jit3A_398 : i32
      %rem3A_403 = arith.remsi %scan3A_259, %select_n3A_402 : i32
      %ne3A_404 = arith.constant 0 : i32
      %ne3A_405 = arith.cmpi ne, %rem3A_403, %ne3A_404 : i32
      %lt3A_406 = arith.constant 0 : i32
      %lt3A_407 = arith.cmpi slt, %rem3A_403, %lt3A_406 : i32
      %lt3A_408 = arith.constant 0 : i32
      %lt3A_409 = arith.cmpi slt, %select_n3A_402, %lt3A_408 : i32
      %ne3A_410 = arith.xori %lt3A_407, %lt3A_409 : i1
      %and3A_411 = arith.andi %ne3A_410, %ne3A_405 : i1
      %add3A_412 = arith.addi %rem3A_403, %select_n3A_402 : i32
      %select_n3A_413 = arith.select %and3A_411, %add3A_412, %rem3A_403 : i32
      %eq3A_414 = arith.constant 7 : i32
      %eq3A_415 = arith.cmpi eq, %select_n3A_413, %eq3A_414 : i32
      %convert_element_type3A_416 = arith.extui %eq3A_415 : i1 to i32
      %cond3A_417 = arith.constant 0 : i32
      %cond3A_418 = arith.cmpi ne, %convert_element_type3A_416, %cond3A_417 : i32
      scf.if %cond3A_418 {
        %dma_wait3A_419 = arith.constant 7 : i32
        %dma_wait3A_420 = arith.constant 3 : i32
        %dma_wait3A_421 = arith.constant 0 : i32
        %dma_wait3A_422 = arith.constant 0 : i32
        %dma_wait3A_423 = tpu.memref_slice %arg7[%dma_wait3A_420, %dma_wait3A_421, %dma_wait3A_422] : memref<4x80x128xf32, #tpu.memory_space<vmem>> -> memref<1x80x128xf32, #tpu.memory_space<vmem>>
        %dma_wait3A_424 = tpu.memref_squeeze %dma_wait3A_423 : memref<1x80x128xf32, #tpu.memory_space<vmem>> -> memref<80x128xf32, #tpu.memory_space<vmem>>
        %dma_wait3A_425 = arith.constant 0 : i32
        %dma_wait3A_426 = tpu.memref_slice %arg5[%dma_wait3A_419, %dma_wait3A_425] : memref<8x80xi32, #tpu.memory_space<vmem>> -> memref<1x80xi32, #tpu.memory_space<vmem>>
        %dma_wait3A_427 = tpu.memref_squeeze %dma_wait3A_426 : memref<1x80xi32, #tpu.memory_space<vmem>> -> memref<80xi32, #tpu.memory_space<vmem>>
        %dma_wait3A_428 = arith.constant 0 : i32
        %dma_wait3A_429 = arith.constant 0 : i32
        %dma_wait3A_430 = tpu.memref_slice %arg2[%dma_wait3A_428, %dma_wait3A_429] : memref<10000x128xf32, #tpu.memory_space<hbm>> -> memref<10000x128xf32, #tpu.memory_space<hbm>>
        tpu.wait_indirect_dma semaphore(%arg22 : memref<!tpu.dma_semaphore, #tpu.memory_space<semaphore_mem>>) src(%dma_wait3A_430 : memref<10000x128xf32, #tpu.memory_space<hbm>>) dst(%dma_wait3A_424 : memref<80x128xf32, #tpu.memory_space<vmem>>)
        %add3A_431 = arith.constant 4 : i32
        %add3A_432 = arith.addi %scan3A_259, %add3A_431 : i32
        %sub3A = arith.constant 1 : i32
        %sub3A_433 = arith.subi %add3A_432, %sub3A : i32
        %lt3A_434 = arith.constant 125 : i32
        %lt3A_435 = arith.cmpi slt, %sub3A_433, %lt3A_434 : i32
        %convert_element_type3A_436 = arith.extui %lt3A_435 : i1 to i32
        %cond3A_437 = arith.constant 0 : i32
        %cond3A_438 = arith.cmpi ne, %convert_element_type3A_436, %cond3A_437 : i32
        scf.if %cond3A_438 {
          %add3A_464 = arith.constant 4 : i32
          %add3A_465 = arith.addi %scan3A_259, %add3A_464 : i32
          %sub3A_466 = arith.constant 1 : i32
          %sub3A_467 = arith.subi %add3A_465, %sub3A_466 : i32
          %dma_wait3A_468 = arith.constant 2 : i32
          %dma_wait3A_469 = arith.constant 0 : i32
          %dma_wait3A_470 = tpu.memref_slice %arg5[%dma_wait3A_468, %dma_wait3A_469] : memref<8x80xi32, #tpu.memory_space<vmem>> -> memref<1x80xi32, #tpu.memory_space<vmem>>
          %dma_wait3A_471 = tpu.memref_squeeze %dma_wait3A_470 : memref<1x80xi32, #tpu.memory_space<vmem>> -> memref<80xi32, #tpu.memory_space<vmem>>
          %dma_wait3A_472 = arith.constant 0 : i32
          %dma_wait3A_473 = tpu.memref_slice %arg3[%add3A, %sub3A_467, %dma_wait3A_472] : memref<64x125x80xi32, #tpu.memory_space<hbm>> -> memref<1x1x80xi32, #tpu.memory_space<hbm>>
          %dma_wait3A_474 = tpu.memref_squeeze %dma_wait3A_473 : memref<1x1x80xi32, #tpu.memory_space<hbm>> -> memref<80xi32, #tpu.memory_space<hbm>>
          %dma_wait3A_475 = arith.constant 0 : i32
          %dma_wait3A_476 = tpu.memref_slice %arg5[%dma_wait3A_468, %dma_wait3A_475] : memref<8x80xi32, #tpu.memory_space<vmem>> -> memref<1x80xi32, #tpu.memory_space<vmem>>
          %dma_wait3A_477 = tpu.memref_squeeze %dma_wait3A_476 : memref<1x80xi32, #tpu.memory_space<vmem>> -> memref<80xi32, #tpu.memory_space<vmem>>
          %dma_wait3A_478 = arith.constant 0 : i32
          %dma_wait3A_479 = tpu.memref_slice %arg3[%add3A, %sub3A_467, %dma_wait3A_478] : memref<64x125x80xi32, #tpu.memory_space<hbm>> -> memref<1x1x80xi32, #tpu.memory_space<hbm>>
          %dma_wait3A_480 = tpu.memref_squeeze %dma_wait3A_479 : memref<1x1x80xi32, #tpu.memory_space<hbm>> -> memref<80xi32, #tpu.memory_space<hbm>>
          tpu.wait_dma2 semaphore(%arg13 : memref<!tpu.dma_semaphore, #tpu.memory_space<semaphore_mem>>) src(%dma_wait3A_480 : memref<80xi32, #tpu.memory_space<hbm>>) dst(%dma_wait3A_477 : memref<80xi32, #tpu.memory_space<vmem>>)
          %add3A_481 = arith.constant 4 : i32
          %add3A_482 = arith.addi %scan3A_259, %add3A_481 : i32
          %sub3A_483 = arith.constant 1 : i32
          %sub3A_484 = arith.subi %add3A_482, %sub3A_483 : i32
          %dma_start3A_485 = arith.constant 2 : i32
          %dma_start3A_486 = arith.constant 2 : i32
          %dma_start3A_487 = arith.constant 0 : i32
          %dma_start3A_488 = arith.constant 0 : i32
          %dma_start3A_489 = tpu.memref_slice %arg7[%dma_start3A_486, %dma_start3A_487, %dma_start3A_488] : memref<4x80x128xf32, #tpu.memory_space<vmem>> -> memref<1x80x128xf32, #tpu.memory_space<vmem>>
          %dma_start3A_490 = tpu.memref_squeeze %dma_start3A_489 : memref<1x80x128xf32, #tpu.memory_space<vmem>> -> memref<80x128xf32, #tpu.memory_space<vmem>>
          %dma_start3A_491 = arith.constant 0 : i32
          %dma_start3A_492 = tpu.memref_slice %arg5[%dma_start3A_485, %dma_start3A_491] : memref<8x80xi32, #tpu.memory_space<vmem>> -> memref<1x80xi32, #tpu.memory_space<vmem>>
          %dma_start3A_493 = tpu.memref_squeeze %dma_start3A_492 : memref<1x80xi32, #tpu.memory_space<vmem>> -> memref<80xi32, #tpu.memory_space<vmem>>
          %dma_start3A_494 = arith.constant 0 : i32
          %dma_start3A_495 = arith.constant 0 : i32
          %dma_start3A_496 = tpu.memref_slice %arg2[%dma_start3A_494, %dma_start3A_495] : memref<10000x128xf32, #tpu.memory_space<hbm>> -> memref<10000x128xf32, #tpu.memory_space<hbm>>
          tpu.enqueue_indirect_dma source(%dma_start3A_496 : memref<10000x128xf32, #tpu.memory_space<hbm>>) target(%dma_start3A_490 : memref<80x128xf32, #tpu.memory_space<vmem>>) offsets(%dma_start3A_493 : memref<80xi32, #tpu.memory_space<vmem>>) semaphore(%arg21 : memref<!tpu.dma_semaphore, #tpu.memory_space<semaphore_mem>>)
          %add3A_497 = arith.constant 4 : i32
          %add3A_498 = arith.addi %scan3A_259, %add3A_497 : i32
          %sub3A_499 = arith.constant 1 : i32
          %sub3A_500 = arith.subi %add3A_498, %sub3A_499 : i32
          %add3A_501 = arith.constant 32 : i32
          %add3A_502 = arith.addi %add3A_501, %add3A : i32
          %dma_start3A_503 = arith.constant 2 : i32
          %dma_start3A_504 = arith.constant 0 : i32
          %dma_start3A_505 = tpu.memref_slice %arg6[%dma_start3A_503, %dma_start3A_504] : memref<4x80xi32, #tpu.memory_space<vmem>> -> memref<1x80xi32, #tpu.memory_space<vmem>>
          %dma_start3A_506 = tpu.memref_squeeze %dma_start3A_505 : memref<1x80xi32, #tpu.memory_space<vmem>> -> memref<80xi32, #tpu.memory_space<vmem>>
          %dma_start3A_507 = arith.constant 0 : i32
          %dma_start3A_508 = tpu.memref_slice %arg3[%add3A_502, %sub3A_500, %dma_start3A_507] : memref<64x125x80xi32, #tpu.memory_space<hbm>> -> memref<1x1x80xi32, #tpu.memory_space<hbm>>
          %dma_start3A_509 = tpu.memref_squeeze %dma_start3A_508 : memref<1x1x80xi32, #tpu.memory_space<hbm>> -> memref<80xi32, #tpu.memory_space<hbm>>
          %dma_start3A_510 = arith.constant 0 : i32
          %dma_start3A_511 = tpu.memref_slice %arg6[%dma_start3A_503, %dma_start3A_510] : memref<4x80xi32, #tpu.memory_space<vmem>> -> memref<1x80xi32, #tpu.memory_space<vmem>>
          %dma_start3A_512 = tpu.memref_squeeze %dma_start3A_511 : memref<1x80xi32, #tpu.memory_space<vmem>> -> memref<80xi32, #tpu.memory_space<vmem>>
          %dma_start3A_513 = arith.constant 0 : i32
          %dma_start3A_514 = tpu.memref_slice %arg3[%add3A_502, %sub3A_500, %dma_start3A_513] : memref<64x125x80xi32, #tpu.memory_space<hbm>> -> memref<1x1x80xi32, #tpu.memory_space<hbm>>
          %dma_start3A_515 = tpu.memref_squeeze %dma_start3A_514 : memref<1x1x80xi32, #tpu.memory_space<hbm>> -> memref<80xi32, #tpu.memory_space<hbm>>
          tpu.enqueue_dma source(%dma_start3A_515 : memref<80xi32, #tpu.memory_space<hbm>>) target(%dma_start3A_512 : memref<80xi32, #tpu.memory_space<vmem>>) target_semaphore(%arg25 : memref<!tpu.dma_semaphore, #tpu.memory_space<semaphore_mem>>)
        } else {
        }
        %add3A_439 = arith.constant 8 : i32
        %add3A_440 = arith.addi %scan3A_259, %add3A_439 : i32
        %sub3A_441 = arith.constant 1 : i32
        %sub3A_442 = arith.subi %add3A_440, %sub3A_441 : i32
        %lt3A_443 = arith.constant 125 : i32
        %lt3A_444 = arith.cmpi slt, %sub3A_442, %lt3A_443 : i32
        %convert_element_type3A_445 = arith.extui %lt3A_444 : i1 to i32
        %cond3A_446 = arith.constant 0 : i32
        %cond3A_447 = arith.cmpi ne, %convert_element_type3A_445, %cond3A_446 : i32
        scf.if %cond3A_447 {
          %add3A_464 = arith.constant 8 : i32
          %add3A_465 = arith.addi %scan3A_259, %add3A_464 : i32
          %sub3A_466 = arith.constant 1 : i32
          %sub3A_467 = arith.subi %add3A_465, %sub3A_466 : i32
          %dma_start3A_468 = arith.constant 6 : i32
          %dma_start3A_469 = arith.constant 0 : i32
          %dma_start3A_470 = tpu.memref_slice %arg5[%dma_start3A_468, %dma_start3A_469] : memref<8x80xi32, #tpu.memory_space<vmem>> -> memref<1x80xi32, #tpu.memory_space<vmem>>
          %dma_start3A_471 = tpu.memref_squeeze %dma_start3A_470 : memref<1x80xi32, #tpu.memory_space<vmem>> -> memref<80xi32, #tpu.memory_space<vmem>>
          %dma_start3A_472 = arith.constant 0 : i32
          %dma_start3A_473 = tpu.memref_slice %arg3[%add3A, %sub3A_467, %dma_start3A_472] : memref<64x125x80xi32, #tpu.memory_space<hbm>> -> memref<1x1x80xi32, #tpu.memory_space<hbm>>
          %dma_start3A_474 = tpu.memref_squeeze %dma_start3A_473 : memref<1x1x80xi32, #tpu.memory_space<hbm>> -> memref<80xi32, #tpu.memory_space<hbm>>
          %dma_start3A_475 = arith.constant 0 : i32
          %dma_start3A_476 = tpu.memref_slice %arg5[%dma_start3A_468, %dma_start3A_475] : memref<8x80xi32, #tpu.memory_space<vmem>> -> memref<1x80xi32, #tpu.memory_space<vmem>>
          %dma_start3A_477 = tpu.memref_squeeze %dma_start3A_476 : memref<1x80xi32, #tpu.memory_space<vmem>> -> memref<80xi32, #tpu.memory_space<vmem>>
          %dma_start3A_478 = arith.constant 0 : i32
          %dma_start3A_479 = tpu.memref_slice %arg3[%add3A, %sub3A_467, %dma_start3A_478] : memref<64x125x80xi32, #tpu.memory_space<hbm>> -> memref<1x1x80xi32, #tpu.memory_space<hbm>>
          %dma_start3A_480 = tpu.memref_squeeze %dma_start3A_479 : memref<1x1x80xi32, #tpu.memory_space<hbm>> -> memref<80xi32, #tpu.memory_space<hbm>>
          tpu.enqueue_dma source(%dma_start3A_480 : memref<80xi32, #tpu.memory_space<hbm>>) target(%dma_start3A_477 : memref<80xi32, #tpu.memory_space<vmem>>) target_semaphore(%arg17 : memref<!tpu.dma_semaphore, #tpu.memory_space<semaphore_mem>>)
        } else {
        }
        %add3A_448 = arith.constant 32 : i32
        %add3A_449 = arith.addi %add3A_448, %add3A : i32
        %dma_wait3A_450 = arith.constant 3 : i32
        %dma_wait3A_451 = arith.constant 0 : i32
        %dma_wait3A_452 = tpu.memref_slice %arg6[%dma_wait3A_450, %dma_wait3A_451] : memref<4x80xi32, #tpu.memory_space<vmem>> -> memref<1x80xi32, #tpu.memory_space<vmem>>
        %dma_wait3A_453 = tpu.memref_squeeze %dma_wait3A_452 : memref<1x80xi32, #tpu.memory_space<vmem>> -> memref<80xi32, #tpu.memory_space<vmem>>
        %dma_wait3A_454 = arith.constant 0 : i32
        %dma_wait3A_455 = tpu.memref_slice %arg3[%add3A_449, %scan3A_259, %dma_wait3A_454] : memref<64x125x80xi32, #tpu.memory_space<hbm>> -> memref<1x1x80xi32, #tpu.memory_space<hbm>>
        %dma_wait3A_456 = tpu.memref_squeeze %dma_wait3A_455 : memref<1x1x80xi32, #tpu.memory_space<hbm>> -> memref<80xi32, #tpu.memory_space<hbm>>
        %dma_wait3A_457 = arith.constant 0 : i32
        %dma_wait3A_458 = tpu.memref_slice %arg6[%dma_wait3A_450, %dma_wait3A_457] : memref<4x80xi32, #tpu.memory_space<vmem>> -> memref<1x80xi32, #tpu.memory_space<vmem>>
        %dma_wait3A_459 = tpu.memref_squeeze %dma_wait3A_458 : memref<1x80xi32, #tpu.memory_space<vmem>> -> memref<80xi32, #tpu.memory_space<vmem>>
        %dma_wait3A_460 = arith.constant 0 : i32
        %dma_wait3A_461 = tpu.memref_slice %arg3[%add3A_449, %scan3A_259, %dma_wait3A_460] : memref<64x125x80xi32, #tpu.memory_space<hbm>> -> memref<1x1x80xi32, #tpu.memory_space<hbm>>
        %dma_wait3A_462 = tpu.memref_squeeze %dma_wait3A_461 : memref<1x1x80xi32, #tpu.memory_space<hbm>> -> memref<80xi32, #tpu.memory_space<hbm>>
        tpu.wait_dma2 semaphore(%arg26 : memref<!tpu.dma_semaphore, #tpu.memory_space<semaphore_mem>>) src(%dma_wait3A_462 : memref<80xi32, #tpu.memory_space<hbm>>) dst(%dma_wait3A_459 : memref<80xi32, #tpu.memory_space<vmem>>)
        %run_scoped3A = arith.constant 3 : i32
        %run_scoped3A_463 = arith.constant 3 : i32
        "tpu.region"() ({
          %run_scoped3A_464 = tpu.sem_alloc : memref<!tpu.dma_semaphore, #tpu.memory_space<semaphore_mem>>
          %dma_start3A_465 = arith.constant 0 : i32
          %dma_start3A_466 = arith.constant 0 : i32
          %dma_start3A_467 = tpu.memref_slice %arg7[%run_scoped3A, %dma_start3A_465, %dma_start3A_466] : memref<4x80x128xf32, #tpu.memory_space<vmem>> -> memref<1x80x128xf32, #tpu.memory_space<vmem>>
          %dma_start3A_468 = tpu.memref_squeeze %dma_start3A_467 : memref<1x80x128xf32, #tpu.memory_space<vmem>> -> memref<80x128xf32, #tpu.memory_space<vmem>>
          %dma_start3A_469 = arith.constant 0 : i32
          %dma_start3A_470 = tpu.memref_slice %arg6[%run_scoped3A_463, %dma_start3A_469] : memref<4x80xi32, #tpu.memory_space<vmem>> -> memref<1x80xi32, #tpu.memory_space<vmem>>
          %dma_start3A_471 = tpu.memref_squeeze %dma_start3A_470 : memref<1x80xi32, #tpu.memory_space<vmem>> -> memref<80xi32, #tpu.memory_space<vmem>>
          %dma_start3A_472 = arith.constant 0 : i32
          %dma_start3A_473 = arith.constant 0 : i32
          %dma_start3A_474 = tpu.memref_slice %arg9[%dma_start3A_472, %dma_start3A_473] : memref<10000x128xf32, #tpu.memory_space<vmem_shared>> -> memref<10000x128xf32, #tpu.memory_space<vmem_shared>>
          tpu.enqueue_indirect_dma source(%dma_start3A_468 : memref<80x128xf32, #tpu.memory_space<vmem>>) target(%dma_start3A_474 : memref<10000x128xf32, #tpu.memory_space<vmem_shared>>) offsets(%dma_start3A_471 : memref<80xi32, #tpu.memory_space<vmem>>) semaphore(%run_scoped3A_464 : memref<!tpu.dma_semaphore, #tpu.memory_space<semaphore_mem>>) {add = true}
          %dma_wait3A_475 = arith.constant 0 : i32
          %dma_wait3A_476 = arith.constant 0 : i32
          %dma_wait3A_477 = tpu.memref_slice %arg7[%run_scoped3A, %dma_wait3A_475, %dma_wait3A_476] : memref<4x80x128xf32, #tpu.memory_space<vmem>> -> memref<1x80x128xf32, #tpu.memory_space<vmem>>
          %dma_wait3A_478 = tpu.memref_squeeze %dma_wait3A_477 : memref<1x80x128xf32, #tpu.memory_space<vmem>> -> memref<80x128xf32, #tpu.memory_space<vmem>>
          %dma_wait3A_479 = arith.constant 0 : i32
          %dma_wait3A_480 = tpu.memref_slice %arg6[%run_scoped3A_463, %dma_wait3A_479] : memref<4x80xi32, #tpu.memory_space<vmem>> -> memref<1x80xi32, #tpu.memory_space<vmem>>
          %dma_wait3A_481 = tpu.memref_squeeze %dma_wait3A_480 : memref<1x80xi32, #tpu.memory_space<vmem>> -> memref<80xi32, #tpu.memory_space<vmem>>
          %dma_wait3A_482 = arith.constant 0 : i32
          %dma_wait3A_483 = arith.constant 0 : i32
          %dma_wait3A_484 = tpu.memref_slice %arg9[%dma_wait3A_482, %dma_wait3A_483] : memref<10000x128xf32, #tpu.memory_space<vmem_shared>> -> memref<10000x128xf32, #tpu.memory_space<vmem_shared>>
          tpu.wait_indirect_dma semaphore(%run_scoped3A_464 : memref<!tpu.dma_semaphore, #tpu.memory_space<semaphore_mem>>) src(%dma_wait3A_478 : memref<80x128xf32, #tpu.memory_space<vmem>>) dst(%dma_wait3A_484 : memref<10000x128xf32, #tpu.memory_space<vmem_shared>>)
          tpu.yield
        }) : () -> ()
      } else {
      }
    }
    %scan3A_245 = arith.constant 125 : i32
    %barrier3A_246 = arith.constant 0 : index
    tpu.barrier barrier_id(%barrier3A_246)
    %scan3A_247 = arith.constant 0 : i32
    %scan3A_248 = arith.constant 0 : i32
    %scan3A_249 = arith.constant 4 : i32
    %scan3A_250 = arith.addi %scan3A_248, %scan3A_249 : i32
    %scan3A_251 = arith.constant 1 : i32
    scf.for %scan3A_259 = %scan3A_248 to %scan3A_250 step %scan3A_251  : i32 {
      %mul3A_260 = arith.constant 16 : i32
      %mul3A_261 = arith.muli %scan3A_259, %mul3A_260 : i32
      %add3A_262 = arith.addi %arg1, %mul3A_261 : i32
      %lt3A = arith.constant 50 : i32
      %lt3A_263 = arith.cmpi slt, %add3A_262, %lt3A : i32
      %convert_element_type3A = arith.extui %lt3A_263 : i1 to i32
      %cond3A = arith.constant 0 : i32
      %cond3A_264 = arith.cmpi ne, %convert_element_type3A, %cond3A : i32
      scf.if %cond3A_264 {
        %mul3A_265 = arith.constant 200 : i32
        %mul3A_266 = arith.muli %add3A_262, %mul3A_265 : i32
        %mul3A_267 = arith.constant 10000 : i32
        %mul3A_268 = arith.muli %arg0, %mul3A_267 : i32
        %mul3A_269 = arith.constant 200 : i32
        %mul3A_270 = arith.muli %add3A_262, %mul3A_269 : i32
        %add3A_271 = arith.addi %mul3A_268, %mul3A_270 : i32
        %dma_start3A_272 = arith.constant 0 : i32
        %dma_start3A_273 = tpu.memref_slice %arg4[%add3A_271, %dma_start3A_272] : memref<20000x128xf32, #tpu.memory_space<hbm>> -> memref<200x128xf32, #tpu.memory_space<hbm>>
        %dma_start3A_274 = arith.constant 0 : i32
        %dma_start3A_275 = tpu.memref_slice %arg9[%mul3A_266, %dma_start3A_274] : memref<10000x128xf32, #tpu.memory_space<vmem_shared>> -> memref<200x128xf32, #tpu.memory_space<vmem_shared>>
        tpu.enqueue_dma source(%dma_start3A_275 : memref<200x128xf32, #tpu.memory_space<vmem_shared>>) target(%dma_start3A_273 : memref<200x128xf32, #tpu.memory_space<hbm>>) target_semaphore(%arg10 : memref<!tpu.dma_semaphore, #tpu.memory_space<semaphore_mem>>)
      } else {
      }
    }
    %scan3A_252 = arith.constant 4 : i32
    %scan3A_253 = arith.constant 0 : i32
    %scan3A_254 = arith.constant 0 : i32
    %scan3A_255 = arith.constant 4 : i32
    %scan3A_256 = arith.addi %scan3A_254, %scan3A_255 : i32
    %scan3A_257 = arith.constant 1 : i32
    scf.for %scan3A_259 = %scan3A_254 to %scan3A_256 step %scan3A_257  : i32 {
      %mul3A_260 = arith.constant 16 : i32
      %mul3A_261 = arith.muli %scan3A_259, %mul3A_260 : i32
      %add3A_262 = arith.addi %arg1, %mul3A_261 : i32
      %lt3A = arith.constant 50 : i32
      %lt3A_263 = arith.cmpi slt, %add3A_262, %lt3A : i32
      %convert_element_type3A = arith.extui %lt3A_263 : i1 to i32
      %cond3A = arith.constant 0 : i32
      %cond3A_264 = arith.cmpi ne, %convert_element_type3A, %cond3A : i32
      scf.if %cond3A_264 {
        %mul3A_265 = arith.constant 200 : i32
        %mul3A_266 = arith.muli %add3A_262, %mul3A_265 : i32
        %mul3A_267 = arith.constant 10000 : i32
        %mul3A_268 = arith.muli %arg0, %mul3A_267 : i32
        %mul3A_269 = arith.constant 200 : i32
        %mul3A_270 = arith.muli %add3A_262, %mul3A_269 : i32
        %add3A_271 = arith.addi %mul3A_268, %mul3A_270 : i32
        %dma_wait3A_272 = arith.constant 0 : i32
        %dma_wait3A_273 = tpu.memref_slice %arg4[%add3A_271, %dma_wait3A_272] : memref<20000x128xf32, #tpu.memory_space<hbm>> -> memref<200x128xf32, #tpu.memory_space<hbm>>
        %dma_wait3A_274 = arith.constant 0 : i32
        %dma_wait3A_275 = tpu.memref_slice %arg9[%mul3A_266, %dma_wait3A_274] : memref<10000x128xf32, #tpu.memory_space<vmem_shared>> -> memref<200x128xf32, #tpu.memory_space<vmem_shared>>
        tpu.wait_dma2 semaphore(%arg10 : memref<!tpu.dma_semaphore, #tpu.memory_space<semaphore_mem>>) src(%dma_wait3A_275 : memref<200x128xf32, #tpu.memory_space<vmem_shared>>) dst(%dma_wait3A_273 : memref<200x128xf32, #tpu.memory_space<hbm>>)
      } else {
      }
    }
    %scan3A_258 = arith.constant 4 : i32
    return
  }
}

module attributes {stable_mosaic.version = 14 : i64} {
  func.func @tc_kernel(%arg0: i32, %arg1: memref<2x5000x128xf32, #tpu.memory_space<vmem>>, %arg2: memref<128x128xf32, #tpu.memory_space<vmem>>, %arg3: memref<1x128xf32, #tpu.memory_space<vmem>>, %arg4: memref<1x128xf32, #tpu.memory_space<vmem>>, %arg5: memref<1x128xf32, #tpu.memory_space<vmem>>, %arg6: memref<5000x128xf32, #tpu.memory_space<vmem>>) attributes {dimension_semantics = [#tpu.dimension_semantics<arbitrary>], iteration_bounds = array<i64: 2>, scalar_prefetch = 0 : i64, scratch_operands = 0 : i64, tpu.core_type = #tpu.core_type<tc>, window_params = [{transform_indices = @transform_0, window_bounds = array<i64: 2, 5000, 128>}, {pipeline_mode = #tpu.pipeline_mode<synchronous>, transform_indices = @transform_1, window_bounds = array<i64: 128, 128>}, {pipeline_mode = #tpu.pipeline_mode<synchronous>, transform_indices = @transform_2, window_bounds = array<i64: 1, 128>}, {pipeline_mode = #tpu.pipeline_mode<synchronous>, transform_indices = @transform_3, window_bounds = array<i64: 1, 128>}, {pipeline_mode = #tpu.pipeline_mode<synchronous>, transform_indices = @transform_4, window_bounds = array<i64: 1, 128>}, {transform_indices = @transform_5, window_bounds = array<i64: 5000, 128>}]} {
    %get3A = arith.constant 0 : index
    %get3A_0 = arith.constant 0 : index
    %get3A_1 = arith.constant 0 : index
    %get3A_2 = vector.load %arg1[%get3A, %get3A_0, %get3A_1] : memref<2x5000x128xf32, #tpu.memory_space<vmem>>, vector<1x5000x128xf32>
    %get3A_3 = vector.shape_cast %get3A_2 : vector<1x5000x128xf32> to vector<5000x128xf32>
    %get3A_4 = arith.constant 1 : index
    %get3A_5 = arith.constant 0 : index
    %get3A_6 = arith.constant 0 : index
    %get3A_7 = vector.load %arg1[%get3A_4, %get3A_5, %get3A_6] : memref<2x5000x128xf32, #tpu.memory_space<vmem>>, vector<1x5000x128xf32>
    %get3A_8 = vector.shape_cast %get3A_7 : vector<1x5000x128xf32> to vector<5000x128xf32>
    %add3A = arith.addf %get3A_3, %get3A_8 : vector<5000x128xf32>
    %get3A_9 = arith.constant 0 : index
    %get3A_10 = arith.constant 0 : index
    %get3A_11 = vector.load %arg2[%get3A_9, %get3A_10] : memref<128x128xf32, #tpu.memory_space<vmem>>, vector<128x128xf32>
    %dot_general3A = arith.constant dense<0.000000e+00> : vector<5000x128xf32>
    %dot_general3A_12 = tpu.matmul %add3A, %get3A_11, %dot_general3A {dimension_numbers = #tpu.dot_dimension_numbers<[1], [1], [0], [0], [0, 0, 1, 0], [], []>, transpose_lhs_hint = false} : vector<5000x128xf32>, vector<128x128xf32>, vector<5000x128xf32> -> vector<5000x128xf32>
    %get3A_13 = arith.constant 0 : index
    %get3A_14 = arith.constant 0 : index
    %get3A_15 = vector.load %arg3[%get3A_13, %get3A_14] : memref<1x128xf32, #tpu.memory_space<vmem>>, vector<1x128xf32>
    %add3A_16 = vector.broadcast %get3A_15 : vector<1x128xf32> to vector<5000x128xf32>
    %add3A_17 = arith.addf %dot_general3A_12, %add3A_16 : vector<5000x128xf32>
    %reduce_sum3A = arith.constant dense<0.000000e+00> : vector<5000xf32>
    %reduce_sum3A_18 = vector.multi_reduction <add>, %add3A_17, %reduce_sum3A [1] : vector<5000x128xf32> to vector<5000xf32>
    %broadcast_in_dim3A = vector.shape_cast %reduce_sum3A_18 : vector<5000xf32> to vector<5000x1xf32>
    %div3A = arith.constant 1.280000e+02 : f32
    %div3A_19 = vector.broadcast %div3A : f32 to vector<5000x1xf32>
    %div3A_20 = arith.divf %broadcast_in_dim3A, %div3A_19 : vector<5000x1xf32>
    %sub3A = vector.broadcast %div3A_20 : vector<5000x1xf32> to vector<5000x128xf32>
    %sub3A_21 = arith.subf %add3A_17, %sub3A : vector<5000x128xf32>
    %mul3A = arith.mulf %sub3A_21, %sub3A_21 : vector<5000x128xf32>
    %reduce_sum3A_22 = arith.constant dense<0.000000e+00> : vector<5000xf32>
    %reduce_sum3A_23 = vector.multi_reduction <add>, %mul3A, %reduce_sum3A_22 [1] : vector<5000x128xf32> to vector<5000xf32>
    %broadcast_in_dim3A_24 = vector.shape_cast %reduce_sum3A_23 : vector<5000xf32> to vector<5000x1xf32>
    %div3A_25 = arith.constant 1.280000e+02 : f32
    %div3A_26 = vector.broadcast %div3A_25 : f32 to vector<5000x1xf32>
    %div3A_27 = arith.divf %broadcast_in_dim3A_24, %div3A_26 : vector<5000x1xf32>
    %add3A_28 = arith.constant 9.99999974E-6 : f32
    %add3A_29 = vector.broadcast %add3A_28 : f32 to vector<5000x1xf32>
    %add3A_30 = arith.addf %div3A_27, %add3A_29 : vector<5000x1xf32>
    %rsqrt3A = math.rsqrt %add3A_30 : vector<5000x1xf32>
    %mul3A_31 = vector.broadcast %rsqrt3A : vector<5000x1xf32> to vector<5000x128xf32>
    %mul3A_32 = arith.mulf %sub3A_21, %mul3A_31 : vector<5000x128xf32>
    %get3A_33 = arith.constant 0 : index
    %get3A_34 = arith.constant 0 : index
    %get3A_35 = vector.load %arg4[%get3A_33, %get3A_34] : memref<1x128xf32, #tpu.memory_space<vmem>>, vector<1x128xf32>
    %mul3A_36 = vector.broadcast %get3A_35 : vector<1x128xf32> to vector<5000x128xf32>
    %mul3A_37 = arith.mulf %mul3A_32, %mul3A_36 : vector<5000x128xf32>
    %get3A_38 = arith.constant 0 : index
    %get3A_39 = arith.constant 0 : index
    %get3A_40 = vector.load %arg5[%get3A_38, %get3A_39] : memref<1x128xf32, #tpu.memory_space<vmem>>, vector<1x128xf32>
    %add3A_41 = vector.broadcast %get3A_40 : vector<1x128xf32> to vector<5000x128xf32>
    %add3A_42 = arith.addf %mul3A_37, %add3A_41 : vector<5000x128xf32>
    %swap3A = arith.constant 0 : index
    %swap3A_43 = arith.constant 0 : index
    %swap3A_44 = vector.load %arg6[%swap3A, %swap3A_43] : memref<5000x128xf32, #tpu.memory_space<vmem>>, vector<5000x128xf32>
    tpu.vector_store %arg6[%swap3A, %swap3A_43], %add3A_42 {strides = array<i32>} : memref<5000x128xf32, #tpu.memory_space<vmem>>, vector<5000x128xf32>,
    return
  }
  func.func @transform_0(%arg0: i32) -> (i32, i32, i32) {
    %c0_i32 = arith.constant 0 : i32
    %c0_i32_0 = arith.constant 0 : i32
    %c0_i32_1 = arith.constant 0 : i32
    return %c0_i32, %arg0, %c0_i32_0 : i32, i32, i32
  }
  func.func @transform_1(%arg0: i32) -> (i32, i32) {
    %c0_i32 = arith.constant 0 : i32
    %c0_i32_0 = arith.constant 0 : i32
    %c0_i32_1 = arith.constant 0 : i32
    return %c0_i32, %c0_i32_0 : i32, i32
  }
  func.func @transform_2(%arg0: i32) -> (i32, i32) {
    %c0_i32 = arith.constant 0 : i32
    %c0_i32_0 = arith.constant 0 : i32
    %c0_i32_1 = arith.constant 0 : i32
    return %c0_i32, %c0_i32_0 : i32, i32
  }
  func.func @transform_3(%arg0: i32) -> (i32, i32) {
    %c0_i32 = arith.constant 0 : i32
    %c0_i32_0 = arith.constant 0 : i32
    %c0_i32_1 = arith.constant 0 : i32
    return %c0_i32, %c0_i32_0 : i32, i32
  }
  func.func @transform_4(%arg0: i32) -> (i32, i32) {
    %c0_i32 = arith.constant 0 : i32
    %c0_i32_0 = arith.constant 0 : i32
    %c0_i32_1 = arith.constant 0 : i32
    return %c0_i32, %c0_i32_0 : i32, i32
  }
  func.func @transform_5(%arg0: i32) -> (i32, i32) {
    %c0_i32 = arith.constant 0 : i32
    %c0_i32_0 = arith.constant 0 : i32
    return %arg0, %c0_i32 : i32, i32
  }
}

</mosaic_0001>

<sc_bundles>
// kernel: kernel.4.cloned.1.call-start
scs
__scs_entry_jumppad:
0x0: {  	(pc) =	sbr.rel $0x88, $3  }
0x1: {  	(tag) =	ssettag $0x0;
	lr =	simm.s32 $0x1  }
0x2: {  	[smem:$0x3F9B] =	sst lr;
	_ =	strace $0xD0000000  }
0x3: {  	_ = 	snop  }
0x4: {  	_ = 	snop  }
0x5: {  	_ = 	snop  }
0x6: {  	_ = 	snop  }
0x7: {  	_ = 	snop  }
__scs_overlays_trampoline_lowered:
0x8: {  	[smem:$0x3FAA] =	sst s0  }
0x9: {  	[smem:$0x3FAB] =	sst s1  }
0xa: {  	[smem:$0x3FAC] =	sst s2  }
0xb: {  	[smem:$0x3FAD] =	sst s3  }
0xc: {  	[smem:$0x3FAE] =	sst s4  }
0xd: {  	[smem:$0x3FAF] =	sst s5  }
0xe: {  	[smem:$0x3FB0] =	sst s6  }
0xf: {  	[smem:$0x3FB1] =	sst s7  }
0x10: {  	[smem:$0x3FB2] =	sst s8  }
0x11: {  	[smem:$0x3FB3] =	sst s9;
	s0 =	simm.s32 @!p0 $0x0  }
0x12: {  	s1 =	sld [smem:$0x3F99];
	s0 =	simm.s32 @p0 $0x1  }
0x13: {  	[smem:$0x3FB4] =	sst s0;
	s0 =	simm.s32 @!p1 $0x0  }
0x14: {  	s2 =	sld [smem:$0x3F98];
	s0 =	simm.s32 @p1 $0x1  }
0x15: {  	[smem:$0x3FB5] =	sst s0;
	s0 =	simm.s32 @!p2 $0x0  }
0x16: {  	s3 =	sld [smem:$0x3FDB];
	s0 =	simm.s32 @p2 $0x1  }
0x17: {  	s4 =	simm.s32 $0x1BF5;
	[smem:$0x3FB7] =	sst s0  }
0x18: {  	s0 =	sld [smem:$0x3F9A];
	_ =	swait.ge [sflag:s4], $0x0  }
0x19: {  	s7 =	sld [smem:$0x3F9B]  }
0x1a: {  	s8 =	sadd.s32 $0xFFFFE003, lr  }
0x1b: {  	s9 =	sadd.s32 $0xFFFFFEF7, lr;
	s5 =	simm.s32 $0xFFFFFFFF;
	p2 =	slt.u32 s8, $0xFFFFF086  }
0x1c: {  	p1 =	slt.u32 s9, $0xF7A;
	s5 =	simm.s32 @!p2 $0x0  }
0x1d: {  	s5 =	simm.s32 @p1 $0x1;
	p0 =	seq.s32 s7, s2  }
0x1e: {  	s7 =	smul.u32 @!p0 $0xF7A, s2;
	p2 =	seq.s32 @!p0 s5, $0x0  }
0x1f: {  	s9 =	smul.u32 $0xF7A, s1;
	s8 =	simm.s32 @!p0 $0x1BF5;
	p2 =	por !p2, p0  }
0x20: {  	[sflag:s8] =	ssyncset.s32 @!p0 $0xFFFFF086;
	s6 =	sadd.s32 @!p0 s3, s7;
	s7 =	simm.s32 @!p0 $0x108  }
0x21: {  	s3 =	sadd.s32 s3, s9;
	s6 =	sadd.s32 @!p0 $0x88, s6;
	s7 =	simm.s32 @p2 $0x1082  }
0x22: {  	[simem:s7], [sflag:s8] =	dma.local @!p0 [hbm:s6], $0xF7A  }
0x23: {  	s9 =	sor.u32 $0xD0000000, s2;
	s6 =	simm.s32 $0x108;
	_ =	swait.ge @!p0 [sflag:s8], $0x0  }
0x24: {  	s3 =	sadd.s32 $0x88, s3;
	s6 =	simm.s32 @!p1 $0x1082;
	[sflag:s4] =	ssyncset.s32 $0xFFFFF086  }
0x25: {  	[simem:s6], [sflag:s4] =	dma.local [hbm:s3], $0xF7A  }
0x26: {  	[smem:$0x3F9B] =	sst s1;
	(tag) =	ssettag s2;
	_ =	strace s9  }
0x27: {  	s1 =	sld [smem:$0x3FAB]  }
0x28: {  	s2 =	sld [smem:$0x3FAC]  }
0x29: {  	s4 =	sld [smem:$0x3FAE]  }
0x2a: {  	p0 =	seq.s32 s5, $0x0;
	s5 =	sld [smem:$0x3FAF]  }
0x2b: {  	s6 =	sld [smem:$0x3FB0]  }
0x2c: {  	s7 =	sld [smem:$0x3FB1]  }
0x2d: {  	s3 =	simm.s32 $0x108;
	s8 =	sld [smem:$0x3FB2]  }
0x2e: {  	s3 =	simm.s32 @!p0 $0x1082;
	s9 =	sld [smem:$0x3FB3]  }
0x2f: {  	lr =	sadd.s32 s0, s3;
	s0 =	sld [smem:$0x3FAA]  }
0x30: {  	s3 =	sld [smem:$0x3FAD]  }
0x31: {  	[smem:$0x3FB6] =	sst s10  }
0x32: {  	s10 =	sld [smem:$0x3FB4];
	_ =	sdelay $0x3  }
0x33: {  	p0 =	seq.s32 s10, $0x1;
	s10 =	sld [smem:$0x3FB6];
	_ =	sdelay $0x3  }
0x34: {  	[smem:$0x3FB6] =	sst s10  }
0x35: {  	s10 =	sld [smem:$0x3FB5];
	_ =	sdelay $0x3  }
0x36: {  	p1 =	seq.s32 s10, $0x1;
	s10 =	sld [smem:$0x3FB6];
	_ =	sdelay $0x3  }
0x37: {  	[smem:$0x3FB6] =	sst s10  }
0x38: {  	s10 =	sld [smem:$0x3FB7]  }
0x39: {  	_ = 	snop;
	(pc) =	sbr.ind lr, $3  }
0x3a: {  	_ = 	snop  }
0x3b: {  	_ = 	snop  }
0x3c: {  	p2 =	seq.s32 s10, $0x1;
	s10 =	sld [smem:$0x3FB6]  }
0x3d: {  	_ =	shalt  }
0x3e: {  	_ =	shalt  }
0x3f: {  	_ =	shalt  }
0x40: {  	_ =	shalt  }
0x41: {  	_ =	shalt  }
0x42: {  	_ =	shalt  }
0x43: {  	_ =	shalt  }
0x44: {  	_ =	shalt  }
0x45: {  	_ =	shalt  }
0x46: {  	_ =	shalt  }
0x47: {  	_ =	shalt  }
0x48: {  	_ =	shalt  }
0x49: {  	_ =	shalt  }
0x4a: {  	_ =	shalt  }
0x4b: {  	_ =	shalt  }
0x4c: {  	_ =	shalt  }
0x4d: {  	_ =	shalt  }
0x4e: {  	_ =	shalt  }
0x4f: {  	_ =	shalt  }
0x50: {  	_ =	shalt  }
0x51: {  	_ =	shalt  }
0x52: {  	_ =	shalt  }
0x53: {  	_ =	shalt  }
0x54: {  	_ =	shalt  }
0x55: {  	_ =	shalt  }
0x56: {  	_ =	shalt  }
0x57: {  	_ =	shalt  }
0x58: {  	_ =	shalt  }
0x59: {  	_ =	shalt  }
0x5a: {  	_ =	shalt  }
0x5b: {  	_ =	shalt  }
0x5c: {  	_ =	shalt  }
0x5d: {  	_ =	shalt  }
0x5e: {  	_ =	shalt  }
0x5f: {  	_ =	shalt  }
0x60: {  	_ =	shalt  }
0x61: {  	_ =	shalt  }
0x62: {  	_ =	shalt  }
0x63: {  	_ =	shalt  }
0x64: {  	_ =	shalt  }
0x65: {  	_ =	shalt  }
0x66: {  	_ =	shalt  }
0x67: {  	_ =	shalt  }
0x68: {  	_ =	shalt  }
0x69: {  	_ =	shalt  }
0x6a: {  	_ =	shalt  }
0x6b: {  	_ =	shalt  }
0x6c: {  	_ =	shalt  }
0x6d: {  	_ =	shalt  }
0x6e: {  	_ =	shalt  }
0x6f: {  	_ =	shalt  }
0x70: {  	_ =	shalt  }
0x71: {  	_ =	shalt  }
0x72: {  	_ =	shalt  }
0x73: {  	_ =	shalt  }
0x74: {  	_ =	shalt  }
0x75: {  	_ =	shalt  }
0x76: {  	_ =	shalt  }
0x77: {  	_ =	shalt  }
0x78: {  	_ =	shalt  }
0x79: {  	_ =	shalt  }
0x7a: {  	_ =	shalt  }
0x7b: {  	_ =	shalt  }
0x7c: {  	_ =	shalt  }
0x7d: {  	_ =	shalt  }
0x7e: {  	_ =	shalt  }
0x7f: {  	_ =	shalt  }
0x80: {  	_ =	shalt  }
0x81: {  	_ =	shalt  }
0x82: {  	_ =	shalt  }
0x83: {  	_ =	shalt  }
0x84: {  	_ =	shalt  }
0x85: {  	_ =	shalt  }
0x86: {  	_ =	shalt  }
0x87: {  	_ =	shalt  }
.Lfunc_end0:
.L_simem_size_0:
called_computation_lowered:
.L_overlay_start_0:
0x88: {  	s2 =	sld [smem:$0x3FD9]  }
0x89: {  	s3 =	sld [smem:$0x3FFE];
	_ =	sdelay $0x1  }
0x8a: {  	s1 =	srdreg.scid  }
0x8b: {  	s0 =	sand.u32 $0x1, s1  }
0x8c: {  	s17 =	sshll.u32 s0, $0xA;
	s2 =	sadd.s32 s3, s2  }
0x8d: {  	s2 =	sadd.s32 s2, s17  }
0x8e: {  	[smem:$0x3FC2] =	sst s2  }
0x8f: {  	_ = 	snop  }
0x90: {  	s2 =	sld [smem:$0x3FC9]  }
0x91: {  	s18 =	sld [smem:$0x3FD0];
	(tm) =	ssettm $0x1  }
0x92: {  	s4 =	sld [smem:$0x3FFB];
	_ =	sdelay $0x3  }
0x93: {  	_ =	strace s4  }
0x94: {  	s4 =	sld [smem:$0x3FFC];
	_ =	sdelay $0x3  }
0x95: {  	_ =	strace s4  }
0x96: {  	s4 =	sld [smem:$0x3FFD];
	_ =	sdelay $0x3  }
0x97: {  	_ =	strace s4  }
0x98: {  	_ =	strace $0x8FFFFFFF  }
0x99: {  	s19 =	sld [smem:$0x3FDB];
	_ =	sdelay $0x1  }
0x9a: {  	s5 =	simm.s32 $_scs_section_size  }
0x9b: {  	s6 =	simm.s32 $_size__tile_overlayer_lowered;
	s7 =	simm.s32 $_tile_overlayer_lowered  }
0x9c: {  	s22 =	simm.s32 $0x1BFF;
	s21 =	sshll.u32 s7, $0x1;
	s4 =	sadd.s32 s5, s19  }
0x9d: {  	s8 =	simm.s32 $0x0;
	s20 =	sshll.u32 s6, $0x1;
	s6 =	sadd.s32 s21, s4  }
0x9e: {  	[timem:s8], [sflag:s22] =	dma.local [hbm:s6], s20  }
0x9f: {  	_ =	swait.ge [sflag:s22], s20  }
0xa0: {  	s5 =	ssub.s32 $0x0, s20;
	[sflag:s22] =	ssyncset.done $0x0  }
0xa1: {  	[sflag:s22] =	ssyncadd.s32 s5;
	_ =	sdelay $0x1  }
0xa2: {  	s23 =	simm.s32 $0x1B8B  }
0xa3: {  	_ =	swait.ge [sflag:s23], $0x1  }
0xa4: {  	[sflag:s23] =	ssyncset.done $0x0  }
0xa5: {  	s25 =	simm.s32 $0x1B8E;
	s24 =	sld [smem:$0x3FFE];
	[sflag:s23] =	ssyncadd.s32 $0xFFFFFFFF  }
0xa6: {  	s26 =	simm.s32 $execute0_lowered;
	[smem:$0x3FD2] =	sst s25  }
0xa7: {  	s6 =	sshll.u32 s26, $0x1;
	_ =	strace $0x80000046;
	[dreg:$0x1] =	wrdreg $0xFFFFFFFF  }
0xa8: {  	s28 =	simm.s32 $_size_execute0_lowered;
	s4 =	sadd.s32 s4, s6;
	[dreg:$0x0] =	wrdreg $0x0  }
0xa9: {  	s6 =	sshll.u32 s28, $0x1;
	[dreg:$0x2] =	wrdreg s4  }
0xaa: {  	[dreg:$0x3] =	wrdreg s6  }
0xab: {  	[dreg:$0x4] =	wrdreg $0xC0  }
0xac: {  	_ =	task [dreg:s8], $0x5FFFF  }
0xad: {  	[dreg:$0x1] =	wrdreg $0xFFFFFFFF  }
0xae: {  	[dreg:$0x0] =	wrdreg $0x60  }
0xaf: {  	[dreg:$0x2] =	wrdreg s2  }
0xb0: {  	[dreg:$0x3] =	wrdreg s18  }
0xb1: {  	[dreg:$0x4] =	wrdreg s24  }
0xb2: {  	[dreg:$0x5] =	wrdreg $0xBA000  }
0xb3: {  	[dreg:$0x6] =	wrdreg $0x9  }
0xb4: {  	_ =	task.clear_ibuf [dreg:s8], $0x7FFFF;
	_ =	strace $0x90000046  }
0xb5: {  	s29 =	simm.s32 $0x9;
	_ =	strace $0x80000048  }
0xb6: {  	_ =	swait.ge [sflag:s29], $0x1  }
0xb7: {  	[sflag:s29] =	ssyncadd.s32 $0xFFFFFFFF  }
0xb8: {  	_ =	strace $0x90000048  }
0xb9: {  	_ =	sfence  }
0xba: {  	s30 =	sld [smem:$0x0];
	_ =	sdelay $0x2  }
0xbb: {  	s31 =	sshll.u32 s1, $0xD;
	s1 =	sshrl.u32 s1, $0x2  }
0xbc: {  	s3 =	sand.u32 $0x4000, s31;
	s1 =	sadd.s32 s1, s30  }
0xbd: {  	s0 =	sor.u32 s3, s0;
	s1 =	sshll.u32 s1, $0x11  }
0xbe: {  	s0 =	sor.u32 s1, s0  }
0xbf: {  	s0 =	sadd.s32 $0x8F2B, s0  }
0xc0: {  	[sflag:s0] =	ssyncadd.remote.s32 $0x1  }
0xc1: {  	_ =	sfence.sel $0xFFFF  }
0xc2: {  	[dreg:$0x0] =	wrdreg $0xFFFFFFFF;
	(pc) =	sbr.abs _section_cstart, $3  }
0xc3: {  	[dreg:$0x1] =	wrdreg $0xFFFFFFFF  }
0xc4: {  	_ =	task.clear_ibuf [dreg:s8], $0x2FFFF;
	_ =	strace $0x9FFFFFFF  }
0xc5: {  	(tm) =	ssettm $0x7FFFFFFF  }
tec
execute0_lowered:
.L_overlay_start_1:
0x0: {  	(tag) =	ssettag $0x1  }
0x1: {  	s1 =	rddreg [dreg:$0x0]  }
0x2: {  	s2 =	rddreg [dreg:$0x1]  }
0x3: {  	s0 =	rddreg [dreg:$0x2]  }
0x4: {  	s3 =	rddreg [dreg:$0x3];
	s4 =	srdreg.scid  }
0x5: {  	s5 =	simm.s32 $0x0;
	s19 =	stileid.u32;
	s28 =	simm.s32 $0x50  }
0x6: {  	s29 =	simm.s32 $0x3;
	s30 =	simm.s32 $0x4;
	s31 =	simm.s32 $0x5600  }
0x7: {  	s4 =	sand.u32 $0x1, s4;
	[smem:$0x7FF] =	sst s5;
	s21 =	smul.u32 $0x5000, s19  }
0x8: {  	s13 =	sor.u32 $0x10, s19;
	s10 =	sadd.s32 $0x60, s2;
	s15 =	smul.u32 $0xC80, s19  }
0x9: {  	s17 =	sor.u32 $0x30, s19;
	s26 =	sor.u32 $0xF0, s19;
	s6 =	smul.u32 $0x27100, s4  }
0xa: {  	p2 =	sgt.u32 s19, $0x9;
	s7 =	ssub.s32 $0x2, s4;
	s14 =	smul.u32 $0x5000, s13  }
0xb: {  	s4 =	sshll.u32 s4, $0x4;
	_ =	strace $0x80000047;
	s16 =	smul.u32 $0xC80, s13  }
0xc: {  	s23 =	smul.u32 $0xC80, s17;
	s8 =	sshrl.u32 s7, $0x1;
	s4 =	sor.u32 s19, s4  }
0xd: {  	s9 =	ssub.s32 s7, s8;
	s12 =	sshll.u32 s4, $0xB;
	s8 =	sadd.s32 $0x20, s2  }
0xe: {  	s0 =	sadd.s32 s6, s0;
	s6 =	sshll.u32 s4, $0xE;
	s20 =	sadd.s32 s12, s8  }
0xf: {  	s7 =	sadd.s32 s2, s12;
	s12 =	sadd.s32 s12, s10;
	[dreg:$0x6] =	wrdreg s20  }
0x10: {  	s4 =	sshrl.u32 s21, $0x2;
	s9 =	smax.u32 s9, $0x1;
	[dreg:$0x7] =	wrdreg s12  }
0x11: {  	s11 =	sor.u32 $0x80000, s6;
	s0 =	sadd.s32 $0xE00, s0;
	[dreg:$0x9] =	wrdreg s9  }
0x12: {  	s22 =	sshrl.u32 s11, $0x3;
	s15 =	sadd.s32 s0, s15;
	[dreg:$0x5] =	wrdreg s7  }
0x13: {  	s24 =	sadd.s32 s0, s16;
	s9 =	sshrl.u32 s14, $0x2;
	[dreg:$0xa] =	wrdreg s15  }
0x14: {  	s16 =	smul.u32 $0x5000, s17;
	s12 =	sadd.s32 s2, s22;
	[dreg:$0xb] =	wrdreg s24  }
0x15: {  	s15 =	sadd.s32 s4, s3;
	s4 =	sadd.s32 s9, s3;
	[dreg:$0x8] =	wrdreg s12  }
0x16: {  	p3 =	sgt.u32 s19, $0x1;
	s22 =	smul.u32 $0x19000, s19;
	[dreg:$0xf] =	wrdreg s4  }
0x17: {  	s21 =	sshrl.u32 s16, $0x2;
	s16 =	sadd.s32 $0x50000, s15;
	[dreg:$0xe] =	wrdreg s15  }
0x18: {  	s12 =	sor.u32 $0x20, s19;
	s19 =	sadd.s32 $0x8C000, s15;
	[dreg:$0x1d] =	wrdreg s16  }
0x19: {  	p0 =	sgt.u32 s26, $0xF9;
	s9 =	sadd.s32 s21, s3;
	[smem:$0x7F6] =	sst s19  }
0x1a: {  	s18 =	smul.u32 $0xC80, s12;
	s21 =	sadd.s32 $0xB4000, s15;
	[dreg:$0x11] =	wrdreg s9  }
0x1b: {  	s24 =	sshrl.u32 s22, $0x2;
	s22 =	sadd.s32 $0xC8000, s15;
	[smem:$0x7F8] =	sst s21  }
0x1c: {  	s9 =	sadd.s32 s24, s3;
	[smem:$0x7F9] =	sst s22;
	s24 =	sadd.s32 $0xF0000, s15  }
0x1d: {  	s20 =	smul.u32 $0x5000, s12;
	s25 =	sadd.s32 s0, s18;
	[smem:$0x7FB] =	sst s24  }
0x1e: {  	p1 =	sgt.u32 s17, $0x31;
	s0 =	sadd.s32 s0, s23;
	[dreg:$0xc] =	wrdreg s25  }
0x1f: {  	s14 =	sshrl.u32 s20, $0x2;
	s9 =	sshrl.u32 s9, $0x3;
	[dreg:$0xd] =	wrdreg s0  }
0x20: {  	s20 =	smul.u32 $0x19000, s13;
	s13 =	sadd.s32 $0x10010, s7;
	[dreg:$0x13] =	wrdreg s9  }
0x21: {  	s16 =	simm.s32 $0x7E00;
	s18 =	sadd.s32 s14, s3;
	[dreg:$0x1b] =	wrdreg s13  }
0x22: {  	s0 =	smul.u32 $0x5000, s26;
	s26 =	sadd.s32 $0x10, s7;
	[dreg:$0x10] =	wrdreg s18  }
0x23: {  	s23 =	smul.u32 $0x19000, s12;
	s9 =	sadd.s32 $0x40, s7;
	[dreg:$0x17] =	wrdreg s26  }
0x24: {  	s24 =	simm.s32 $0xD;
	s14 =	sadd.s32 $0x10020, s7;
	[dreg:$0x19] =	wrdreg s9  }
0x25: {  	s25 =	smul.u32 $0x19000, s17;
	s17 =	sadd.s32 $0x64000, s15;
	[dreg:$0x1c] =	wrdreg s14  }
0x26: {  	s13 =	simm.s32 $0xC;
	s4 =	sshrl.u32 s20, $0x2;
	[dreg:$0x1e] =	wrdreg s17  }
0x27: {  	s18 =	sadd.s32 $0x78000, s15;
	s20 =	sadd.s32 $0xA0000, s15;
	s26 =	sadd.s32 $0x118000, s15  }
0x28: {  	s9 =	simm.s32 $0x1;
	s14 =	simm.s32 $0x10;
	s17 =	simm.s32 $0x12  }
0x29: {  	s0 =	sshrl.u32 s0, $0x2;
	s4 =	sadd.s32 s4, s3;
	[dreg:$0x1f] =	wrdreg s18  }
0x2a: {  	s12 =	sshrl.u32 s25, $0x2;
	[smem:$0x7F7] =	sst s20;
	s25 =	sadd.s32 $0x104000, s15  }
0x2b: {  	[smem:$0x7FD] =	sst s26;
	s26 =	simm.s32 $0x2;
	s18 =	simm.s32 $0x0  }
0x2c: {  	s0 =	sadd.s32 s0, s3;
	s12 =	sadd.s32 s12, s3;
	[smem:$0x7FC] =	sst s25  }
0x2d: {  	s4 =	sshrl.u32 s4, $0x3;
	[dreg:$0x12] =	wrdreg s0;
	s0 =	sshrl.u32 s23, $0x2  }
0x2e: {  	[dreg:$0x14] =	wrdreg s4;
	s4 =	sadd.s32 $0x30, s7;
	s23 =	sadd.s32 $0xDC000, s15  }
.Ltmp0:
0x2f: {  	s0 =	sadd.s32 s0, s3;
	[dreg:$0x18] =	wrdreg s4;
	(pc) =	sbr.rel .LBB2_1-.Ltmp0, $4  }
0x30: {  	s25 =	simm.s32 $0x580;
	[smem:$0x7FA] =	sst s23;
	s0 =	sshrl.u32 s0, $0x3  }
0x31: {  	s15 =	simm.s32 $0x11;
	[dreg:$0x15] =	wrdreg s0;
	s0 =	sshrl.u32 @!p1 s12, $0x3  }
0x32: {  	s4 =	simm.s32 $0xA600;
	s12 =	sadd.s32 $0x50, s7;
	[dreg:$0x16] =	wrdreg s0  }
0x33: {  	v0 =	vimm.f32 $0.0e+00;
	[dreg:$0x1a] =	wrdreg s12;
	s0 =	simm.s32 $0x500;
	s12 =	simm.s32 $0x13  }
.LBB2_15:
0x34: {  	s7 =	stileid.u32;
	[bflag:$0x0] =	sbarrier.arrive $0xFFFF  }
0x35: {  	s7 =	sshll.u32 s7, $0x6;
	s19 =	rddreg [dreg:$0xa]  }
0x36: {  	s20 =	rddreg [dreg:$0x13];
	s7 =	sor.u32 $0x1C01, s7  }
0x37: {  	[hbm:s19], [sflag:s7] =	dma.local [spmem:s20], $0xC80  }
0x38: {  	s19 =	rddreg [dreg:$0xb]  }
0x39: {  	s20 =	rddreg [dreg:$0x14]  }
0x3a: {  	[hbm:s19], [sflag:s7] =	dma.local [spmem:s20], $0xC80  }
0x3b: {  	s19 =	rddreg [dreg:$0xc]  }
0x3c: {  	s20 =	rddreg [dreg:$0x15]  }
0x3d: {  	[hbm:s19], [sflag:s7] =	dma.local [spmem:s20], $0xC80  }
0x3e: {  	s19 =	rddreg [dreg:$0xd]  }
0x3f: {  	s20 =	rddreg [dreg:$0x16]  }
0x40: {  	[hbm:s19], [sflag:s7] =	dma.local @!p1 [spmem:s20], $0xC80  }
0x41: {  	_ =	swait.ge [sflag:s9], $0xC80  }
0x42: {  	[sflag:s9] =	ssyncset.done $0x0  }
0x43: {  	[sflag:s9] =	ssyncadd.s32 $0xFFFFF380  }
0x44: {  	_ =	swait.ge [sflag:s9], $0xC80  }
0x45: {  	[sflag:s9] =	ssyncset.done $0x0  }
0x46: {  	[sflag:s9] =	ssyncadd.s32 $0xFFFFF380  }
0x47: {  	_ =	swait.ge [sflag:s9], $0xC80  }
0x48: {  	[sflag:s9] =	ssyncset.done $0x0  }
0x49: {  	s7 =	simm.s32 @!p3 $0x1;
	[sflag:s9] =	ssyncadd.s32 $0xFFFFF380  }
0x4a: {  	_ =	swait.ge @!p3 [sflag:s7], $0xC80  }
0x4b: {  	s18 =	sadd.s32 $0x1, s18;
	s23 =	rddreg [dreg:$0x9]  }
0x4c: {  	p4 =	sne.s32 s18, s23  }
.Ltmp1:
0x4d: {  	_ = 	snop;
	(pc) =	sbr.rel @!p4 .LBB2_16-.Ltmp1, $3  }
0x4e: {  	_ =	sdelay $0x1  }
0x4f: {  	[sflag:s7] =	ssyncset.done @!p3 $0x0  }
0x50: {  	[sflag:s7] =	ssyncadd.s32 @!p3 $0xFFFFF380  }
.LBB2_1:
0x51: {  	s7 =	rddreg [dreg:$0x5]  }
0x52: {  	[tilespmem:s5], [sflag:$0x2] =	stream.linear.gather [hbm4b:s7+s5], $0x80, $0x38;
	[tilespmem:$0x1F280] =	vst v63  }
0x53: {  	s21 =	rddreg [dreg:$0x17];
	s19 =	simm.s32 $0x80  }
0x54: {  	[tilespmem:s19], [sflag:$0x3] =	stream.linear.gather [hbm4b:s21+s5], $0x80, $0x38;
	[tilespmem:$0x1F280] =	vst v63  }
0x55: {  	s22 =	rddreg [dreg:$0x6];
	s20 =	simm.s32 $0x100  }
0x56: {  	[tilespmem:s20], [sflag:$0x4] =	stream.linear.gather [hbm4b:s22+s5], $0x80, $0x38;
	[tilespmem:$0x1F280] =	vst v63  }
0x57: {  	s23 =	rddreg [dreg:$0x18];
	s21 =	simm.s32 $0x180  }
0x58: {  	[tilespmem:s21], [sflag:$0x5] =	stream.linear.gather [hbm4b:s23+s5], $0x80, $0x38;
	[tilespmem:$0x1F280] =	vst v63  }
0x59: {  	s22 =	rddreg [dreg:$0x19];
	s23 =	simm.s32 $0x200  }
0x5a: {  	[tilespmem:s23], [sflag:$0x6] =	stream.linear.gather [hbm4b:s22+s5], $0x80, $0x38;
	[tilespmem:$0x1F280] =	vst v63  }
0x5b: {  	s22 =	rddreg [dreg:$0x1a];
	s23 =	simm.s32 $0x280  }
0x5c: {  	[tilespmem:s23], [sflag:$0x7] =	stream.linear.gather [hbm4b:s22+s5], $0x80, $0x38;
	[tilespmem:$0x1F280] =	vst v63  }
0x5d: {  	s21 =	rddreg [dreg:$0x7];
	s22 =	simm.s32 $0x300  }
0x5e: {  	[tilespmem:s22], [sflag:$0x8] =	stream.linear.gather [hbm4b:s21+s5], $0x80, $0x38;
	[tilespmem:$0x1F280] =	vst v63  }
0x5f: {  	_ =	swait.ge [sflag:s26], $0x80  }
0x60: {  	[sflag:s26] =	ssyncset.done $0x0  }
0x61: {  	s23 =	simm.s32 $0x600;
	[sflag:s26] =	ssyncadd.s32 $0xFFFFFF80  }
0x62: {  	[tilespmem:s23], [sflag:$0xA] =	stream.indirect.gather [hbm4b:s1+s28], $0x80, s5, s28, $0xb8;
	[tilespmem:$0x1F280] =	vst v63  }
0x63: {  	s22 =	simm.s32 $0x400;
	s21 =	rddreg [dreg:$0x8]  }
0x64: {  	[tilespmem:s22], [sflag:$0xE] =	stream.linear.gather [hbm4b:s21+s5], $0x80, $0x38;
	[tilespmem:$0x1F280] =	vst v63  }
0x65: {  	_ =	swait.ge [sflag:s29], $0x80  }
0x66: {  	[sflag:s29] =	ssyncset.done $0x0  }
0x67: {  	s23 =	simm.s32 $0x2E00;
	[sflag:s29] =	ssyncadd.s32 $0xFFFFFF80  }
0x68: {  	[tilespmem:s23], [sflag:$0xB] =	stream.indirect.gather [hbm4b:s1+s28], $0x80, s19, s28, $0xb8;
	[tilespmem:$0x1F280] =	vst v63  }
0x69: {  	s22 =	simm.s32 $0x480;
	s21 =	rddreg [dreg:$0x1b]  }
0x6a: {  	[tilespmem:s22], [sflag:$0xF] =	stream.linear.gather [hbm4b:s21+s5], $0x80, $0x38;
	[tilespmem:$0x1F280] =	vst v63  }
0x6b: {  	_ =	swait.ge [sflag:s30], $0x80  }
0x6c: {  	[sflag:s30] =	ssyncset.done $0x0  }
0x6d: {  	[sflag:s30] =	ssyncadd.s32 $0xFFFFFF80  }
0x6e: {  	[tilespmem:s31], [sflag:$0xC] =	stream.indirect.gather [hbm4b:s1+s28], $0x80, s20, s28, $0xb8;
	[tilespmem:$0x1F280] =	vst v63  }
0x6f: {  	s21 =	simm.s32 $0x200;
	s23 =	rddreg [dreg:$0x1c];
	s20 =	simm.s32 $0x0  }
0x70: {  	[tilespmem:s0], [sflag:$0x10] =	stream.linear.gather [hbm4b:s23+s5], $0x80, $0x38;
	[tilespmem:$0x1F280] =	vst v63  }
.LBB2_2:
0x71: {  	p4 =	sne.s32 s21, $0x4E00;
	[tilespmem:s20+$0xA670] =	vst v0  }
0x72: {  	[tilespmem:s20+$0xA600] =	vst v0  }
0x73: {  	[tilespmem:s20+$0xA610] =	vst v0  }
.Ltmp2:
0x74: {  	[tilespmem:s20+$0xA620] =	vst v0;
	(pc) =	sbr.rel @p4 .LBB2_2-.Ltmp2, $4  }
0x75: {  	[tilespmem:s20+$0xA630] =	vst v0  }
0x76: {  	[tilespmem:s20+$0xA640] =	vst v0  }
0x77: {  	[tilespmem:s20+$0xA650] =	vst v0  }
0x78: {  	[tilespmem:s20+$0xA660] =	vst v0;
	s20 =	sshra.s32 s21, $0x2;
	s21 =	sadd.s32 $0x200, s21  }
0x79: {  	[tilespmem:s20+$0xA670] =	vst v0  }
0x7a: {  	[tilespmem:s20+$0xA600] =	vst v0  }
0x7b: {  	[tilespmem:s20+$0xA610] =	vst v0  }
0x7c: {  	[tilespmem:s20+$0xA620] =	vst v0  }
0x7d: {  	[tilespmem:s20+$0xA630] =	vst v0  }
0x7e: {  	[tilespmem:s20+$0xA640] =	vst v0  }
0x7f: {  	[tilespmem:s20+$0xA650] =	vst v0;
	s7 =	rddreg [dreg:$0xe]  }
0x80: {  	[tilespmem:s20+$0xA660] =	vst v0;
	s20 =	rddreg [dreg:$0xf]  }
0x81: {  	[spmem:s7] =	stream.linear.scatter [tilespmem:s4], [sflag:$0x1], $0x1400, $0x38;
	[tilespmem:$0x1F280] =	vst v63  }
0x82: {  	s21 =	rddreg [dreg:$0x10]  }
0x83: {  	[spmem:s20] =	stream.linear.scatter [tilespmem:s4], [sflag:$0x1], $0x1400, $0x38;
	[tilespmem:$0x1F280] =	vst v63  }
0x84: {  	s22 =	rddreg [dreg:$0x11]  }
0x85: {  	[spmem:s21] =	stream.linear.scatter [tilespmem:s4], [sflag:$0x1], $0x1400, $0x38;
	[tilespmem:$0x1F280] =	vst v63  }
0x86: {  	s23 =	rddreg [dreg:$0x1d]  }
0x87: {  	[spmem:s22] =	stream.linear.scatter [tilespmem:s4], [sflag:$0x1], $0x1400, $0x38;
	[tilespmem:$0x1F280] =	vst v63  }
0x88: {  	s19 =	rddreg [dreg:$0x1e]  }
0x89: {  	[spmem:s23] =	stream.linear.scatter [tilespmem:s4], [sflag:$0x1], $0x1400, $0x38;
	[tilespmem:$0x1F280] =	vst v63  }
0x8a: {  	s20 =	rddreg [dreg:$0x1f]  }
0x8b: {  	[spmem:s19] =	stream.linear.scatter [tilespmem:s4], [sflag:$0x1], $0x1400, $0x38;
	[tilespmem:$0x1F280] =	vst v63  }
0x8c: {  	s21 =	sld [smem:$0x7F6]  }
0x8d: {  	[spmem:s20] =	stream.linear.scatter [tilespmem:s4], [sflag:$0x1], $0x1400, $0x38;
	[tilespmem:$0x1F280] =	vst v63  }
0x8e: {  	s22 =	sld [smem:$0x7F7]  }
0x8f: {  	[spmem:s21] =	stream.linear.scatter [tilespmem:s4], [sflag:$0x1], $0x1400, $0x38;
	[tilespmem:$0x1F280] =	vst v63  }
0x90: {  	s23 =	sld [smem:$0x7F8]  }
0x91: {  	[spmem:s22] =	stream.linear.scatter [tilespmem:s4], [sflag:$0x1], $0x1400, $0x38;
	[tilespmem:$0x1F280] =	vst v63  }
0x92: {  	s19 =	sld [smem:$0x7F9]  }
0x93: {  	[spmem:s23] =	stream.linear.scatter [tilespmem:s4], [sflag:$0x1], $0x1400, $0x38;
	[tilespmem:$0x1F280] =	vst v63  }
0x94: {  	s20 =	sld [smem:$0x7FA]  }
0x95: {  	[spmem:s19] =	stream.linear.scatter [tilespmem:s4], [sflag:$0x1], $0x1400, $0x38;
	[tilespmem:$0x1F280] =	vst v63  }
0x96: {  	s21 =	sld [smem:$0x7FB]  }
0x97: {  	[spmem:s20] =	stream.linear.scatter [tilespmem:s4], [sflag:$0x1], $0x1400, $0x38;
	[tilespmem:$0x1F280] =	vst v63  }
0x98: {  	s22 =	sld [smem:$0x7FC]  }
0x99: {  	[spmem:s21] =	stream.linear.scatter [tilespmem:s4], [sflag:$0x1], $0x1400, $0x38;
	[tilespmem:$0x1F280] =	vst v63  }
0x9a: {  	s23 =	sld [smem:$0x7FD]  }
0x9b: {  	[spmem:s22] =	stream.linear.scatter [tilespmem:s4], [sflag:$0x1], $0x1400, $0x38;
	[tilespmem:$0x1F280] =	vst v63  }
0x9c: {  	_ = 	snop  }
0x9d: {  	[spmem:s23] =	stream.linear.scatter [tilespmem:s4], [sflag:$0x1], $0x1400, $0x38;
	[tilespmem:$0x1F280] =	vst v63  }
0x9e: {  	s7 =	rddreg [dreg:$0x12];
	s20 =	simm.s32 @!p0 $0xA600  }
0x9f: {  	[spmem:s7] =	stream.linear.scatter @!p0 [tilespmem:s20], [sflag:$0x1], $0x1400, $0x38;
	[tilespmem:$0x1F280] =	vst v63  }
0xa0: {  	_ =	swait.ge [sflag:s9], $0x1400  }
0xa1: {  	[sflag:s9] =	ssyncset.done $0x0  }
0xa2: {  	[sflag:s9] =	ssyncadd.s32 $0xFFFFEC00  }
0xa3: {  	_ =	swait.ge [sflag:s9], $0x1400  }
0xa4: {  	[sflag:s9] =	ssyncset.done $0x0  }
0xa5: {  	[sflag:s9] =	ssyncadd.s32 $0xFFFFEC00  }
0xa6: {  	_ =	swait.ge [sflag:s9], $0x1400  }
0xa7: {  	[sflag:s9] =	ssyncset.done $0x0  }
0xa8: {  	[sflag:s9] =	ssyncadd.s32 $0xFFFFEC00  }
0xa9: {  	_ =	swait.ge [sflag:s9], $0x1400  }
0xaa: {  	[sflag:s9] =	ssyncset.done $0x0  }
0xab: {  	[sflag:s9] =	ssyncadd.s32 $0xFFFFEC00  }
0xac: {  	_ =	swait.ge [sflag:s9], $0x1400  }
0xad: {  	[sflag:s9] =	ssyncset.done $0x0  }
0xae: {  	[sflag:s9] =	ssyncadd.s32 $0xFFFFEC00  }
0xaf: {  	_ =	swait.ge [sflag:s9], $0x1400  }
0xb0: {  	[sflag:s9] =	ssyncset.done $0x0  }
0xb1: {  	[sflag:s9] =	ssyncadd.s32 $0xFFFFEC00  }
0xb2: {  	_ =	swait.ge [sflag:s9], $0x1400  }
0xb3: {  	[sflag:s9] =	ssyncset.done $0x0  }
0xb4: {  	[sflag:s9] =	ssyncadd.s32 $0xFFFFEC00  }
0xb5: {  	_ =	swait.ge [sflag:s9], $0x1400  }
0xb6: {  	[sflag:s9] =	ssyncset.done $0x0  }
0xb7: {  	[sflag:s9] =	ssyncadd.s32 $0xFFFFEC00  }
0xb8: {  	_ =	swait.ge [sflag:s9], $0x1400  }
0xb9: {  	[sflag:s9] =	ssyncset.done $0x0  }
0xba: {  	[sflag:s9] =	ssyncadd.s32 $0xFFFFEC00  }
0xbb: {  	_ =	swait.ge [sflag:s9], $0x1400  }
0xbc: {  	[sflag:s9] =	ssyncset.done $0x0  }
0xbd: {  	[sflag:s9] =	ssyncadd.s32 $0xFFFFEC00  }
0xbe: {  	_ =	swait.ge [sflag:s9], $0x1400  }
0xbf: {  	[sflag:s9] =	ssyncset.done $0x0  }
0xc0: {  	[sflag:s9] =	ssyncadd.s32 $0xFFFFEC00  }
0xc1: {  	_ =	swait.ge [sflag:s9], $0x1400  }
0xc2: {  	[sflag:s9] =	ssyncset.done $0x0  }
0xc3: {  	[sflag:s9] =	ssyncadd.s32 $0xFFFFEC00  }
0xc4: {  	_ =	swait.ge [sflag:s9], $0x1400  }
0xc5: {  	[sflag:s9] =	ssyncset.done $0x0  }
0xc6: {  	[sflag:s9] =	ssyncadd.s32 $0xFFFFEC00  }
0xc7: {  	_ =	swait.ge [sflag:s9], $0x1400  }
0xc8: {  	[sflag:s9] =	ssyncset.done $0x0  }
0xc9: {  	[sflag:s9] =	ssyncadd.s32 $0xFFFFEC00  }
0xca: {  	_ =	swait.ge [sflag:s9], $0x1400  }
0xcb: {  	[sflag:s9] =	ssyncset.done $0x0  }
0xcc: {  	s20 =	simm.s32 @!p2 $0x1;
	[sflag:s9] =	ssyncadd.s32 $0xFFFFEC00  }
.Ltmp3:
0xcd: {  	_ =	swait.ge @!p2 [sflag:s20], $0x1400;
	(pc) =	sbr.rel .LBB2_4-.Ltmp3, $4  }
0xce: {  	[sflag:s20] =	ssyncset.done @!p2 $0x0  }
0xcf: {  	[sflag:s20] =	ssyncadd.s32 @!p2 $0xFFFFEC00  }
0xd0: {  	[bflag:$0x0] =	sbarrier.arrive $0xFFFF  }
0xd1: {  	s21 =	simm.s32 $0x380;
	s20 =	simm.s32 $0x0  }
.LBB2_6:
0xd2: {  	p4 =	seq.s32 s22, $0x0  }
0xd3: {  	s22 =	simm.s32 @p4 $0xA  }
0xd4: {  	p5 =	sgt.u32 @p4 s20, $0x79;
	_ =	swait.ge @p4 [sflag:s22], $0x2800  }
0xd5: {  	p6 =	por p5, !p4;
	[sflag:s22] =	ssyncset.done @p4 $0x0  }
0xd6: {  	[sflag:s22] =	ssyncadd.s32 @p4 $0xFFFFD800;
	s22 =	simm.s32 @!p6 $0x5  }
0xd7: {  	_ =	swait.ge @!p6 [sflag:s22], $0x80  }
0xd8: {  	s23 =	simm.s32 @!p6 $0x180;
	[sflag:s22] =	ssyncset.done @!p6 $0x0  }
0xd9: {  	s7 =	simm.s32 @!p6 $0x7E00;
	[sflag:s22] =	ssyncadd.s32 @!p6 $0xFFFFFF80;
	s22 =	simm.s32 @!p6 $0x50  }
0xda: {  	[tilespmem:s7], [sflag:$0xD] =	stream.indirect.gather @!p6 [hbm4b:s1+s22], $0x80, s23, s22, $0xb8;
	[tilespmem:$0x1F280] =	vst v63  }
0xdb: {  	s7 =	sadd.s32 @!p6 $0xFFFFFE00, s21  }
0xdc: {  	s22 =	sand.u32 @!p6 $0x7C00, s7  }
0xdd: {  	s7 =	sand.u32 @!p6 $0x380, s7;
	s22 =	sadd.s32 @!p6 s11, s22  }
0xde: {  	s7 =	sor.u32 @!p6 s7, s22  }
0xdf: {  	s7 =	sshrl.u32 @!p6 s7, $0x3  }
0xe0: {  	s23 =	simm.s32 @!p6 $0x580;
	s22 =	simm.s32 @!p6 $0x0;
	s7 =	sadd.s32 @!p6 s2, s7  }
0xe1: {  	[tilespmem:s23], [sflag:$0x11] =	stream.linear.gather @!p6 [hbm4b:s7+s22], $0x80, $0x38;
	[tilespmem:$0x1F280] =	vst v63  }
0xe2: {  	p6 =	sgt.u32 @!p6 s20, $0x75  }
0xe3: {  	p5 =	por @p4 p6, p5  }
0xe4: {  	p5 =	por p5, !p4  }
0xe5: {  	s7 =	sand.u32 @!p5 $0x7C00, s21  }
0xe6: {  	s22 =	sand.u32 @!p5 $0x380, s21;
	s7 =	sadd.s32 @!p5 s6, s7  }
0xe7: {  	s7 =	sor.u32 @!p5 s22, s7  }
0xe8: {  	s7 =	sshrl.u32 @!p5 s7, $0x3  }
0xe9: {  	s23 =	simm.s32 @!p5 $0x380;
	s22 =	simm.s32 @!p5 $0x0;
	s7 =	sadd.s32 @!p5 s2, s7  }
0xea: {  	[tilespmem:s23], [sflag:$0x9] =	stream.linear.gather @!p5 [hbm4b:s7+s22], $0x80, $0x38;
	[tilespmem:$0x1F280] =	vst v63  }
0xeb: {  	s7 =	simm.s32 @p4 $0xE  }
0xec: {  	_ =	swait.ge @p4 [sflag:s7], $0x80  }
0xed: {  	s22 =	simm.s32 @p4 $0x400;
	[sflag:s7] =	ssyncset.done @p4 $0x0  }
0xee: {  	s23 =	simm.s32 @p4 $0x600;
	[sflag:s7] =	ssyncadd.s32 @p4 $0xFFFFFF80;
	s7 =	simm.s32 @p4 $0x50  }
0xef: {  	[spmem:s3] =	stream.indirect.scatter.add.f32 @p4 [tilespmem:s23], [sflag:$0x13], $0x80, s22, s7, $0xb8;
	[tilespmem:$0x1F280] =	vst v63  }
0xf0: {  	s7 =	simm.s32 @!p4 $0xB  }
0xf1: {  	p5 =	sgt.u32 @!p4 s20, $0x79;
	_ =	swait.ge @!p4 [sflag:s7], $0x2800  }
0xf2: {  	p6 =	por p5, p4;
	[sflag:s7] =	ssyncset.done @!p4 $0x0  }
0xf3: {  	[sflag:s7] =	ssyncadd.s32 @!p4 $0xFFFFD800;
	s7 =	simm.s32 @!p6 $0x6  }
0xf4: {  	_ =	swait.ge @!p6 [sflag:s7], $0x80  }
0xf5: {  	s22 =	simm.s32 @!p6 $0x200;
	[sflag:s7] =	ssyncset.done @!p6 $0x0  }
0xf6: {  	s23 =	simm.s32 @!p6 $0x600;
	[sflag:s7] =	ssyncadd.s32 @!p6 $0xFFFFFF80;
	s7 =	simm.s32 @!p6 $0x50  }
0xf7: {  	[tilespmem:s23], [sflag:$0xA] =	stream.indirect.gather @!p6 [hbm4b:s1+s7], $0x80, s22, s7, $0xb8;
	[tilespmem:$0x1F280] =	vst v63  }
0xf8: {  	s7 =	sadd.s32 @!p6 $0xFFFFFE00, s21  }
0xf9: {  	s22 =	sand.u32 @!p6 $0x7C00, s7  }
0xfa: {  	s7 =	sand.u32 @!p6 $0x380, s7;
	s22 =	sadd.s32 @!p6 s11, s22  }
0xfb: {  	s7 =	sor.u32 @!p6 s7, s22  }
0xfc: {  	s7 =	sshrl.u32 @!p6 s7, $0x3  }
0xfd: {  	s23 =	simm.s32 @!p6 $0x400;
	s22 =	simm.s32 @!p6 $0x0;
	s7 =	sadd.s32 @!p6 s2, s7  }
0xfe: {  	[tilespmem:s23], [sflag:$0xE] =	stream.linear.gather @!p6 [hbm4b:s7+s22], $0x80, $0x38;
	[tilespmem:$0x1F280] =	vst v63  }
0xff: {  	p6 =	sgt.u32 @!p6 s20, $0x75  }
0x100: {  	p5 =	por @!p4 p6, p5  }
0x101: {  	p5 =	por p5, p4  }
0x102: {  	s7 =	sand.u32 @!p5 $0x7C00, s21  }
0x103: {  	s22 =	sand.u32 @!p5 $0x380, s21;
	s7 =	sadd.s32 @!p5 s6, s7  }
0x104: {  	s7 =	sor.u32 @!p5 s22, s7  }
0x105: {  	s7 =	sshrl.u32 @!p5 s7, $0x3  }
0x106: {  	s22 =	simm.s32 @!p5 $0x0;
	s7 =	sadd.s32 @!p5 s2, s7  }
0x107: {  	[tilespmem:s22], [sflag:$0x2] =	stream.linear.gather @!p5 [hbm4b:s7+s22], $0x80, $0x38;
	[tilespmem:$0x1F280] =	vst v63  }
0x108: {  	s7 =	simm.s32 @!p4 $0xF  }
0x109: {  	_ =	swait.ge @!p4 [sflag:s7], $0x80  }
0x10a: {  	s23 =	simm.s32 @!p4 $0x2E00;
	[sflag:s7] =	ssyncset.done @!p4 $0x0  }
0x10b: {  	s22 =	simm.s32 @!p4 $0x480;
	[sflag:s7] =	ssyncadd.s32 @!p4 $0xFFFFFF80;
	s7 =	simm.s32 @!p4 $0x50  }
0x10c: {  	[spmem:s3] =	stream.indirect.scatter.add.f32 @!p4 [tilespmem:s23], [sflag:$0x13], $0x80, s22, s7, $0xb8;
	[tilespmem:$0x1F280] =	vst v63  }
.LBB2_12:
0x10d: {  	_ =	swait.ge [sflag:s12], $0x2800  }
0x10e: {  	[sflag:s12] =	ssyncset.done $0x0  }
0x10f: {  	[sflag:s12] =	ssyncadd.s32 $0xFFFFD800  }
.LBB2_14:
0x110: {  	s20 =	sadd.s32 $0x1, s20  }
0x111: {  	p4 =	sne.s32 s20, $0x7D  }
.Ltmp4:
0x112: {  	_ = 	snop;
	(pc) =	sbr.rel @!p4 .LBB2_15-.Ltmp4, $2  }
0x113: {  	_ =	sdelay $0x2  }
0x114: {  	s21 =	sadd.s32 $0x80, s21  }
.LBB2_4:
0x115: {  	s22 =	sand.u32 $0x7, s20  }
0x116: {  	p4 =	sgt.s32 s22, $0x3  }
.Ltmp5:
0x117: {  	_ = 	snop;
	(pc) =	sbr.rel @p4 .LBB2_8-.Ltmp5, $1  }
0x118: {  	_ =	sdelay $0x3  }
0x119: {  	p4 =	sgt.s32 s22, $0x1  }
.Ltmp6:
0x11a: {  	_ = 	snop;
	(pc) =	sbr.rel @!p4 .LBB2_6-.Ltmp6, $1  }
0x11b: {  	_ =	sdelay $0x3  }
0x11c: {  	p4 =	seq.s32 s22, $0x2  }
0x11d: {  	s7 =	simm.s32 @p4 $0xC  }
0x11e: {  	p5 =	sgt.u32 @p4 s20, $0x79;
	_ =	swait.ge @p4 [sflag:s7], $0x2800  }
0x11f: {  	p6 =	por p5, !p4;
	[sflag:s7] =	ssyncset.done @p4 $0x0  }
0x120: {  	[sflag:s7] =	ssyncadd.s32 @p4 $0xFFFFD800;
	s7 =	simm.s32 @!p6 $0x7  }
0x121: {  	_ =	swait.ge @!p6 [sflag:s7], $0x80  }
0x122: {  	s22 =	simm.s32 @!p6 $0x280;
	[sflag:s7] =	ssyncset.done @!p6 $0x0  }
0x123: {  	s23 =	simm.s32 @!p6 $0x2E00;
	[sflag:s7] =	ssyncadd.s32 @!p6 $0xFFFFFF80;
	s7 =	simm.s32 @!p6 $0x50  }
0x124: {  	[tilespmem:s23], [sflag:$0xB] =	stream.indirect.gather @!p6 [hbm4b:s1+s7], $0x80, s22, s7, $0xb8;
	[tilespmem:$0x1F280] =	vst v63  }
0x125: {  	s7 =	sadd.s32 @!p6 $0xFFFFFE00, s21  }
0x126: {  	s22 =	sand.u32 @!p6 $0x7C00, s7  }
0x127: {  	s7 =	sand.u32 @!p6 $0x380, s7;
	s22 =	sadd.s32 @!p6 s11, s22  }
0x128: {  	s7 =	sor.u32 @!p6 s7, s22  }
0x129: {  	s7 =	sshrl.u32 @!p6 s7, $0x3  }
0x12a: {  	s23 =	simm.s32 @!p6 $0x480;
	s22 =	simm.s32 @!p6 $0x0;
	s7 =	sadd.s32 @!p6 s2, s7  }
0x12b: {  	[tilespmem:s23], [sflag:$0xF] =	stream.linear.gather @!p6 [hbm4b:s7+s22], $0x80, $0x38;
	[tilespmem:$0x1F280] =	vst v63  }
0x12c: {  	p6 =	sgt.u32 @!p6 s20, $0x75  }
0x12d: {  	p5 =	por @p4 p6, p5  }
0x12e: {  	p5 =	por p5, !p4  }
0x12f: {  	s7 =	sand.u32 @!p5 $0x7C00, s21  }
0x130: {  	s22 =	sand.u32 @!p5 $0x380, s21;
	s7 =	sadd.s32 @!p5 s6, s7  }
0x131: {  	s7 =	sor.u32 @!p5 s22, s7  }
0x132: {  	s7 =	sshrl.u32 @!p5 s7, $0x3  }
0x133: {  	s23 =	simm.s32 @!p5 $0x80;
	s22 =	simm.s32 @!p5 $0x0;
	s7 =	sadd.s32 @!p5 s2, s7  }
0x134: {  	[tilespmem:s23], [sflag:$0x3] =	stream.linear.gather @!p5 [hbm4b:s7+s22], $0x80, $0x38;
	[tilespmem:$0x1F280] =	vst v63  }
0x135: {  	s7 =	simm.s32 @p4 $0x10  }
0x136: {  	_ =	swait.ge @p4 [sflag:s7], $0x80  }
0x137: {  	s22 =	simm.s32 @p4 $0x500;
	[sflag:s7] =	ssyncset.done @p4 $0x0  }
0x138: {  	s23 =	simm.s32 @p4 $0x5600;
	[sflag:s7] =	ssyncadd.s32 @p4 $0xFFFFFF80;
	s7 =	simm.s32 @p4 $0x50  }
0x139: {  	[spmem:s3] =	stream.indirect.scatter.add.f32 @p4 [tilespmem:s23], [sflag:$0x13], $0x80, s22, s7, $0xb8;
	[tilespmem:$0x1F280] =	vst v63  }
0x13a: {  	s7 =	simm.s32 @!p4 $0xD  }
0x13b: {  	p5 =	sgt.u32 @!p4 s20, $0x79;
	_ =	swait.ge @!p4 [sflag:s7], $0x2800  }
0x13c: {  	p6 =	por p5, p4;
	[sflag:s7] =	ssyncset.done @!p4 $0x0  }
0x13d: {  	[sflag:s7] =	ssyncadd.s32 @!p4 $0xFFFFD800;
	s7 =	simm.s32 @!p6 $0x8  }
0x13e: {  	_ =	swait.ge @!p6 [sflag:s7], $0x80  }
0x13f: {  	s22 =	simm.s32 @!p6 $0x300;
	[sflag:s7] =	ssyncset.done @!p6 $0x0  }
0x140: {  	s23 =	simm.s32 @!p6 $0x5600;
	[sflag:s7] =	ssyncadd.s32 @!p6 $0xFFFFFF80;
	s7 =	simm.s32 @!p6 $0x50  }
0x141: {  	[tilespmem:s23], [sflag:$0xC] =	stream.indirect.gather @!p6 [hbm4b:s1+s7], $0x80, s22, s7, $0xb8;
	[tilespmem:$0x1F280] =	vst v63  }
0x142: {  	s7 =	sadd.s32 @!p6 $0xFFFFFE00, s21  }
0x143: {  	s22 =	sand.u32 @!p6 $0x7C00, s7  }
0x144: {  	s7 =	sand.u32 @!p6 $0x380, s7;
	s22 =	sadd.s32 @!p6 s11, s22  }
0x145: {  	s7 =	sor.u32 @!p6 s7, s22  }
0x146: {  	s7 =	sshrl.u32 @!p6 s7, $0x3  }
0x147: {  	s23 =	simm.s32 @!p6 $0x500;
	s22 =	simm.s32 @!p6 $0x0;
	s7 =	sadd.s32 @!p6 s2, s7  }
0x148: {  	[tilespmem:s23], [sflag:$0x10] =	stream.linear.gather @!p6 [hbm4b:s7+s22], $0x80, $0x38;
	[tilespmem:$0x1F280] =	vst v63  }
0x149: {  	p6 =	sgt.u32 @!p6 s20, $0x75  }
0x14a: {  	p5 =	por @!p4 p6, p5  }
0x14b: {  	p5 =	por p5, p4  }
0x14c: {  	s7 =	sand.u32 @!p5 $0x7C00, s21  }
0x14d: {  	s22 =	sand.u32 @!p5 $0x380, s21;
	s7 =	sadd.s32 @!p5 s6, s7  }
0x14e: {  	s7 =	sor.u32 @!p5 s22, s7  }
0x14f: {  	s7 =	sshrl.u32 @!p5 s7, $0x3  }
0x150: {  	s23 =	simm.s32 @!p5 $0x100;
	s22 =	simm.s32 @!p5 $0x0;
	s7 =	sadd.s32 @!p5 s2, s7  }
0x151: {  	[tilespmem:s23], [sflag:$0x4] =	stream.linear.gather @!p5 [hbm4b:s7+s22], $0x80, $0x38;
	[tilespmem:$0x1F280] =	vst v63  }
.Ltmp7:
0x152: {  	s7 =	simm.s32 @!p4 $0x11;
	(pc) =	sbr.rel .LBB2_12-.Ltmp7, $4  }
0x153: {  	_ =	swait.ge @!p4 [sflag:s7], $0x80  }
0x154: {  	s22 =	simm.s32 @!p4 $0x580;
	[sflag:s7] =	ssyncset.done @!p4 $0x0  }
0x155: {  	s23 =	simm.s32 @!p4 $0x7E00;
	[sflag:s7] =	ssyncadd.s32 @!p4 $0xFFFFFF80;
	s7 =	simm.s32 @!p4 $0x50  }
0x156: {  	[spmem:s3] =	stream.indirect.scatter.add.f32 @!p4 [tilespmem:s23], [sflag:$0x13], $0x80, s22, s7, $0xb8;
	[tilespmem:$0x1F280] =	vst v63  }
.LBB2_8:
0x157: {  	p4 =	sgt.s32 s22, $0x5  }
.Ltmp8:
0x158: {  	_ = 	snop;
	(pc) =	sbr.rel @p4 .LBB2_10-.Ltmp8, $1  }
0x159: {  	_ =	sdelay $0x3  }
0x15a: {  	p4 =	seq.s32 s22, $0x4  }
0x15b: {  	s7 =	simm.s32 @p4 $0xA  }
0x15c: {  	p5 =	sgt.u32 @p4 s20, $0x79;
	_ =	swait.ge @p4 [sflag:s7], $0x2800  }
0x15d: {  	p6 =	por p5, !p4;
	[sflag:s7] =	ssyncset.done @p4 $0x0  }
0x15e: {  	[sflag:s7] =	ssyncadd.s32 @p4 $0xFFFFD800;
	s7 =	simm.s32 @!p6 $0x9  }
0x15f: {  	_ =	swait.ge @!p6 [sflag:s7], $0x80  }
0x160: {  	s22 =	simm.s32 @!p6 $0x380;
	[sflag:s7] =	ssyncset.done @!p6 $0x0  }
0x161: {  	s23 =	simm.s32 @!p6 $0x7E00;
	[sflag:s7] =	ssyncadd.s32 @!p6 $0xFFFFFF80;
	s7 =	simm.s32 @!p6 $0x50  }
0x162: {  	[tilespmem:s23], [sflag:$0xD] =	stream.indirect.gather @!p6 [hbm4b:s1+s7], $0x80, s22, s7, $0xb8;
	[tilespmem:$0x1F280] =	vst v63  }
0x163: {  	s7 =	sadd.s32 @!p6 $0xFFFFFE00, s21  }
0x164: {  	s22 =	sand.u32 @!p6 $0x7C00, s7  }
0x165: {  	s7 =	sand.u32 @!p6 $0x380, s7;
	s22 =	sadd.s32 @!p6 s11, s22  }
0x166: {  	s7 =	sor.u32 @!p6 s7, s22  }
0x167: {  	s7 =	sshrl.u32 @!p6 s7, $0x3  }
0x168: {  	s23 =	simm.s32 @!p6 $0x580;
	s22 =	simm.s32 @!p6 $0x0;
	s7 =	sadd.s32 @!p6 s2, s7  }
0x169: {  	[tilespmem:s23], [sflag:$0x11] =	stream.linear.gather @!p6 [hbm4b:s7+s22], $0x80, $0x38;
	[tilespmem:$0x1F280] =	vst v63  }
0x16a: {  	p6 =	sgt.u32 @!p6 s20, $0x75  }
0x16b: {  	p5 =	por @p4 p6, p5  }
0x16c: {  	p5 =	por p5, !p4  }
0x16d: {  	s7 =	sand.u32 @!p5 $0x7C00, s21  }
0x16e: {  	s22 =	sand.u32 @!p5 $0x380, s21;
	s7 =	sadd.s32 @!p5 s6, s7  }
0x16f: {  	s7 =	sor.u32 @!p5 s22, s7  }
0x170: {  	s7 =	sshrl.u32 @!p5 s7, $0x3  }
0x171: {  	s23 =	simm.s32 @!p5 $0x180;
	s22 =	simm.s32 @!p5 $0x0;
	s7 =	sadd.s32 @!p5 s2, s7  }
0x172: {  	[tilespmem:s23], [sflag:$0x5] =	stream.linear.gather @!p5 [hbm4b:s7+s22], $0x80, $0x38;
	[tilespmem:$0x1F280] =	vst v63  }
0x173: {  	s7 =	simm.s32 @p4 $0xE  }
0x174: {  	_ =	swait.ge @p4 [sflag:s7], $0x80  }
0x175: {  	s22 =	simm.s32 @p4 $0x400;
	[sflag:s7] =	ssyncset.done @p4 $0x0  }
0x176: {  	s23 =	simm.s32 @p4 $0x600;
	[sflag:s7] =	ssyncadd.s32 @p4 $0xFFFFFF80;
	s7 =	simm.s32 @p4 $0x50  }
0x177: {  	[spmem:s3] =	stream.indirect.scatter.add.f32 @p4 [tilespmem:s23], [sflag:$0x13], $0x80, s22, s7, $0xb8;
	[tilespmem:$0x1F280] =	vst v63  }
0x178: {  	s7 =	simm.s32 @!p4 $0xB  }
0x179: {  	p5 =	sgt.u32 @!p4 s20, $0x79;
	_ =	swait.ge @!p4 [sflag:s7], $0x2800  }
0x17a: {  	p6 =	por p5, p4;
	[sflag:s7] =	ssyncset.done @!p4 $0x0  }
0x17b: {  	[sflag:s7] =	ssyncadd.s32 @!p4 $0xFFFFD800;
	s7 =	simm.s32 @!p6 $0x2  }
0x17c: {  	_ =	swait.ge @!p6 [sflag:s7], $0x80  }
0x17d: {  	s22 =	simm.s32 @!p6 $0x0;
	[sflag:s7] =	ssyncset.done @!p6 $0x0  }
0x17e: {  	s23 =	simm.s32 @!p6 $0x600;
	[sflag:s7] =	ssyncadd.s32 @!p6 $0xFFFFFF80;
	s7 =	simm.s32 @!p6 $0x50  }
0x17f: {  	[tilespmem:s23], [sflag:$0xA] =	stream.indirect.gather @!p6 [hbm4b:s1+s7], $0x80, s22, s7, $0xb8;
	[tilespmem:$0x1F280] =	vst v63  }
0x180: {  	s7 =	sadd.s32 @!p6 $0xFFFFFE00, s21  }
0x181: {  	s23 =	sand.u32 @!p6 $0x7C00, s7  }
0x182: {  	s7 =	sand.u32 @!p6 $0x380, s7;
	s23 =	sadd.s32 @!p6 s11, s23  }
0x183: {  	s7 =	sor.u32 @!p6 s7, s23  }
0x184: {  	s7 =	sshrl.u32 @!p6 s7, $0x3  }
0x185: {  	s23 =	simm.s32 @!p6 $0x400;
	s7 =	sadd.s32 @!p6 s2, s7  }
0x186: {  	[tilespmem:s23], [sflag:$0xE] =	stream.linear.gather @!p6 [hbm4b:s7+s22], $0x80, $0x38;
	[tilespmem:$0x1F280] =	vst v63  }
0x187: {  	p6 =	sgt.u32 @!p6 s20, $0x75  }
0x188: {  	p5 =	por @!p4 p6, p5  }
0x189: {  	p5 =	por p5, p4  }
0x18a: {  	s7 =	sand.u32 @!p5 $0x7C00, s21  }
0x18b: {  	s22 =	sand.u32 @!p5 $0x380, s21;
	s7 =	sadd.s32 @!p5 s6, s7  }
0x18c: {  	s7 =	sor.u32 @!p5 s22, s7  }
0x18d: {  	s7 =	sshrl.u32 @!p5 s7, $0x3  }
0x18e: {  	s23 =	simm.s32 @!p5 $0x200;
	s22 =	simm.s32 @!p5 $0x0;
	s7 =	sadd.s32 @!p5 s2, s7  }
0x18f: {  	[tilespmem:s23], [sflag:$0x6] =	stream.linear.gather @!p5 [hbm4b:s7+s22], $0x80, $0x38;
	[tilespmem:$0x1F280] =	vst v63  }
.Ltmp9:
0x190: {  	s7 =	simm.s32 @!p4 $0xF;
	(pc) =	sbr.rel .LBB2_12-.Ltmp9, $4  }
0x191: {  	_ =	swait.ge @!p4 [sflag:s7], $0x80  }
0x192: {  	s22 =	simm.s32 @!p4 $0x480;
	[sflag:s7] =	ssyncset.done @!p4 $0x0  }
0x193: {  	s23 =	simm.s32 @!p4 $0x2E00;
	[sflag:s7] =	ssyncadd.s32 @!p4 $0xFFFFFF80;
	s7 =	simm.s32 @!p4 $0x50  }
0x194: {  	[spmem:s3] =	stream.indirect.scatter.add.f32 @!p4 [tilespmem:s23], [sflag:$0x13], $0x80, s22, s7, $0xb8;
	[tilespmem:$0x1F280] =	vst v63  }
.LBB2_10:
0x195: {  	p6 =	seq.s32 s22, $0x6  }
.Ltmp10:
0x196: {  	_ = 	snop;
	(pc) =	sbr.rel @!p6 .LBB2_13-.Ltmp10, $3  }
0x197: {  	_ =	sdelay $0x1  }
0x198: {  	p4 =	sgt.u32 s20, $0x79  }
0x199: {  	s22 =	sadd.s32 @!p4 $0xFFFFFE00, s21;
	p5 =	sgt.u32 @!p4 s20, $0x75  }
0x19a: {  	_ =	swait.ge [sflag:s13], $0x2800  }
0x19b: {  	[sflag:s13] =	ssyncset.done $0x0  }
0x19c: {  	s7 =	simm.s32 @!p4 $0x3;
	[sflag:s13] =	ssyncadd.s32 $0xFFFFD800  }
0x19d: {  	_ =	swait.ge @!p4 [sflag:s7], $0x80  }
0x19e: {  	s23 =	simm.s32 @!p4 $0x80;
	[sflag:s7] =	ssyncset.done @!p4 $0x0  }
0x19f: {  	s19 =	simm.s32 @!p4 $0x2E00;
	[sflag:s7] =	ssyncadd.s32 @!p4 $0xFFFFFF80;
	s7 =	simm.s32 @!p4 $0x50  }
0x1a0: {  	[tilespmem:s19], [sflag:$0xB] =	stream.indirect.gather @!p4 [hbm4b:s1+s7], $0x80, s23, s7, $0xb8;
	[tilespmem:$0x1F280] =	vst v63  }
0x1a1: {  	s7 =	sand.u32 @!p4 $0x7C00, s22  }
0x1a2: {  	s19 =	sand.u32 @!p4 $0x380, s22;
	s7 =	sadd.s32 @!p4 s11, s7  }
0x1a3: {  	s7 =	sor.u32 @!p4 s19, s7  }
0x1a4: {  	s7 =	sshrl.u32 @!p4 s7, $0x3  }
0x1a5: {  	s22 =	simm.s32 @!p4 $0x480;
	s19 =	simm.s32 @!p4 $0x0;
	s7 =	sadd.s32 @!p4 s2, s7  }
0x1a6: {  	[tilespmem:s22], [sflag:$0xF] =	stream.linear.gather @!p4 [hbm4b:s7+s19], $0x80, $0x38;
	[tilespmem:$0x1F280] =	vst v63  }
0x1a7: {  	p4 =	por p5, p4  }
0x1a8: {  	s7 =	sand.u32 @!p4 $0x7C00, s21  }
0x1a9: {  	s19 =	sand.u32 @!p4 $0x380, s21;
	s7 =	sadd.s32 @!p4 s6, s7  }
0x1aa: {  	s7 =	sor.u32 @!p4 s19, s7  }
0x1ab: {  	s7 =	sshrl.u32 @!p4 s7, $0x3  }
0x1ac: {  	s22 =	simm.s32 @!p4 $0x280;
	s19 =	simm.s32 @!p4 $0x0;
	s7 =	sadd.s32 @!p4 s2, s7  }
0x1ad: {  	[tilespmem:s22], [sflag:$0x7] =	stream.linear.gather @!p4 [hbm4b:s7+s19], $0x80, $0x38;
	[tilespmem:$0x1F280] =	vst v63  }
.Ltmp11:
0x1ae: {  	_ = 	snop;
	(pc) =	sbr.rel .LBB2_12-.Ltmp11, $4  }
0x1af: {  	_ =	swait.ge [sflag:s14], $0x80  }
0x1b0: {  	[sflag:s14] =	ssyncset.done $0x0  }
0x1b1: {  	[sflag:s14] =	ssyncadd.s32 $0xFFFFFF80  }
0x1b2: {  	[spmem:s3] =	stream.indirect.scatter.add.f32 [tilespmem:s31], [sflag:$0x13], $0x80, s0, s28, $0xb8;
	[tilespmem:$0x1F280] =	vst v63  }
.LBB2_13:
0x1b3: {  	_ =	swait.ge [sflag:s24], $0x2800  }
0x1b4: {  	[sflag:s24] =	ssyncset.done $0x0  }
0x1b5: {  	s7 =	simm.s32 @!p4 $0x4;
	[sflag:s24] =	ssyncadd.s32 $0xFFFFD800  }
0x1b6: {  	_ =	swait.ge @!p4 [sflag:s7], $0x80  }
0x1b7: {  	s19 =	simm.s32 @!p4 $0x100;
	[sflag:s7] =	ssyncset.done @!p4 $0x0  }
0x1b8: {  	s23 =	simm.s32 @!p4 $0x5600;
	[sflag:s7] =	ssyncadd.s32 @!p4 $0xFFFFFF80;
	s7 =	simm.s32 @!p4 $0x50  }
0x1b9: {  	[tilespmem:s23], [sflag:$0xC] =	stream.indirect.gather @!p4 [hbm4b:s1+s7], $0x80, s19, s7, $0xb8;
	[tilespmem:$0x1F280] =	vst v63  }
0x1ba: {  	s7 =	sand.u32 @!p4 $0x7C00, s22  }
0x1bb: {  	s7 =	sadd.s32 @!p4 s11, s7  }
0x1bc: {  	s7 =	sshrl.u32 @!p4 s7, $0x3  }
0x1bd: {  	s19 =	simm.s32 @!p4 $0x0;
	s22 =	simm.s32 @!p4 $0x500;
	s7 =	sadd.s32 @!p4 s7, s8  }
0x1be: {  	[tilespmem:s22], [sflag:$0x10] =	stream.linear.gather @!p4 [hbm4b:s7+s19], $0x80, $0x38;
	[tilespmem:$0x1F280] =	vst v63  }
0x1bf: {  	p4 =	por p5, p4  }
0x1c0: {  	s7 =	sand.u32 @!p4 $0x7C00, s21  }
0x1c1: {  	s7 =	sadd.s32 @!p4 s6, s7  }
0x1c2: {  	s7 =	sshrl.u32 @!p4 s7, $0x3  }
0x1c3: {  	s19 =	simm.s32 @!p4 $0x0;
	s22 =	simm.s32 @!p4 $0x300;
	s7 =	sadd.s32 @!p4 s7, s10  }
0x1c4: {  	[tilespmem:s22], [sflag:$0x8] =	stream.linear.gather @!p4 [hbm4b:s7+s19], $0x80, $0x38;
	[tilespmem:$0x1F280] =	vst v63  }
0x1c5: {  	_ =	swait.ge [sflag:s15], $0x80  }
0x1c6: {  	[sflag:s15] =	ssyncset.done $0x0  }
.Ltmp12:
0x1c7: {  	[sflag:s15] =	ssyncadd.s32 $0xFFFFFF80;
	(pc) =	sbr.rel .LBB2_14-.Ltmp12, $4  }
0x1c8: {  	[spmem:s3] =	stream.indirect.scatter.add.f32 [tilespmem:s16], [sflag:$0x12], $0x80, s25, s28, $0xb8;
	[tilespmem:$0x1F280] =	vst v63  }
0x1c9: {  	_ =	swait.ge [sflag:s17], $0x2800  }
0x1ca: {  	[sflag:s17] =	ssyncset.done $0x0  }
0x1cb: {  	[sflag:s17] =	ssyncadd.s32 $0xFFFFD800  }
.LBB2_16:
0x1cc: {  	_ =	sfence.sel $0x180000  }
0x1cd: {  	[bflag:$0x0] =	sbarrier.arrive $0xFFFF  }
0x1ce: {  	_ =	strace $0x90000047  }
0x1cf: {  	s0 =	stileid.u32;
	[bflag:$0x2] =	sbarrier.arrive $0xFFFF  }
0x1d0: {  	p0 =	sne.s32 s0, $0x0;
	s0 =	rddreg [dreg:$0x4]  }
0x1d1: {  	s0 =	sadd.s32 @!p0 $0x100000, s0  }
0x1d2: {  	[sflag:s0] =	ssyncadd.tile.s32 @!p0 $0x1;
	_ =	shalt  }
.Lfunc_end2:
_tile_overlayer_lowered:
.L_overlay_start_2:
0x1d3: {  	(tag) =	ssettag $0x2  }
0x1d4: {  	s0 =	rddreg [dreg:$0x0];
	s2 =	stileid.u32  }
0x1d5: {  	s1 =	rddreg [dreg:$0x1];
	p0 =	sne.s32 s2, $0x0  }
0x1d6: {  	s3 =	rddreg [dreg:$0x2];
	[bflag:$0x3] =	sbarrier.arrive $0xFFFF;
	s2 =	simm.s32 @!p0 $0x1C12  }
0x1d7: {  	[timem:s3], [sflag:s2] =	dma.local @!p0 [hbm:s0], s1  }
0x1d8: {  	s0 =	simm.s32 @!p0 $0x12  }
0x1d9: {  	_ =	swait.ge @!p0 [sflag:s0], s1  }
0x1da: {  	s1 =	ssub.s32 @!p0 $0x0, s1;
	[sflag:s0] =	ssyncset.done @!p0 $0x0  }
0x1db: {  	[sflag:s0] =	ssyncadd.s32 @!p0 s1  }
0x1dc: {  	[bflag:$0x3] =	sbarrier.arrive $0xFFFF  }
0x1dd: {  	_ =	shalt  }

</sc_bundles>
